<compile_context>
chip_gen: v7x
topology: tpu7x:2x2x1
jax: 0.10.2.dev20260603
libtpu: 0.0.44.dev20260713+nightly
codegen_flags: <defaults>
</compile_context>

<pallas_src>
import functools

import jax
import jax.numpy as jnp
from jax import lax
from jax.experimental import pallas as pl
from jax.experimental.pallas import tpu as pltpu
from jax.experimental.pallas import tpu_sc as plsc

_NUM_ITEMS = 1_000_000
_STAGE = 65_536
_TABLE_HBM = _STAGE * 16
_ZERO_SLOT = _NUM_ITEMS - 1
_NC, _NS = 2, 16
_NW = _NC * _NS
_BATCH, _HIST = 16384, 200
_B_TOTAL = _BATCH * _HIST
_PER_W = _B_TOTAL // _NW
_CHUNK = 12_800
_HALF = _CHUNK // 2
_N_CHUNKS = _PER_W // _CHUNK


def _remap_chunk(idx_ref):
    @plsc.parallel_loop(0, _CHUNK, step=16, unroll=8)
    def _r(off):
        iv = idx_ref[pl.ds(off, 16)]
        idx_ref[pl.ds(off, 16)] = jnp.where(
            iv == 0, jnp.int32(_ZERO_SLOT), iv - 1)


def _sigmoid_chunk(val_ref):
    @plsc.parallel_loop(0, _CHUNK, step=16, unroll=8)
    def _s(off):
        v = val_ref[pl.ds(off, 16)]
        val_ref[pl.ds(off, 16)] = 1.0 / (1.0 + jnp.exp(-v))


@functools.partial(
    pl.kernel,
    out_type=jax.ShapeDtypeStruct((_B_TOTAL,), jnp.float32),
    mesh=plsc.VectorSubcoreMesh(core_axis_name="c", subcore_axis_name="s"),
    scratch_types=[
        pltpu.VMEM((_CHUNK,), jnp.int32),
        pltpu.VMEM((_CHUNK,), jnp.int32),
        pltpu.VMEM((_CHUNK,), jnp.float32),
        pltpu.VMEM((_CHUNK,), jnp.float32),
        pltpu.VMEM_SHARED((_TABLE_HBM,), jnp.float32),
        pltpu.SemaphoreType.DMA,
        pltpu.SemaphoreType.DMA,
        pltpu.SemaphoreType.DMA,
    ],
)
def _gather_kernel(table_hbm, idx_hbm, out_hbm,
                   idx_v0, idx_v1, val_v0, val_v1, table_sp,
                   lsem, gsem, ssem):
    sid = lax.axis_index("s")
    wid = sid * _NC + lax.axis_index("c")
    base = wid * _PER_W

    soff = sid * _STAGE

    idx_bufs = [idx_v0, idx_v1]
    val_bufs = [val_v0, val_v1]
    loads = [None] * _N_CHUNKS
    loads[0] = pltpu.async_copy(idx_hbm.at[pl.ds(base, _CHUNK)], idx_v0, lsem)

    loads[0].wait()
    _remap_chunk(idx_v0)

    pltpu.sync_copy(table_hbm.at[pl.ds(soff, _STAGE)],
                    table_sp.at[pl.ds(soff, _STAGE)])

    plsc.subcore_barrier()

    stores = [None, None]
    gh = [None, None]
    for i in range(_N_CHUNKS):
        cur = i % 2
        oth = 1 - cur
        if stores[cur] is not None:
            stores[cur].wait()
        gh[cur] = pltpu.async_copy(table_sp.at[idx_bufs[cur]], val_bufs[cur],
                                   gsem)
        if i > 0:
            gh[oth].wait()
            _sigmoid_chunk(val_bufs[oth])
            stores[oth] = pltpu.async_copy(
                val_bufs[oth],
                out_hbm.at[pl.ds(base + (i - 1) * _CHUNK, _CHUNK)], ssem)
        if i + 1 < _N_CHUNKS:
            loads[i + 1] = pltpu.async_copy(
                idx_hbm.at[pl.ds(base + (i + 1) * _CHUNK, _CHUNK)],
                idx_bufs[oth], lsem)
            loads[i + 1].wait()
            _remap_chunk(idx_bufs[oth])
    last = (_N_CHUNKS - 1) % 2
    gh[last].wait()
    _sigmoid_chunk(val_bufs[last])
    stores[last] = pltpu.async_copy(
        val_bufs[last],
        out_hbm.at[pl.ds(base + (_N_CHUNKS - 1) * _CHUNK, _CHUNK)], ssem)
    for h in stores:
        if h is not None:
            h.wait()


def kernel(indices, item_rating_logits):
    idx = indices.astype(jnp.int32).reshape(-1)
    logits = item_rating_logits.astype(jnp.float32).reshape(-1)
    logits = jnp.pad(logits, (0, _TABLE_HBM - logits.shape[0]),
                     constant_values=-1e30)
    return _gather_kernel(logits, idx).reshape(_BATCH, _HIST)

# --- scband reference (transcript-rebuilt; emitter-appended) ---
"""Pipeline reference for scband-item-rating-541165879432 (READ-ONLY COPY).

The authoritative reference and input builder live on the scoring server;
editing this copy changes nothing except your own understanding.
"""

import jax, jax.numpy as jnp
import numpy as np

NUM_ITEMS = 1000000
BATCH = 16384
HIST = 200

def setup_inputs(seed: int = 0) -> dict:
    key = jax.random.key(seed)
    k1, k2 = jax.random.split(key)
    indices = jax.random.randint(k1, (BATCH, HIST), 0, NUM_ITEMS, dtype=jnp.int64)
    # item_rating_logits: shape (num_items - 1,), initializer normal(mean=-0.8, std=0.1)
    item_rating_logits = jax.random.normal(k2, (NUM_ITEMS - 1,), dtype=jnp.float32) * 0.1 - 0.8
    return {"indices": indices, "item_rating_logits": item_rating_logits}

def reference(indices, item_rating_logits):
    # item_ratings = concat([0.0], sigmoid(logits)) -> shape (num_items,)
    item_ratings = jnp.concatenate(
        [jnp.zeros((1,), dtype=item_rating_logits.dtype), jax.nn.sigmoid(item_rating_logits)],
        axis=0,
    )
    # ratings = gather(item_ratings, inputs[0])
    ratings = jnp.take(item_ratings, indices, axis=0)
    return ratings

if __name__ == "__main__":
    import jax
    _d = setup_inputs()
    print(jax.jit(kernel)(*tuple(_d.values())))

</pallas_src>

<mosaic_0001>
#map = affine_map<(d0, d1) -> (0)>
module attributes {stable_mosaic.version = 14 : i64} {
  func.func @_gather_kernel(%arg0: i32, %arg1: i32, %arg2: memref<1048576xf32, #tpu.memory_space<hbm>>, %arg3: memref<3276800xi32, #tpu.memory_space<hbm>>, %arg4: memref<3276800xf32, #tpu.memory_space<hbm>>, %arg5: memref<12800xi32, #tpu.memory_space<vmem>>, %arg6: memref<12800xi32, #tpu.memory_space<vmem>>, %arg7: memref<12800xf32, #tpu.memory_space<vmem>>, %arg8: memref<12800xf32, #tpu.memory_space<vmem>>, %arg9: memref<1048576xf32, #tpu.memory_space<vmem_shared>>, %arg10: memref<!tpu.dma_semaphore, #tpu.memory_space<semaphore_mem>>, %arg11: memref<!tpu.dma_semaphore, #tpu.memory_space<semaphore_mem>>, %arg12: memref<!tpu.dma_semaphore, #tpu.memory_space<semaphore_mem>>) attributes {dimension_semantics = [#tpu.dimension_semantics<core_parallel>, #tpu.dimension_semantics<subcore_parallel>], iteration_bounds = array<i64: 2, 16>, scalar_prefetch = 0 : i64, scratch_operands = 8 : i64, tpu.core_type = #tpu.core_type<sc_vector_subcore>, window_params = [{transform_indices = #map}, {transform_indices = #map}, {transform_indices = #map}]} {
    %mul3A = arith.constant 2 : i32
    %mul3A_0 = arith.muli %arg1, %mul3A : i32
    %add3A = arith.addi %mul3A_0, %arg0 : i32
    %mul3A_1 = arith.constant 102400 : i32
    %mul3A_2 = arith.muli %add3A, %mul3A_1 : i32
    %mul3A_3 = arith.constant 65536 : i32
    %mul3A_4 = arith.muli %arg1, %mul3A_3 : i32
    %dma_start3A = tpu.memref_slice %arg3[%mul3A_2] : memref<3276800xi32, #tpu.memory_space<hbm>> -> memref<12800xi32, #tpu.memory_space<hbm>>
    %dma_start3A_5 = tpu.memref_slice %arg3[%mul3A_2] : memref<3276800xi32, #tpu.memory_space<hbm>> -> memref<12800xi32, #tpu.memory_space<hbm>>
    tpu.enqueue_dma source(%dma_start3A_5 : memref<12800xi32, #tpu.memory_space<hbm>>) target(%arg5 : memref<12800xi32, #tpu.memory_space<vmem>>) target_semaphore(%arg10 : memref<!tpu.dma_semaphore, #tpu.memory_space<semaphore_mem>>)
    %dma_wait3A = tpu.memref_slice %arg3[%mul3A_2] : memref<3276800xi32, #tpu.memory_space<hbm>> -> memref<12800xi32, #tpu.memory_space<hbm>>
    %dma_wait3A_6 = tpu.memref_slice %arg3[%mul3A_2] : memref<3276800xi32, #tpu.memory_space<hbm>> -> memref<12800xi32, #tpu.memory_space<hbm>>
    tpu.wait_dma2 semaphore(%arg10 : memref<!tpu.dma_semaphore, #tpu.memory_space<semaphore_mem>>) src(%dma_wait3A_6 : memref<12800xi32, #tpu.memory_space<hbm>>) dst(%arg5 : memref<12800xi32, #tpu.memory_space<vmem>>)
    %parallel_loop3A = arith.constant 0 : i32
    %parallel_loop3A_7 = arith.constant 12800 : i32
    %parallel_loop3A_8 = arith.constant 16 : i32
    scf.for %parallel_loop3A_176 = %parallel_loop3A to %parallel_loop3A_7 step %parallel_loop3A_8  : i32 {
      %parallel_loop3A_177 = arith.index_cast %parallel_loop3A_176 : i32 to index
      %parallel_loop3A_178 = tpu.vector_load %arg5[%parallel_loop3A_177] {strides = array<i32>} : memref<12800xi32, #tpu.memory_space<vmem>>, vector<16xi32>,
      %parallel_loop3A_179 = vector.shape_cast %parallel_loop3A_178 : vector<16xi32> to vector<16xi32>
      %parallel_loop3A_180 = arith.constant 0 : i32
      %parallel_loop3A_181 = vector.broadcast %parallel_loop3A_180 : i32 to vector<16xi32>
      %parallel_loop3A_182 = arith.cmpi eq, %parallel_loop3A_179, %parallel_loop3A_181 : vector<16xi32>
      %parallel_loop3A_183 = arith.constant 1 : i32
      %parallel_loop3A_184 = vector.broadcast %parallel_loop3A_183 : i32 to vector<16xi32>
      %parallel_loop3A_185 = arith.subi %parallel_loop3A_179, %parallel_loop3A_184 : vector<16xi32>
      %parallel_loop3A_186 = arith.constant 999999 : i32
      %parallel_loop3A_187 = vector.broadcast %parallel_loop3A_186 : i32 to vector<16xi32>
      %parallel_loop3A_188 = arith.select %parallel_loop3A_182, %parallel_loop3A_187, %parallel_loop3A_185 : vector<16xi1>, vector<16xi32>
      %parallel_loop3A_189 = arith.index_cast %parallel_loop3A_176 : i32 to index
      %parallel_loop3A_190 = tpu.vector_load %arg5[%parallel_loop3A_189] {strides = array<i32>} : memref<12800xi32, #tpu.memory_space<vmem>>, vector<16xi32>,
      %parallel_loop3A_191 = vector.shape_cast %parallel_loop3A_190 : vector<16xi32> to vector<16xi32>
      %parallel_loop3A_192 = vector.shape_cast %parallel_loop3A_188 : vector<16xi32> to vector<16xi32>
      tpu.vector_store %arg5[%parallel_loop3A_189], %parallel_loop3A_192 {strides = array<i32>} : memref<12800xi32, #tpu.memory_space<vmem>>, vector<16xi32>,
    } {sc.loop_unroll_factor = 8 : i64, sc.parallel_access}
    "tpu.region"() ({
      %run_scoped3A = tpu.sem_alloc : memref<!tpu.dma_semaphore, #tpu.memory_space<semaphore_mem>>
      %dma_start3A_176 = tpu.memref_slice %arg9[%mul3A_4] : memref<1048576xf32, #tpu.memory_space<vmem_shared>> -> memref<65536xf32, #tpu.memory_space<vmem_shared>>
      %dma_start3A_177 = tpu.memref_slice %arg2[%mul3A_4] : memref<1048576xf32, #tpu.memory_space<hbm>> -> memref<65536xf32, #tpu.memory_space<hbm>>
      tpu.enqueue_dma source(%dma_start3A_177 : memref<65536xf32, #tpu.memory_space<hbm>>) target(%dma_start3A_176 : memref<65536xf32, #tpu.memory_space<vmem_shared>>) target_semaphore(%run_scoped3A : memref<!tpu.dma_semaphore, #tpu.memory_space<semaphore_mem>>)
      %dma_wait3A_178 = tpu.memref_slice %arg9[%mul3A_4] : memref<1048576xf32, #tpu.memory_space<vmem_shared>> -> memref<65536xf32, #tpu.memory_space<vmem_shared>>
      %dma_wait3A_179 = tpu.memref_slice %arg2[%mul3A_4] : memref<1048576xf32, #tpu.memory_space<hbm>> -> memref<65536xf32, #tpu.memory_space<hbm>>
      tpu.wait_dma2 semaphore(%run_scoped3A : memref<!tpu.dma_semaphore, #tpu.memory_space<semaphore_mem>>) src(%dma_wait3A_179 : memref<65536xf32, #tpu.memory_space<hbm>>) dst(%dma_wait3A_178 : memref<65536xf32, #tpu.memory_space<vmem_shared>>)
      tpu.yield
    }) : () -> ()
    %barrier3A = arith.constant 0 : index
    tpu.barrier barrier_id(%barrier3A)
    %dma_start3A_9 = arith.constant 0 : i32
    %dma_start3A_10 = tpu.memref_slice %arg9[%dma_start3A_9] : memref<1048576xf32, #tpu.memory_space<vmem_shared>> -> memref<1048576xf32, #tpu.memory_space<vmem_shared>>
    tpu.enqueue_indirect_dma source(%dma_start3A_10 : memref<1048576xf32, #tpu.memory_space<vmem_shared>>) target(%arg7 : memref<12800xf32, #tpu.memory_space<vmem>>) offsets(%arg5 : memref<12800xi32, #tpu.memory_space<vmem>>) semaphore(%arg11 : memref<!tpu.dma_semaphore, #tpu.memory_space<semaphore_mem>>)
    %add3A_11 = arith.constant 12800 : i32
    %add3A_12 = arith.addi %mul3A_2, %add3A_11 : i32
    %dma_start3A_13 = tpu.memref_slice %arg3[%add3A_12] : memref<3276800xi32, #tpu.memory_space<hbm>> -> memref<12800xi32, #tpu.memory_space<hbm>>
    %dma_start3A_14 = tpu.memref_slice %arg3[%add3A_12] : memref<3276800xi32, #tpu.memory_space<hbm>> -> memref<12800xi32, #tpu.memory_space<hbm>>
    tpu.enqueue_dma source(%dma_start3A_14 : memref<12800xi32, #tpu.memory_space<hbm>>) target(%arg6 : memref<12800xi32, #tpu.memory_space<vmem>>) target_semaphore(%arg10 : memref<!tpu.dma_semaphore, #tpu.memory_space<semaphore_mem>>)
    %dma_wait3A_15 = tpu.memref_slice %arg3[%add3A_12] : memref<3276800xi32, #tpu.memory_space<hbm>> -> memref<12800xi32, #tpu.memory_space<hbm>>
    %dma_wait3A_16 = tpu.memref_slice %arg3[%add3A_12] : memref<3276800xi32, #tpu.memory_space<hbm>> -> memref<12800xi32, #tpu.memory_space<hbm>>
    tpu.wait_dma2 semaphore(%arg10 : memref<!tpu.dma_semaphore, #tpu.memory_space<semaphore_mem>>) src(%dma_wait3A_16 : memref<12800xi32, #tpu.memory_space<hbm>>) dst(%arg6 : memref<12800xi32, #tpu.memory_space<vmem>>)
    %parallel_loop3A_17 = arith.constant 0 : i32
    %parallel_loop3A_18 = arith.constant 12800 : i32
    %parallel_loop3A_19 = arith.constant 16 : i32
    scf.for %parallel_loop3A_176 = %parallel_loop3A_17 to %parallel_loop3A_18 step %parallel_loop3A_19  : i32 {
      %parallel_loop3A_177 = arith.index_cast %parallel_loop3A_176 : i32 to index
      %parallel_loop3A_178 = tpu.vector_load %arg6[%parallel_loop3A_177] {strides = array<i32>} : memref<12800xi32, #tpu.memory_space<vmem>>, vector<16xi32>,
      %parallel_loop3A_179 = vector.shape_cast %parallel_loop3A_178 : vector<16xi32> to vector<16xi32>
      %parallel_loop3A_180 = arith.constant 0 : i32
      %parallel_loop3A_181 = vector.broadcast %parallel_loop3A_180 : i32 to vector<16xi32>
      %parallel_loop3A_182 = arith.cmpi eq, %parallel_loop3A_179, %parallel_loop3A_181 : vector<16xi32>
      %parallel_loop3A_183 = arith.constant 1 : i32
      %parallel_loop3A_184 = vector.broadcast %parallel_loop3A_183 : i32 to vector<16xi32>
      %parallel_loop3A_185 = arith.subi %parallel_loop3A_179, %parallel_loop3A_184 : vector<16xi32>
      %parallel_loop3A_186 = arith.constant 999999 : i32
      %parallel_loop3A_187 = vector.broadcast %parallel_loop3A_186 : i32 to vector<16xi32>
      %parallel_loop3A_188 = arith.select %parallel_loop3A_182, %parallel_loop3A_187, %parallel_loop3A_185 : vector<16xi1>, vector<16xi32>
      %parallel_loop3A_189 = arith.index_cast %parallel_loop3A_176 : i32 to index
      %parallel_loop3A_190 = tpu.vector_load %arg6[%parallel_loop3A_189] {strides = array<i32>} : memref<12800xi32, #tpu.memory_space<vmem>>, vector<16xi32>,
      %parallel_loop3A_191 = vector.shape_cast %parallel_loop3A_190 : vector<16xi32> to vector<16xi32>
      %parallel_loop3A_192 = vector.shape_cast %parallel_loop3A_188 : vector<16xi32> to vector<16xi32>
      tpu.vector_store %arg6[%parallel_loop3A_189], %parallel_loop3A_192 {strides = array<i32>} : memref<12800xi32, #tpu.memory_space<vmem>>, vector<16xi32>,
    } {sc.loop_unroll_factor = 8 : i64, sc.parallel_access}
    %dma_start3A_20 = arith.constant 0 : i32
    %dma_start3A_21 = tpu.memref_slice %arg9[%dma_start3A_20] : memref<1048576xf32, #tpu.memory_space<vmem_shared>> -> memref<1048576xf32, #tpu.memory_space<vmem_shared>>
    tpu.enqueue_indirect_dma source(%dma_start3A_21 : memref<1048576xf32, #tpu.memory_space<vmem_shared>>) target(%arg8 : memref<12800xf32, #tpu.memory_space<vmem>>) offsets(%arg6 : memref<12800xi32, #tpu.memory_space<vmem>>) semaphore(%arg11 : memref<!tpu.dma_semaphore, #tpu.memory_space<semaphore_mem>>)
    %dma_wait3A_22 = arith.constant 0 : i32
    %dma_wait3A_23 = tpu.memref_slice %arg9[%dma_wait3A_22] : memref<1048576xf32, #tpu.memory_space<vmem_shared>> -> memref<1048576xf32, #tpu.memory_space<vmem_shared>>
    tpu.wait_indirect_dma semaphore(%arg11 : memref<!tpu.dma_semaphore, #tpu.memory_space<semaphore_mem>>) src(%dma_wait3A_23 : memref<1048576xf32, #tpu.memory_space<vmem_shared>>) dst(%arg7 : memref<12800xf32, #tpu.memory_space<vmem>>)
    %parallel_loop3A_24 = arith.constant 0 : i32
    %parallel_loop3A_25 = arith.constant 12800 : i32
    %parallel_loop3A_26 = arith.constant 16 : i32
    scf.for %parallel_loop3A_176 = %parallel_loop3A_24 to %parallel_loop3A_25 step %parallel_loop3A_26  : i32 {
      %parallel_loop3A_177 = arith.index_cast %parallel_loop3A_176 : i32 to index
      %parallel_loop3A_178 = tpu.vector_load %arg7[%parallel_loop3A_177] {strides = array<i32>} : memref<12800xf32, #tpu.memory_space<vmem>>, vector<16xf32>,
      %parallel_loop3A_179 = vector.shape_cast %parallel_loop3A_178 : vector<16xf32> to vector<16xf32>
      %parallel_loop3A_180 = arith.constant 0.000000e+00 : f32
      %parallel_loop3A_181 = vector.broadcast %parallel_loop3A_180 : f32 to vector<16xf32>
      %parallel_loop3A_182 = arith.subf %parallel_loop3A_181, %parallel_loop3A_179 : vector<16xf32>
      %parallel_loop3A_183 = math.exp %parallel_loop3A_182 : vector<16xf32>
      %parallel_loop3A_184 = arith.constant 1.000000e+00 : f32
      %parallel_loop3A_185 = vector.broadcast %parallel_loop3A_184 : f32 to vector<16xf32>
      %parallel_loop3A_186 = arith.addf %parallel_loop3A_185, %parallel_loop3A_183 : vector<16xf32>
      %parallel_loop3A_187 = arith.constant 1.000000e+00 : f32
      %parallel_loop3A_188 = vector.broadcast %parallel_loop3A_187 : f32 to vector<16xf32>
      %parallel_loop3A_189 = arith.divf %parallel_loop3A_188, %parallel_loop3A_186 : vector<16xf32>
      %parallel_loop3A_190 = arith.index_cast %parallel_loop3A_176 : i32 to index
      %parallel_loop3A_191 = tpu.vector_load %arg7[%parallel_loop3A_190] {strides = array<i32>} : memref<12800xf32, #tpu.memory_space<vmem>>, vector<16xf32>,
      %parallel_loop3A_192 = vector.shape_cast %parallel_loop3A_191 : vector<16xf32> to vector<16xf32>
      %parallel_loop3A_193 = vector.shape_cast %parallel_loop3A_189 : vector<16xf32> to vector<16xf32>
      tpu.vector_store %arg7[%parallel_loop3A_190], %parallel_loop3A_193 {strides = array<i32>} : memref<12800xf32, #tpu.memory_space<vmem>>, vector<16xf32>,
    } {sc.loop_unroll_factor = 8 : i64, sc.parallel_access}
    %add3A_27 = arith.constant 0 : i32
    %add3A_28 = arith.addi %mul3A_2, %add3A_27 : i32
    %dma_start3A_29 = tpu.memref_slice %arg4[%add3A_28] : memref<3276800xf32, #tpu.memory_space<hbm>> -> memref<12800xf32, #tpu.memory_space<hbm>>
    %dma_start3A_30 = tpu.memref_slice %arg4[%add3A_28] : memref<3276800xf32, #tpu.memory_space<hbm>> -> memref<12800xf32, #tpu.memory_space<hbm>>
    tpu.enqueue_dma source(%arg7 : memref<12800xf32, #tpu.memory_space<vmem>>) target(%dma_start3A_30 : memref<12800xf32, #tpu.memory_space<hbm>>) target_semaphore(%arg12 : memref<!tpu.dma_semaphore, #tpu.memory_space<semaphore_mem>>)
    %add3A_31 = arith.constant 25600 : i32
    %add3A_32 = arith.addi %mul3A_2, %add3A_31 : i32
    %dma_start3A_33 = tpu.memref_slice %arg3[%add3A_32] : memref<3276800xi32, #tpu.memory_space<hbm>> -> memref<12800xi32, #tpu.memory_space<hbm>>
    %dma_start3A_34 = tpu.memref_slice %arg3[%add3A_32] : memref<3276800xi32, #tpu.memory_space<hbm>> -> memref<12800xi32, #tpu.memory_space<hbm>>
    tpu.enqueue_dma source(%dma_start3A_34 : memref<12800xi32, #tpu.memory_space<hbm>>) target(%arg5 : memref<12800xi32, #tpu.memory_space<vmem>>) target_semaphore(%arg10 : memref<!tpu.dma_semaphore, #tpu.memory_space<semaphore_mem>>)
    %dma_wait3A_35 = tpu.memref_slice %arg3[%add3A_32] : memref<3276800xi32, #tpu.memory_space<hbm>> -> memref<12800xi32, #tpu.memory_space<hbm>>
    %dma_wait3A_36 = tpu.memref_slice %arg3[%add3A_32] : memref<3276800xi32, #tpu.memory_space<hbm>> -> memref<12800xi32, #tpu.memory_space<hbm>>
    tpu.wait_dma2 semaphore(%arg10 : memref<!tpu.dma_semaphore, #tpu.memory_space<semaphore_mem>>) src(%dma_wait3A_36 : memref<12800xi32, #tpu.memory_space<hbm>>) dst(%arg5 : memref<12800xi32, #tpu.memory_space<vmem>>)
    %parallel_loop3A_37 = arith.constant 0 : i32
    %parallel_loop3A_38 = arith.constant 12800 : i32
    %parallel_loop3A_39 = arith.constant 16 : i32
    scf.for %parallel_loop3A_176 = %parallel_loop3A_37 to %parallel_loop3A_38 step %parallel_loop3A_39  : i32 {
      %parallel_loop3A_177 = arith.index_cast %parallel_loop3A_176 : i32 to index
      %parallel_loop3A_178 = tpu.vector_load %arg5[%parallel_loop3A_177] {strides = array<i32>} : memref<12800xi32, #tpu.memory_space<vmem>>, vector<16xi32>,
      %parallel_loop3A_179 = vector.shape_cast %parallel_loop3A_178 : vector<16xi32> to vector<16xi32>
      %parallel_loop3A_180 = arith.constant 0 : i32
      %parallel_loop3A_181 = vector.broadcast %parallel_loop3A_180 : i32 to vector<16xi32>
      %parallel_loop3A_182 = arith.cmpi eq, %parallel_loop3A_179, %parallel_loop3A_181 : vector<16xi32>
      %parallel_loop3A_183 = arith.constant 1 : i32
      %parallel_loop3A_184 = vector.broadcast %parallel_loop3A_183 : i32 to vector<16xi32>
      %parallel_loop3A_185 = arith.subi %parallel_loop3A_179, %parallel_loop3A_184 : vector<16xi32>
      %parallel_loop3A_186 = arith.constant 999999 : i32
      %parallel_loop3A_187 = vector.broadcast %parallel_loop3A_186 : i32 to vector<16xi32>
      %parallel_loop3A_188 = arith.select %parallel_loop3A_182, %parallel_loop3A_187, %parallel_loop3A_185 : vector<16xi1>, vector<16xi32>
      %parallel_loop3A_189 = arith.index_cast %parallel_loop3A_176 : i32 to index
      %parallel_loop3A_190 = tpu.vector_load %arg5[%parallel_loop3A_189] {strides = array<i32>} : memref<12800xi32, #tpu.memory_space<vmem>>, vector<16xi32>,
      %parallel_loop3A_191 = vector.shape_cast %parallel_loop3A_190 : vector<16xi32> to vector<16xi32>
      %parallel_loop3A_192 = vector.shape_cast %parallel_loop3A_188 : vector<16xi32> to vector<16xi32>
      tpu.vector_store %arg5[%parallel_loop3A_189], %parallel_loop3A_192 {strides = array<i32>} : memref<12800xi32, #tpu.memory_space<vmem>>, vector<16xi32>,
    } {sc.loop_unroll_factor = 8 : i64, sc.parallel_access}
    %dma_wait3A_40 = tpu.memref_slice %arg4[%add3A_28] : memref<3276800xf32, #tpu.memory_space<hbm>> -> memref<12800xf32, #tpu.memory_space<hbm>>
    %dma_wait3A_41 = tpu.memref_slice %arg4[%add3A_28] : memref<3276800xf32, #tpu.memory_space<hbm>> -> memref<12800xf32, #tpu.memory_space<hbm>>
    tpu.wait_dma2 semaphore(%arg12 : memref<!tpu.dma_semaphore, #tpu.memory_space<semaphore_mem>>) src(%arg7 : memref<12800xf32, #tpu.memory_space<vmem>>) dst(%dma_wait3A_41 : memref<12800xf32, #tpu.memory_space<hbm>>)
    %dma_start3A_42 = arith.constant 0 : i32
    %dma_start3A_43 = tpu.memref_slice %arg9[%dma_start3A_42] : memref<1048576xf32, #tpu.memory_space<vmem_shared>> -> memref<1048576xf32, #tpu.memory_space<vmem_shared>>
    tpu.enqueue_indirect_dma source(%dma_start3A_43 : memref<1048576xf32, #tpu.memory_space<vmem_shared>>) target(%arg7 : memref<12800xf32, #tpu.memory_space<vmem>>) offsets(%arg5 : memref<12800xi32, #tpu.memory_space<vmem>>) semaphore(%arg11 : memref<!tpu.dma_semaphore, #tpu.memory_space<semaphore_mem>>)
    %dma_wait3A_44 = arith.constant 0 : i32
    %dma_wait3A_45 = tpu.memref_slice %arg9[%dma_wait3A_44] : memref<1048576xf32, #tpu.memory_space<vmem_shared>> -> memref<1048576xf32, #tpu.memory_space<vmem_shared>>
    tpu.wait_indirect_dma semaphore(%arg11 : memref<!tpu.dma_semaphore, #tpu.memory_space<semaphore_mem>>) src(%dma_wait3A_45 : memref<1048576xf32, #tpu.memory_space<vmem_shared>>) dst(%arg8 : memref<12800xf32, #tpu.memory_space<vmem>>)
    %parallel_loop3A_46 = arith.constant 0 : i32
    %parallel_loop3A_47 = arith.constant 12800 : i32
    %parallel_loop3A_48 = arith.constant 16 : i32
    scf.for %parallel_loop3A_176 = %parallel_loop3A_46 to %parallel_loop3A_47 step %parallel_loop3A_48  : i32 {
      %parallel_loop3A_177 = arith.index_cast %parallel_loop3A_176 : i32 to index
      %parallel_loop3A_178 = tpu.vector_load %arg8[%parallel_loop3A_177] {strides = array<i32>} : memref<12800xf32, #tpu.memory_space<vmem>>, vector<16xf32>,
      %parallel_loop3A_179 = vector.shape_cast %parallel_loop3A_178 : vector<16xf32> to vector<16xf32>
      %parallel_loop3A_180 = arith.constant 0.000000e+00 : f32
      %parallel_loop3A_181 = vector.broadcast %parallel_loop3A_180 : f32 to vector<16xf32>
      %parallel_loop3A_182 = arith.subf %parallel_loop3A_181, %parallel_loop3A_179 : vector<16xf32>
      %parallel_loop3A_183 = math.exp %parallel_loop3A_182 : vector<16xf32>
      %parallel_loop3A_184 = arith.constant 1.000000e+00 : f32
      %parallel_loop3A_185 = vector.broadcast %parallel_loop3A_184 : f32 to vector<16xf32>
      %parallel_loop3A_186 = arith.addf %parallel_loop3A_185, %parallel_loop3A_183 : vector<16xf32>
      %parallel_loop3A_187 = arith.constant 1.000000e+00 : f32
      %parallel_loop3A_188 = vector.broadcast %parallel_loop3A_187 : f32 to vector<16xf32>
      %parallel_loop3A_189 = arith.divf %parallel_loop3A_188, %parallel_loop3A_186 : vector<16xf32>
      %parallel_loop3A_190 = arith.index_cast %parallel_loop3A_176 : i32 to index
      %parallel_loop3A_191 = tpu.vector_load %arg8[%parallel_loop3A_190] {strides = array<i32>} : memref<12800xf32, #tpu.memory_space<vmem>>, vector<16xf32>,
      %parallel_loop3A_192 = vector.shape_cast %parallel_loop3A_191 : vector<16xf32> to vector<16xf32>
      %parallel_loop3A_193 = vector.shape_cast %parallel_loop3A_189 : vector<16xf32> to vector<16xf32>
      tpu.vector_store %arg8[%parallel_loop3A_190], %parallel_loop3A_193 {strides = array<i32>} : memref<12800xf32, #tpu.memory_space<vmem>>, vector<16xf32>,
    } {sc.loop_unroll_factor = 8 : i64, sc.parallel_access}
    %add3A_49 = arith.constant 12800 : i32
    %add3A_50 = arith.addi %mul3A_2, %add3A_49 : i32
    %dma_start3A_51 = tpu.memref_slice %arg4[%add3A_50] : memref<3276800xf32, #tpu.memory_space<hbm>> -> memref<12800xf32, #tpu.memory_space<hbm>>
    %dma_start3A_52 = tpu.memref_slice %arg4[%add3A_50] : memref<3276800xf32, #tpu.memory_space<hbm>> -> memref<12800xf32, #tpu.memory_space<hbm>>
    tpu.enqueue_dma source(%arg8 : memref<12800xf32, #tpu.memory_space<vmem>>) target(%dma_start3A_52 : memref<12800xf32, #tpu.memory_space<hbm>>) target_semaphore(%arg12 : memref<!tpu.dma_semaphore, #tpu.memory_space<semaphore_mem>>)
    %add3A_53 = arith.constant 38400 : i32
    %add3A_54 = arith.addi %mul3A_2, %add3A_53 : i32
    %dma_start3A_55 = tpu.memref_slice %arg3[%add3A_54] : memref<3276800xi32, #tpu.memory_space<hbm>> -> memref<12800xi32, #tpu.memory_space<hbm>>
    %dma_start3A_56 = tpu.memref_slice %arg3[%add3A_54] : memref<3276800xi32, #tpu.memory_space<hbm>> -> memref<12800xi32, #tpu.memory_space<hbm>>
    tpu.enqueue_dma source(%dma_start3A_56 : memref<12800xi32, #tpu.memory_space<hbm>>) target(%arg6 : memref<12800xi32, #tpu.memory_space<vmem>>) target_semaphore(%arg10 : memref<!tpu.dma_semaphore, #tpu.memory_space<semaphore_mem>>)
    %dma_wait3A_57 = tpu.memref_slice %arg3[%add3A_54] : memref<3276800xi32, #tpu.memory_space<hbm>> -> memref<12800xi32, #tpu.memory_space<hbm>>
    %dma_wait3A_58 = tpu.memref_slice %arg3[%add3A_54] : memref<3276800xi32, #tpu.memory_space<hbm>> -> memref<12800xi32, #tpu.memory_space<hbm>>
    tpu.wait_dma2 semaphore(%arg10 : memref<!tpu.dma_semaphore, #tpu.memory_space<semaphore_mem>>) src(%dma_wait3A_58 : memref<12800xi32, #tpu.memory_space<hbm>>) dst(%arg6 : memref<12800xi32, #tpu.memory_space<vmem>>)
    %parallel_loop3A_59 = arith.constant 0 : i32
    %parallel_loop3A_60 = arith.constant 12800 : i32
    %parallel_loop3A_61 = arith.constant 16 : i32
    scf.for %parallel_loop3A_176 = %parallel_loop3A_59 to %parallel_loop3A_60 step %parallel_loop3A_61  : i32 {
      %parallel_loop3A_177 = arith.index_cast %parallel_loop3A_176 : i32 to index
      %parallel_loop3A_178 = tpu.vector_load %arg6[%parallel_loop3A_177] {strides = array<i32>} : memref<12800xi32, #tpu.memory_space<vmem>>, vector<16xi32>,
      %parallel_loop3A_179 = vector.shape_cast %parallel_loop3A_178 : vector<16xi32> to vector<16xi32>
      %parallel_loop3A_180 = arith.constant 0 : i32
      %parallel_loop3A_181 = vector.broadcast %parallel_loop3A_180 : i32 to vector<16xi32>
      %parallel_loop3A_182 = arith.cmpi eq, %parallel_loop3A_179, %parallel_loop3A_181 : vector<16xi32>
      %parallel_loop3A_183 = arith.constant 1 : i32
      %parallel_loop3A_184 = vector.broadcast %parallel_loop3A_183 : i32 to vector<16xi32>
      %parallel_loop3A_185 = arith.subi %parallel_loop3A_179, %parallel_loop3A_184 : vector<16xi32>
      %parallel_loop3A_186 = arith.constant 999999 : i32
      %parallel_loop3A_187 = vector.broadcast %parallel_loop3A_186 : i32 to vector<16xi32>
      %parallel_loop3A_188 = arith.select %parallel_loop3A_182, %parallel_loop3A_187, %parallel_loop3A_185 : vector<16xi1>, vector<16xi32>
      %parallel_loop3A_189 = arith.index_cast %parallel_loop3A_176 : i32 to index
      %parallel_loop3A_190 = tpu.vector_load %arg6[%parallel_loop3A_189] {strides = array<i32>} : memref<12800xi32, #tpu.memory_space<vmem>>, vector<16xi32>,
      %parallel_loop3A_191 = vector.shape_cast %parallel_loop3A_190 : vector<16xi32> to vector<16xi32>
      %parallel_loop3A_192 = vector.shape_cast %parallel_loop3A_188 : vector<16xi32> to vector<16xi32>
      tpu.vector_store %arg6[%parallel_loop3A_189], %parallel_loop3A_192 {strides = array<i32>} : memref<12800xi32, #tpu.memory_space<vmem>>, vector<16xi32>,
    } {sc.loop_unroll_factor = 8 : i64, sc.parallel_access}
    %dma_wait3A_62 = tpu.memref_slice %arg4[%add3A_50] : memref<3276800xf32, #tpu.memory_space<hbm>> -> memref<12800xf32, #tpu.memory_space<hbm>>
    %dma_wait3A_63 = tpu.memref_slice %arg4[%add3A_50] : memref<3276800xf32, #tpu.memory_space<hbm>> -> memref<12800xf32, #tpu.memory_space<hbm>>
    tpu.wait_dma2 semaphore(%arg12 : memref<!tpu.dma_semaphore, #tpu.memory_space<semaphore_mem>>) src(%arg8 : memref<12800xf32, #tpu.memory_space<vmem>>) dst(%dma_wait3A_63 : memref<12800xf32, #tpu.memory_space<hbm>>)
    %dma_start3A_64 = arith.constant 0 : i32
    %dma_start3A_65 = tpu.memref_slice %arg9[%dma_start3A_64] : memref<1048576xf32, #tpu.memory_space<vmem_shared>> -> memref<1048576xf32, #tpu.memory_space<vmem_shared>>
    tpu.enqueue_indirect_dma source(%dma_start3A_65 : memref<1048576xf32, #tpu.memory_space<vmem_shared>>) target(%arg8 : memref<12800xf32, #tpu.memory_space<vmem>>) offsets(%arg6 : memref<12800xi32, #tpu.memory_space<vmem>>) semaphore(%arg11 : memref<!tpu.dma_semaphore, #tpu.memory_space<semaphore_mem>>)
    %dma_wait3A_66 = arith.constant 0 : i32
    %dma_wait3A_67 = tpu.memref_slice %arg9[%dma_wait3A_66] : memref<1048576xf32, #tpu.memory_space<vmem_shared>> -> memref<1048576xf32, #tpu.memory_space<vmem_shared>>
    tpu.wait_indirect_dma semaphore(%arg11 : memref<!tpu.dma_semaphore, #tpu.memory_space<semaphore_mem>>) src(%dma_wait3A_67 : memref<1048576xf32, #tpu.memory_space<vmem_shared>>) dst(%arg7 : memref<12800xf32, #tpu.memory_space<vmem>>)
    %parallel_loop3A_68 = arith.constant 0 : i32
    %parallel_loop3A_69 = arith.constant 12800 : i32
    %parallel_loop3A_70 = arith.constant 16 : i32
    scf.for %parallel_loop3A_176 = %parallel_loop3A_68 to %parallel_loop3A_69 step %parallel_loop3A_70  : i32 {
      %parallel_loop3A_177 = arith.index_cast %parallel_loop3A_176 : i32 to index
      %parallel_loop3A_178 = tpu.vector_load %arg7[%parallel_loop3A_177] {strides = array<i32>} : memref<12800xf32, #tpu.memory_space<vmem>>, vector<16xf32>,
      %parallel_loop3A_179 = vector.shape_cast %parallel_loop3A_178 : vector<16xf32> to vector<16xf32>
      %parallel_loop3A_180 = arith.constant 0.000000e+00 : f32
      %parallel_loop3A_181 = vector.broadcast %parallel_loop3A_180 : f32 to vector<16xf32>
      %parallel_loop3A_182 = arith.subf %parallel_loop3A_181, %parallel_loop3A_179 : vector<16xf32>
      %parallel_loop3A_183 = math.exp %parallel_loop3A_182 : vector<16xf32>
      %parallel_loop3A_184 = arith.constant 1.000000e+00 : f32
      %parallel_loop3A_185 = vector.broadcast %parallel_loop3A_184 : f32 to vector<16xf32>
      %parallel_loop3A_186 = arith.addf %parallel_loop3A_185, %parallel_loop3A_183 : vector<16xf32>
      %parallel_loop3A_187 = arith.constant 1.000000e+00 : f32
      %parallel_loop3A_188 = vector.broadcast %parallel_loop3A_187 : f32 to vector<16xf32>
      %parallel_loop3A_189 = arith.divf %parallel_loop3A_188, %parallel_loop3A_186 : vector<16xf32>
      %parallel_loop3A_190 = arith.index_cast %parallel_loop3A_176 : i32 to index
      %parallel_loop3A_191 = tpu.vector_load %arg7[%parallel_loop3A_190] {strides = array<i32>} : memref<12800xf32, #tpu.memory_space<vmem>>, vector<16xf32>,
      %parallel_loop3A_192 = vector.shape_cast %parallel_loop3A_191 : vector<16xf32> to vector<16xf32>
      %parallel_loop3A_193 = vector.shape_cast %parallel_loop3A_189 : vector<16xf32> to vector<16xf32>
      tpu.vector_store %arg7[%parallel_loop3A_190], %parallel_loop3A_193 {strides = array<i32>} : memref<12800xf32, #tpu.memory_space<vmem>>, vector<16xf32>,
    } {sc.loop_unroll_factor = 8 : i64, sc.parallel_access}
    %add3A_71 = arith.constant 25600 : i32
    %add3A_72 = arith.addi %mul3A_2, %add3A_71 : i32
    %dma_start3A_73 = tpu.memref_slice %arg4[%add3A_72] : memref<3276800xf32, #tpu.memory_space<hbm>> -> memref<12800xf32, #tpu.memory_space<hbm>>
    %dma_start3A_74 = tpu.memref_slice %arg4[%add3A_72] : memref<3276800xf32, #tpu.memory_space<hbm>> -> memref<12800xf32, #tpu.memory_space<hbm>>
    tpu.enqueue_dma source(%arg7 : memref<12800xf32, #tpu.memory_space<vmem>>) target(%dma_start3A_74 : memref<12800xf32, #tpu.memory_space<hbm>>) target_semaphore(%arg12 : memref<!tpu.dma_semaphore, #tpu.memory_space<semaphore_mem>>)
    %add3A_75 = arith.constant 51200 : i32
    %add3A_76 = arith.addi %mul3A_2, %add3A_75 : i32
    %dma_start3A_77 = tpu.memref_slice %arg3[%add3A_76] : memref<3276800xi32, #tpu.memory_space<hbm>> -> memref<12800xi32, #tpu.memory_space<hbm>>
    %dma_start3A_78 = tpu.memref_slice %arg3[%add3A_76] : memref<3276800xi32, #tpu.memory_space<hbm>> -> memref<12800xi32, #tpu.memory_space<hbm>>
    tpu.enqueue_dma source(%dma_start3A_78 : memref<12800xi32, #tpu.memory_space<hbm>>) target(%arg5 : memref<12800xi32, #tpu.memory_space<vmem>>) target_semaphore(%arg10 : memref<!tpu.dma_semaphore, #tpu.memory_space<semaphore_mem>>)
    %dma_wait3A_79 = tpu.memref_slice %arg3[%add3A_76] : memref<3276800xi32, #tpu.memory_space<hbm>> -> memref<12800xi32, #tpu.memory_space<hbm>>
    %dma_wait3A_80 = tpu.memref_slice %arg3[%add3A_76] : memref<3276800xi32, #tpu.memory_space<hbm>> -> memref<12800xi32, #tpu.memory_space<hbm>>
    tpu.wait_dma2 semaphore(%arg10 : memref<!tpu.dma_semaphore, #tpu.memory_space<semaphore_mem>>) src(%dma_wait3A_80 : memref<12800xi32, #tpu.memory_space<hbm>>) dst(%arg5 : memref<12800xi32, #tpu.memory_space<vmem>>)
    %parallel_loop3A_81 = arith.constant 0 : i32
    %parallel_loop3A_82 = arith.constant 12800 : i32
    %parallel_loop3A_83 = arith.constant 16 : i32
    scf.for %parallel_loop3A_176 = %parallel_loop3A_81 to %parallel_loop3A_82 step %parallel_loop3A_83  : i32 {
      %parallel_loop3A_177 = arith.index_cast %parallel_loop3A_176 : i32 to index
      %parallel_loop3A_178 = tpu.vector_load %arg5[%parallel_loop3A_177] {strides = array<i32>} : memref<12800xi32, #tpu.memory_space<vmem>>, vector<16xi32>,
      %parallel_loop3A_179 = vector.shape_cast %parallel_loop3A_178 : vector<16xi32> to vector<16xi32>
      %parallel_loop3A_180 = arith.constant 0 : i32
      %parallel_loop3A_181 = vector.broadcast %parallel_loop3A_180 : i32 to vector<16xi32>
      %parallel_loop3A_182 = arith.cmpi eq, %parallel_loop3A_179, %parallel_loop3A_181 : vector<16xi32>
      %parallel_loop3A_183 = arith.constant 1 : i32
      %parallel_loop3A_184 = vector.broadcast %parallel_loop3A_183 : i32 to vector<16xi32>
      %parallel_loop3A_185 = arith.subi %parallel_loop3A_179, %parallel_loop3A_184 : vector<16xi32>
      %parallel_loop3A_186 = arith.constant 999999 : i32
      %parallel_loop3A_187 = vector.broadcast %parallel_loop3A_186 : i32 to vector<16xi32>
      %parallel_loop3A_188 = arith.select %parallel_loop3A_182, %parallel_loop3A_187, %parallel_loop3A_185 : vector<16xi1>, vector<16xi32>
      %parallel_loop3A_189 = arith.index_cast %parallel_loop3A_176 : i32 to index
      %parallel_loop3A_190 = tpu.vector_load %arg5[%parallel_loop3A_189] {strides = array<i32>} : memref<12800xi32, #tpu.memory_space<vmem>>, vector<16xi32>,
      %parallel_loop3A_191 = vector.shape_cast %parallel_loop3A_190 : vector<16xi32> to vector<16xi32>
      %parallel_loop3A_192 = vector.shape_cast %parallel_loop3A_188 : vector<16xi32> to vector<16xi32>
      tpu.vector_store %arg5[%parallel_loop3A_189], %parallel_loop3A_192 {strides = array<i32>} : memref<12800xi32, #tpu.memory_space<vmem>>, vector<16xi32>,
    } {sc.loop_unroll_factor = 8 : i64, sc.parallel_access}
    %dma_wait3A_84 = tpu.memref_slice %arg4[%add3A_72] : memref<3276800xf32, #tpu.memory_space<hbm>> -> memref<12800xf32, #tpu.memory_space<hbm>>
    %dma_wait3A_85 = tpu.memref_slice %arg4[%add3A_72] : memref<3276800xf32, #tpu.memory_space<hbm>> -> memref<12800xf32, #tpu.memory_space<hbm>>
    tpu.wait_dma2 semaphore(%arg12 : memref<!tpu.dma_semaphore, #tpu.memory_space<semaphore_mem>>) src(%arg7 : memref<12800xf32, #tpu.memory_space<vmem>>) dst(%dma_wait3A_85 : memref<12800xf32, #tpu.memory_space<hbm>>)
    %dma_start3A_86 = arith.constant 0 : i32
    %dma_start3A_87 = tpu.memref_slice %arg9[%dma_start3A_86] : memref<1048576xf32, #tpu.memory_space<vmem_shared>> -> memref<1048576xf32, #tpu.memory_space<vmem_shared>>
    tpu.enqueue_indirect_dma source(%dma_start3A_87 : memref<1048576xf32, #tpu.memory_space<vmem_shared>>) target(%arg7 : memref<12800xf32, #tpu.memory_space<vmem>>) offsets(%arg5 : memref<12800xi32, #tpu.memory_space<vmem>>) semaphore(%arg11 : memref<!tpu.dma_semaphore, #tpu.memory_space<semaphore_mem>>)
    %dma_wait3A_88 = arith.constant 0 : i32
    %dma_wait3A_89 = tpu.memref_slice %arg9[%dma_wait3A_88] : memref<1048576xf32, #tpu.memory_space<vmem_shared>> -> memref<1048576xf32, #tpu.memory_space<vmem_shared>>
    tpu.wait_indirect_dma semaphore(%arg11 : memref<!tpu.dma_semaphore, #tpu.memory_space<semaphore_mem>>) src(%dma_wait3A_89 : memref<1048576xf32, #tpu.memory_space<vmem_shared>>) dst(%arg8 : memref<12800xf32, #tpu.memory_space<vmem>>)
    %parallel_loop3A_90 = arith.constant 0 : i32
    %parallel_loop3A_91 = arith.constant 12800 : i32
    %parallel_loop3A_92 = arith.constant 16 : i32
    scf.for %parallel_loop3A_176 = %parallel_loop3A_90 to %parallel_loop3A_91 step %parallel_loop3A_92  : i32 {
      %parallel_loop3A_177 = arith.index_cast %parallel_loop3A_176 : i32 to index
      %parallel_loop3A_178 = tpu.vector_load %arg8[%parallel_loop3A_177] {strides = array<i32>} : memref<12800xf32, #tpu.memory_space<vmem>>, vector<16xf32>,
      %parallel_loop3A_179 = vector.shape_cast %parallel_loop3A_178 : vector<16xf32> to vector<16xf32>
      %parallel_loop3A_180 = arith.constant 0.000000e+00 : f32
      %parallel_loop3A_181 = vector.broadcast %parallel_loop3A_180 : f32 to vector<16xf32>
      %parallel_loop3A_182 = arith.subf %parallel_loop3A_181, %parallel_loop3A_179 : vector<16xf32>
      %parallel_loop3A_183 = math.exp %parallel_loop3A_182 : vector<16xf32>
      %parallel_loop3A_184 = arith.constant 1.000000e+00 : f32
      %parallel_loop3A_185 = vector.broadcast %parallel_loop3A_184 : f32 to vector<16xf32>
      %parallel_loop3A_186 = arith.addf %parallel_loop3A_185, %parallel_loop3A_183 : vector<16xf32>
      %parallel_loop3A_187 = arith.constant 1.000000e+00 : f32
      %parallel_loop3A_188 = vector.broadcast %parallel_loop3A_187 : f32 to vector<16xf32>
      %parallel_loop3A_189 = arith.divf %parallel_loop3A_188, %parallel_loop3A_186 : vector<16xf32>
      %parallel_loop3A_190 = arith.index_cast %parallel_loop3A_176 : i32 to index
      %parallel_loop3A_191 = tpu.vector_load %arg8[%parallel_loop3A_190] {strides = array<i32>} : memref<12800xf32, #tpu.memory_space<vmem>>, vector<16xf32>,
      %parallel_loop3A_192 = vector.shape_cast %parallel_loop3A_191 : vector<16xf32> to vector<16xf32>
      %parallel_loop3A_193 = vector.shape_cast %parallel_loop3A_189 : vector<16xf32> to vector<16xf32>
      tpu.vector_store %arg8[%parallel_loop3A_190], %parallel_loop3A_193 {strides = array<i32>} : memref<12800xf32, #tpu.memory_space<vmem>>, vector<16xf32>,
    } {sc.loop_unroll_factor = 8 : i64, sc.parallel_access}
    %add3A_93 = arith.constant 38400 : i32
    %add3A_94 = arith.addi %mul3A_2, %add3A_93 : i32
    %dma_start3A_95 = tpu.memref_slice %arg4[%add3A_94] : memref<3276800xf32, #tpu.memory_space<hbm>> -> memref<12800xf32, #tpu.memory_space<hbm>>
    %dma_start3A_96 = tpu.memref_slice %arg4[%add3A_94] : memref<3276800xf32, #tpu.memory_space<hbm>> -> memref<12800xf32, #tpu.memory_space<hbm>>
    tpu.enqueue_dma source(%arg8 : memref<12800xf32, #tpu.memory_space<vmem>>) target(%dma_start3A_96 : memref<12800xf32, #tpu.memory_space<hbm>>) target_semaphore(%arg12 : memref<!tpu.dma_semaphore, #tpu.memory_space<semaphore_mem>>)
    %add3A_97 = arith.constant 64000 : i32
    %add3A_98 = arith.addi %mul3A_2, %add3A_97 : i32
    %dma_start3A_99 = tpu.memref_slice %arg3[%add3A_98] : memref<3276800xi32, #tpu.memory_space<hbm>> -> memref<12800xi32, #tpu.memory_space<hbm>>
    %dma_start3A_100 = tpu.memref_slice %arg3[%add3A_98] : memref<3276800xi32, #tpu.memory_space<hbm>> -> memref<12800xi32, #tpu.memory_space<hbm>>
    tpu.enqueue_dma source(%dma_start3A_100 : memref<12800xi32, #tpu.memory_space<hbm>>) target(%arg6 : memref<12800xi32, #tpu.memory_space<vmem>>) target_semaphore(%arg10 : memref<!tpu.dma_semaphore, #tpu.memory_space<semaphore_mem>>)
    %dma_wait3A_101 = tpu.memref_slice %arg3[%add3A_98] : memref<3276800xi32, #tpu.memory_space<hbm>> -> memref<12800xi32, #tpu.memory_space<hbm>>
    %dma_wait3A_102 = tpu.memref_slice %arg3[%add3A_98] : memref<3276800xi32, #tpu.memory_space<hbm>> -> memref<12800xi32, #tpu.memory_space<hbm>>
    tpu.wait_dma2 semaphore(%arg10 : memref<!tpu.dma_semaphore, #tpu.memory_space<semaphore_mem>>) src(%dma_wait3A_102 : memref<12800xi32, #tpu.memory_space<hbm>>) dst(%arg6 : memref<12800xi32, #tpu.memory_space<vmem>>)
    %parallel_loop3A_103 = arith.constant 0 : i32
    %parallel_loop3A_104 = arith.constant 12800 : i32
    %parallel_loop3A_105 = arith.constant 16 : i32
    scf.for %parallel_loop3A_176 = %parallel_loop3A_103 to %parallel_loop3A_104 step %parallel_loop3A_105  : i32 {
      %parallel_loop3A_177 = arith.index_cast %parallel_loop3A_176 : i32 to index
      %parallel_loop3A_178 = tpu.vector_load %arg6[%parallel_loop3A_177] {strides = array<i32>} : memref<12800xi32, #tpu.memory_space<vmem>>, vector<16xi32>,
      %parallel_loop3A_179 = vector.shape_cast %parallel_loop3A_178 : vector<16xi32> to vector<16xi32>
      %parallel_loop3A_180 = arith.constant 0 : i32
      %parallel_loop3A_181 = vector.broadcast %parallel_loop3A_180 : i32 to vector<16xi32>
      %parallel_loop3A_182 = arith.cmpi eq, %parallel_loop3A_179, %parallel_loop3A_181 : vector<16xi32>
      %parallel_loop3A_183 = arith.constant 1 : i32
      %parallel_loop3A_184 = vector.broadcast %parallel_loop3A_183 : i32 to vector<16xi32>
      %parallel_loop3A_185 = arith.subi %parallel_loop3A_179, %parallel_loop3A_184 : vector<16xi32>
      %parallel_loop3A_186 = arith.constant 999999 : i32
      %parallel_loop3A_187 = vector.broadcast %parallel_loop3A_186 : i32 to vector<16xi32>
      %parallel_loop3A_188 = arith.select %parallel_loop3A_182, %parallel_loop3A_187, %parallel_loop3A_185 : vector<16xi1>, vector<16xi32>
      %parallel_loop3A_189 = arith.index_cast %parallel_loop3A_176 : i32 to index
      %parallel_loop3A_190 = tpu.vector_load %arg6[%parallel_loop3A_189] {strides = array<i32>} : memref<12800xi32, #tpu.memory_space<vmem>>, vector<16xi32>,
      %parallel_loop3A_191 = vector.shape_cast %parallel_loop3A_190 : vector<16xi32> to vector<16xi32>
      %parallel_loop3A_192 = vector.shape_cast %parallel_loop3A_188 : vector<16xi32> to vector<16xi32>
      tpu.vector_store %arg6[%parallel_loop3A_189], %parallel_loop3A_192 {strides = array<i32>} : memref<12800xi32, #tpu.memory_space<vmem>>, vector<16xi32>,
    } {sc.loop_unroll_factor = 8 : i64, sc.parallel_access}
    %dma_wait3A_106 = tpu.memref_slice %arg4[%add3A_94] : memref<3276800xf32, #tpu.memory_space<hbm>> -> memref<12800xf32, #tpu.memory_space<hbm>>
    %dma_wait3A_107 = tpu.memref_slice %arg4[%add3A_94] : memref<3276800xf32, #tpu.memory_space<hbm>> -> memref<12800xf32, #tpu.memory_space<hbm>>
    tpu.wait_dma2 semaphore(%arg12 : memref<!tpu.dma_semaphore, #tpu.memory_space<semaphore_mem>>) src(%arg8 : memref<12800xf32, #tpu.memory_space<vmem>>) dst(%dma_wait3A_107 : memref<12800xf32, #tpu.memory_space<hbm>>)
    %dma_start3A_108 = arith.constant 0 : i32
    %dma_start3A_109 = tpu.memref_slice %arg9[%dma_start3A_108] : memref<1048576xf32, #tpu.memory_space<vmem_shared>> -> memref<1048576xf32, #tpu.memory_space<vmem_shared>>
    tpu.enqueue_indirect_dma source(%dma_start3A_109 : memref<1048576xf32, #tpu.memory_space<vmem_shared>>) target(%arg8 : memref<12800xf32, #tpu.memory_space<vmem>>) offsets(%arg6 : memref<12800xi32, #tpu.memory_space<vmem>>) semaphore(%arg11 : memref<!tpu.dma_semaphore, #tpu.memory_space<semaphore_mem>>)
    %dma_wait3A_110 = arith.constant 0 : i32
    %dma_wait3A_111 = tpu.memref_slice %arg9[%dma_wait3A_110] : memref<1048576xf32, #tpu.memory_space<vmem_shared>> -> memref<1048576xf32, #tpu.memory_space<vmem_shared>>
    tpu.wait_indirect_dma semaphore(%arg11 : memref<!tpu.dma_semaphore, #tpu.memory_space<semaphore_mem>>) src(%dma_wait3A_111 : memref<1048576xf32, #tpu.memory_space<vmem_shared>>) dst(%arg7 : memref<12800xf32, #tpu.memory_space<vmem>>)
    %parallel_loop3A_112 = arith.constant 0 : i32
    %parallel_loop3A_113 = arith.constant 12800 : i32
    %parallel_loop3A_114 = arith.constant 16 : i32
    scf.for %parallel_loop3A_176 = %parallel_loop3A_112 to %parallel_loop3A_113 step %parallel_loop3A_114  : i32 {
      %parallel_loop3A_177 = arith.index_cast %parallel_loop3A_176 : i32 to index
      %parallel_loop3A_178 = tpu.vector_load %arg7[%parallel_loop3A_177] {strides = array<i32>} : memref<12800xf32, #tpu.memory_space<vmem>>, vector<16xf32>,
      %parallel_loop3A_179 = vector.shape_cast %parallel_loop3A_178 : vector<16xf32> to vector<16xf32>
      %parallel_loop3A_180 = arith.constant 0.000000e+00 : f32
      %parallel_loop3A_181 = vector.broadcast %parallel_loop3A_180 : f32 to vector<16xf32>
      %parallel_loop3A_182 = arith.subf %parallel_loop3A_181, %parallel_loop3A_179 : vector<16xf32>
      %parallel_loop3A_183 = math.exp %parallel_loop3A_182 : vector<16xf32>
      %parallel_loop3A_184 = arith.constant 1.000000e+00 : f32
      %parallel_loop3A_185 = vector.broadcast %parallel_loop3A_184 : f32 to vector<16xf32>
      %parallel_loop3A_186 = arith.addf %parallel_loop3A_185, %parallel_loop3A_183 : vector<16xf32>
      %parallel_loop3A_187 = arith.constant 1.000000e+00 : f32
      %parallel_loop3A_188 = vector.broadcast %parallel_loop3A_187 : f32 to vector<16xf32>
      %parallel_loop3A_189 = arith.divf %parallel_loop3A_188, %parallel_loop3A_186 : vector<16xf32>
      %parallel_loop3A_190 = arith.index_cast %parallel_loop3A_176 : i32 to index
      %parallel_loop3A_191 = tpu.vector_load %arg7[%parallel_loop3A_190] {strides = array<i32>} : memref<12800xf32, #tpu.memory_space<vmem>>, vector<16xf32>,
      %parallel_loop3A_192 = vector.shape_cast %parallel_loop3A_191 : vector<16xf32> to vector<16xf32>
      %parallel_loop3A_193 = vector.shape_cast %parallel_loop3A_189 : vector<16xf32> to vector<16xf32>
      tpu.vector_store %arg7[%parallel_loop3A_190], %parallel_loop3A_193 {strides = array<i32>} : memref<12800xf32, #tpu.memory_space<vmem>>, vector<16xf32>,
    } {sc.loop_unroll_factor = 8 : i64, sc.parallel_access}
    %add3A_115 = arith.constant 51200 : i32
    %add3A_116 = arith.addi %mul3A_2, %add3A_115 : i32
    %dma_start3A_117 = tpu.memref_slice %arg4[%add3A_116] : memref<3276800xf32, #tpu.memory_space<hbm>> -> memref<12800xf32, #tpu.memory_space<hbm>>
    %dma_start3A_118 = tpu.memref_slice %arg4[%add3A_116] : memref<3276800xf32, #tpu.memory_space<hbm>> -> memref<12800xf32, #tpu.memory_space<hbm>>
    tpu.enqueue_dma source(%arg7 : memref<12800xf32, #tpu.memory_space<vmem>>) target(%dma_start3A_118 : memref<12800xf32, #tpu.memory_space<hbm>>) target_semaphore(%arg12 : memref<!tpu.dma_semaphore, #tpu.memory_space<semaphore_mem>>)
    %add3A_119 = arith.constant 76800 : i32
    %add3A_120 = arith.addi %mul3A_2, %add3A_119 : i32
    %dma_start3A_121 = tpu.memref_slice %arg3[%add3A_120] : memref<3276800xi32, #tpu.memory_space<hbm>> -> memref<12800xi32, #tpu.memory_space<hbm>>
    %dma_start3A_122 = tpu.memref_slice %arg3[%add3A_120] : memref<3276800xi32, #tpu.memory_space<hbm>> -> memref<12800xi32, #tpu.memory_space<hbm>>
    tpu.enqueue_dma source(%dma_start3A_122 : memref<12800xi32, #tpu.memory_space<hbm>>) target(%arg5 : memref<12800xi32, #tpu.memory_space<vmem>>) target_semaphore(%arg10 : memref<!tpu.dma_semaphore, #tpu.memory_space<semaphore_mem>>)
    %dma_wait3A_123 = tpu.memref_slice %arg3[%add3A_120] : memref<3276800xi32, #tpu.memory_space<hbm>> -> memref<12800xi32, #tpu.memory_space<hbm>>
    %dma_wait3A_124 = tpu.memref_slice %arg3[%add3A_120] : memref<3276800xi32, #tpu.memory_space<hbm>> -> memref<12800xi32, #tpu.memory_space<hbm>>
    tpu.wait_dma2 semaphore(%arg10 : memref<!tpu.dma_semaphore, #tpu.memory_space<semaphore_mem>>) src(%dma_wait3A_124 : memref<12800xi32, #tpu.memory_space<hbm>>) dst(%arg5 : memref<12800xi32, #tpu.memory_space<vmem>>)
    %parallel_loop3A_125 = arith.constant 0 : i32
    %parallel_loop3A_126 = arith.constant 12800 : i32
    %parallel_loop3A_127 = arith.constant 16 : i32
    scf.for %parallel_loop3A_176 = %parallel_loop3A_125 to %parallel_loop3A_126 step %parallel_loop3A_127  : i32 {
      %parallel_loop3A_177 = arith.index_cast %parallel_loop3A_176 : i32 to index
      %parallel_loop3A_178 = tpu.vector_load %arg5[%parallel_loop3A_177] {strides = array<i32>} : memref<12800xi32, #tpu.memory_space<vmem>>, vector<16xi32>,
      %parallel_loop3A_179 = vector.shape_cast %parallel_loop3A_178 : vector<16xi32> to vector<16xi32>
      %parallel_loop3A_180 = arith.constant 0 : i32
      %parallel_loop3A_181 = vector.broadcast %parallel_loop3A_180 : i32 to vector<16xi32>
      %parallel_loop3A_182 = arith.cmpi eq, %parallel_loop3A_179, %parallel_loop3A_181 : vector<16xi32>
      %parallel_loop3A_183 = arith.constant 1 : i32
      %parallel_loop3A_184 = vector.broadcast %parallel_loop3A_183 : i32 to vector<16xi32>
      %parallel_loop3A_185 = arith.subi %parallel_loop3A_179, %parallel_loop3A_184 : vector<16xi32>
      %parallel_loop3A_186 = arith.constant 999999 : i32
      %parallel_loop3A_187 = vector.broadcast %parallel_loop3A_186 : i32 to vector<16xi32>
      %parallel_loop3A_188 = arith.select %parallel_loop3A_182, %parallel_loop3A_187, %parallel_loop3A_185 : vector<16xi1>, vector<16xi32>
      %parallel_loop3A_189 = arith.index_cast %parallel_loop3A_176 : i32 to index
      %parallel_loop3A_190 = tpu.vector_load %arg5[%parallel_loop3A_189] {strides = array<i32>} : memref<12800xi32, #tpu.memory_space<vmem>>, vector<16xi32>,
      %parallel_loop3A_191 = vector.shape_cast %parallel_loop3A_190 : vector<16xi32> to vector<16xi32>
      %parallel_loop3A_192 = vector.shape_cast %parallel_loop3A_188 : vector<16xi32> to vector<16xi32>
      tpu.vector_store %arg5[%parallel_loop3A_189], %parallel_loop3A_192 {strides = array<i32>} : memref<12800xi32, #tpu.memory_space<vmem>>, vector<16xi32>,
    } {sc.loop_unroll_factor = 8 : i64, sc.parallel_access}
    %dma_wait3A_128 = tpu.memref_slice %arg4[%add3A_116] : memref<3276800xf32, #tpu.memory_space<hbm>> -> memref<12800xf32, #tpu.memory_space<hbm>>
    %dma_wait3A_129 = tpu.memref_slice %arg4[%add3A_116] : memref<3276800xf32, #tpu.memory_space<hbm>> -> memref<12800xf32, #tpu.memory_space<hbm>>
    tpu.wait_dma2 semaphore(%arg12 : memref<!tpu.dma_semaphore, #tpu.memory_space<semaphore_mem>>) src(%arg7 : memref<12800xf32, #tpu.memory_space<vmem>>) dst(%dma_wait3A_129 : memref<12800xf32, #tpu.memory_space<hbm>>)
    %dma_start3A_130 = arith.constant 0 : i32
    %dma_start3A_131 = tpu.memref_slice %arg9[%dma_start3A_130] : memref<1048576xf32, #tpu.memory_space<vmem_shared>> -> memref<1048576xf32, #tpu.memory_space<vmem_shared>>
    tpu.enqueue_indirect_dma source(%dma_start3A_131 : memref<1048576xf32, #tpu.memory_space<vmem_shared>>) target(%arg7 : memref<12800xf32, #tpu.memory_space<vmem>>) offsets(%arg5 : memref<12800xi32, #tpu.memory_space<vmem>>) semaphore(%arg11 : memref<!tpu.dma_semaphore, #tpu.memory_space<semaphore_mem>>)
    %dma_wait3A_132 = arith.constant 0 : i32
    %dma_wait3A_133 = tpu.memref_slice %arg9[%dma_wait3A_132] : memref<1048576xf32, #tpu.memory_space<vmem_shared>> -> memref<1048576xf32, #tpu.memory_space<vmem_shared>>
    tpu.wait_indirect_dma semaphore(%arg11 : memref<!tpu.dma_semaphore, #tpu.memory_space<semaphore_mem>>) src(%dma_wait3A_133 : memref<1048576xf32, #tpu.memory_space<vmem_shared>>) dst(%arg8 : memref<12800xf32, #tpu.memory_space<vmem>>)
    %parallel_loop3A_134 = arith.constant 0 : i32
    %parallel_loop3A_135 = arith.constant 12800 : i32
    %parallel_loop3A_136 = arith.constant 16 : i32
    scf.for %parallel_loop3A_176 = %parallel_loop3A_134 to %parallel_loop3A_135 step %parallel_loop3A_136  : i32 {
      %parallel_loop3A_177 = arith.index_cast %parallel_loop3A_176 : i32 to index
      %parallel_loop3A_178 = tpu.vector_load %arg8[%parallel_loop3A_177] {strides = array<i32>} : memref<12800xf32, #tpu.memory_space<vmem>>, vector<16xf32>,
      %parallel_loop3A_179 = vector.shape_cast %parallel_loop3A_178 : vector<16xf32> to vector<16xf32>
      %parallel_loop3A_180 = arith.constant 0.000000e+00 : f32
      %parallel_loop3A_181 = vector.broadcast %parallel_loop3A_180 : f32 to vector<16xf32>
      %parallel_loop3A_182 = arith.subf %parallel_loop3A_181, %parallel_loop3A_179 : vector<16xf32>
      %parallel_loop3A_183 = math.exp %parallel_loop3A_182 : vector<16xf32>
      %parallel_loop3A_184 = arith.constant 1.000000e+00 : f32
      %parallel_loop3A_185 = vector.broadcast %parallel_loop3A_184 : f32 to vector<16xf32>
      %parallel_loop3A_186 = arith.addf %parallel_loop3A_185, %parallel_loop3A_183 : vector<16xf32>
      %parallel_loop3A_187 = arith.constant 1.000000e+00 : f32
      %parallel_loop3A_188 = vector.broadcast %parallel_loop3A_187 : f32 to vector<16xf32>
      %parallel_loop3A_189 = arith.divf %parallel_loop3A_188, %parallel_loop3A_186 : vector<16xf32>
      %parallel_loop3A_190 = arith.index_cast %parallel_loop3A_176 : i32 to index
      %parallel_loop3A_191 = tpu.vector_load %arg8[%parallel_loop3A_190] {strides = array<i32>} : memref<12800xf32, #tpu.memory_space<vmem>>, vector<16xf32>,
      %parallel_loop3A_192 = vector.shape_cast %parallel_loop3A_191 : vector<16xf32> to vector<16xf32>
      %parallel_loop3A_193 = vector.shape_cast %parallel_loop3A_189 : vector<16xf32> to vector<16xf32>
      tpu.vector_store %arg8[%parallel_loop3A_190], %parallel_loop3A_193 {strides = array<i32>} : memref<12800xf32, #tpu.memory_space<vmem>>, vector<16xf32>,
    } {sc.loop_unroll_factor = 8 : i64, sc.parallel_access}
    %add3A_137 = arith.constant 64000 : i32
    %add3A_138 = arith.addi %mul3A_2, %add3A_137 : i32
    %dma_start3A_139 = tpu.memref_slice %arg4[%add3A_138] : memref<3276800xf32, #tpu.memory_space<hbm>> -> memref<12800xf32, #tpu.memory_space<hbm>>
    %dma_start3A_140 = tpu.memref_slice %arg4[%add3A_138] : memref<3276800xf32, #tpu.memory_space<hbm>> -> memref<12800xf32, #tpu.memory_space<hbm>>
    tpu.enqueue_dma source(%arg8 : memref<12800xf32, #tpu.memory_space<vmem>>) target(%dma_start3A_140 : memref<12800xf32, #tpu.memory_space<hbm>>) target_semaphore(%arg12 : memref<!tpu.dma_semaphore, #tpu.memory_space<semaphore_mem>>)
    %add3A_141 = arith.constant 89600 : i32
    %add3A_142 = arith.addi %mul3A_2, %add3A_141 : i32
    %dma_start3A_143 = tpu.memref_slice %arg3[%add3A_142] : memref<3276800xi32, #tpu.memory_space<hbm>> -> memref<12800xi32, #tpu.memory_space<hbm>>
    %dma_start3A_144 = tpu.memref_slice %arg3[%add3A_142] : memref<3276800xi32, #tpu.memory_space<hbm>> -> memref<12800xi32, #tpu.memory_space<hbm>>
    tpu.enqueue_dma source(%dma_start3A_144 : memref<12800xi32, #tpu.memory_space<hbm>>) target(%arg6 : memref<12800xi32, #tpu.memory_space<vmem>>) target_semaphore(%arg10 : memref<!tpu.dma_semaphore, #tpu.memory_space<semaphore_mem>>)
    %dma_wait3A_145 = tpu.memref_slice %arg3[%add3A_142] : memref<3276800xi32, #tpu.memory_space<hbm>> -> memref<12800xi32, #tpu.memory_space<hbm>>
    %dma_wait3A_146 = tpu.memref_slice %arg3[%add3A_142] : memref<3276800xi32, #tpu.memory_space<hbm>> -> memref<12800xi32, #tpu.memory_space<hbm>>
    tpu.wait_dma2 semaphore(%arg10 : memref<!tpu.dma_semaphore, #tpu.memory_space<semaphore_mem>>) src(%dma_wait3A_146 : memref<12800xi32, #tpu.memory_space<hbm>>) dst(%arg6 : memref<12800xi32, #tpu.memory_space<vmem>>)
    %parallel_loop3A_147 = arith.constant 0 : i32
    %parallel_loop3A_148 = arith.constant 12800 : i32
    %parallel_loop3A_149 = arith.constant 16 : i32
    scf.for %parallel_loop3A_176 = %parallel_loop3A_147 to %parallel_loop3A_148 step %parallel_loop3A_149  : i32 {
      %parallel_loop3A_177 = arith.index_cast %parallel_loop3A_176 : i32 to index
      %parallel_loop3A_178 = tpu.vector_load %arg6[%parallel_loop3A_177] {strides = array<i32>} : memref<12800xi32, #tpu.memory_space<vmem>>, vector<16xi32>,
      %parallel_loop3A_179 = vector.shape_cast %parallel_loop3A_178 : vector<16xi32> to vector<16xi32>
      %parallel_loop3A_180 = arith.constant 0 : i32
      %parallel_loop3A_181 = vector.broadcast %parallel_loop3A_180 : i32 to vector<16xi32>
      %parallel_loop3A_182 = arith.cmpi eq, %parallel_loop3A_179, %parallel_loop3A_181 : vector<16xi32>
      %parallel_loop3A_183 = arith.constant 1 : i32
      %parallel_loop3A_184 = vector.broadcast %parallel_loop3A_183 : i32 to vector<16xi32>
      %parallel_loop3A_185 = arith.subi %parallel_loop3A_179, %parallel_loop3A_184 : vector<16xi32>
      %parallel_loop3A_186 = arith.constant 999999 : i32
      %parallel_loop3A_187 = vector.broadcast %parallel_loop3A_186 : i32 to vector<16xi32>
      %parallel_loop3A_188 = arith.select %parallel_loop3A_182, %parallel_loop3A_187, %parallel_loop3A_185 : vector<16xi1>, vector<16xi32>
      %parallel_loop3A_189 = arith.index_cast %parallel_loop3A_176 : i32 to index
      %parallel_loop3A_190 = tpu.vector_load %arg6[%parallel_loop3A_189] {strides = array<i32>} : memref<12800xi32, #tpu.memory_space<vmem>>, vector<16xi32>,
      %parallel_loop3A_191 = vector.shape_cast %parallel_loop3A_190 : vector<16xi32> to vector<16xi32>
      %parallel_loop3A_192 = vector.shape_cast %parallel_loop3A_188 : vector<16xi32> to vector<16xi32>
      tpu.vector_store %arg6[%parallel_loop3A_189], %parallel_loop3A_192 {strides = array<i32>} : memref<12800xi32, #tpu.memory_space<vmem>>, vector<16xi32>,
    } {sc.loop_unroll_factor = 8 : i64, sc.parallel_access}
    %dma_wait3A_150 = tpu.memref_slice %arg4[%add3A_138] : memref<3276800xf32, #tpu.memory_space<hbm>> -> memref<12800xf32, #tpu.memory_space<hbm>>
    %dma_wait3A_151 = tpu.memref_slice %arg4[%add3A_138] : memref<3276800xf32, #tpu.memory_space<hbm>> -> memref<12800xf32, #tpu.memory_space<hbm>>
    tpu.wait_dma2 semaphore(%arg12 : memref<!tpu.dma_semaphore, #tpu.memory_space<semaphore_mem>>) src(%arg8 : memref<12800xf32, #tpu.memory_space<vmem>>) dst(%dma_wait3A_151 : memref<12800xf32, #tpu.memory_space<hbm>>)
    %dma_start3A_152 = arith.constant 0 : i32
    %dma_start3A_153 = tpu.memref_slice %arg9[%dma_start3A_152] : memref<1048576xf32, #tpu.memory_space<vmem_shared>> -> memref<1048576xf32, #tpu.memory_space<vmem_shared>>
    tpu.enqueue_indirect_dma source(%dma_start3A_153 : memref<1048576xf32, #tpu.memory_space<vmem_shared>>) target(%arg8 : memref<12800xf32, #tpu.memory_space<vmem>>) offsets(%arg6 : memref<12800xi32, #tpu.memory_space<vmem>>) semaphore(%arg11 : memref<!tpu.dma_semaphore, #tpu.memory_space<semaphore_mem>>)
    %dma_wait3A_154 = arith.constant 0 : i32
    %dma_wait3A_155 = tpu.memref_slice %arg9[%dma_wait3A_154] : memref<1048576xf32, #tpu.memory_space<vmem_shared>> -> memref<1048576xf32, #tpu.memory_space<vmem_shared>>
    tpu.wait_indirect_dma semaphore(%arg11 : memref<!tpu.dma_semaphore, #tpu.memory_space<semaphore_mem>>) src(%dma_wait3A_155 : memref<1048576xf32, #tpu.memory_space<vmem_shared>>) dst(%arg7 : memref<12800xf32, #tpu.memory_space<vmem>>)
    %parallel_loop3A_156 = arith.constant 0 : i32
    %parallel_loop3A_157 = arith.constant 12800 : i32
    %parallel_loop3A_158 = arith.constant 16 : i32
    scf.for %parallel_loop3A_176 = %parallel_loop3A_156 to %parallel_loop3A_157 step %parallel_loop3A_158  : i32 {
      %parallel_loop3A_177 = arith.index_cast %parallel_loop3A_176 : i32 to index
      %parallel_loop3A_178 = tpu.vector_load %arg7[%parallel_loop3A_177] {strides = array<i32>} : memref<12800xf32, #tpu.memory_space<vmem>>, vector<16xf32>,
      %parallel_loop3A_179 = vector.shape_cast %parallel_loop3A_178 : vector<16xf32> to vector<16xf32>
      %parallel_loop3A_180 = arith.constant 0.000000e+00 : f32
      %parallel_loop3A_181 = vector.broadcast %parallel_loop3A_180 : f32 to vector<16xf32>
      %parallel_loop3A_182 = arith.subf %parallel_loop3A_181, %parallel_loop3A_179 : vector<16xf32>
      %parallel_loop3A_183 = math.exp %parallel_loop3A_182 : vector<16xf32>
      %parallel_loop3A_184 = arith.constant 1.000000e+00 : f32
      %parallel_loop3A_185 = vector.broadcast %parallel_loop3A_184 : f32 to vector<16xf32>
      %parallel_loop3A_186 = arith.addf %parallel_loop3A_185, %parallel_loop3A_183 : vector<16xf32>
      %parallel_loop3A_187 = arith.constant 1.000000e+00 : f32
      %parallel_loop3A_188 = vector.broadcast %parallel_loop3A_187 : f32 to vector<16xf32>
      %parallel_loop3A_189 = arith.divf %parallel_loop3A_188, %parallel_loop3A_186 : vector<16xf32>
      %parallel_loop3A_190 = arith.index_cast %parallel_loop3A_176 : i32 to index
      %parallel_loop3A_191 = tpu.vector_load %arg7[%parallel_loop3A_190] {strides = array<i32>} : memref<12800xf32, #tpu.memory_space<vmem>>, vector<16xf32>,
      %parallel_loop3A_192 = vector.shape_cast %parallel_loop3A_191 : vector<16xf32> to vector<16xf32>
      %parallel_loop3A_193 = vector.shape_cast %parallel_loop3A_189 : vector<16xf32> to vector<16xf32>
      tpu.vector_store %arg7[%parallel_loop3A_190], %parallel_loop3A_193 {strides = array<i32>} : memref<12800xf32, #tpu.memory_space<vmem>>, vector<16xf32>,
    } {sc.loop_unroll_factor = 8 : i64, sc.parallel_access}
    %add3A_159 = arith.constant 76800 : i32
    %add3A_160 = arith.addi %mul3A_2, %add3A_159 : i32
    %dma_start3A_161 = tpu.memref_slice %arg4[%add3A_160] : memref<3276800xf32, #tpu.memory_space<hbm>> -> memref<12800xf32, #tpu.memory_space<hbm>>
    %dma_start3A_162 = tpu.memref_slice %arg4[%add3A_160] : memref<3276800xf32, #tpu.memory_space<hbm>> -> memref<12800xf32, #tpu.memory_space<hbm>>
    tpu.enqueue_dma source(%arg7 : memref<12800xf32, #tpu.memory_space<vmem>>) target(%dma_start3A_162 : memref<12800xf32, #tpu.memory_space<hbm>>) target_semaphore(%arg12 : memref<!tpu.dma_semaphore, #tpu.memory_space<semaphore_mem>>)
    %dma_wait3A_163 = arith.constant 0 : i32
    %dma_wait3A_164 = tpu.memref_slice %arg9[%dma_wait3A_163] : memref<1048576xf32, #tpu.memory_space<vmem_shared>> -> memref<1048576xf32, #tpu.memory_space<vmem_shared>>
    tpu.wait_indirect_dma semaphore(%arg11 : memref<!tpu.dma_semaphore, #tpu.memory_space<semaphore_mem>>) src(%dma_wait3A_164 : memref<1048576xf32, #tpu.memory_space<vmem_shared>>) dst(%arg8 : memref<12800xf32, #tpu.memory_space<vmem>>)
    %parallel_loop3A_165 = arith.constant 0 : i32
    %parallel_loop3A_166 = arith.constant 12800 : i32
    %parallel_loop3A_167 = arith.constant 16 : i32
    scf.for %parallel_loop3A_176 = %parallel_loop3A_165 to %parallel_loop3A_166 step %parallel_loop3A_167  : i32 {
      %parallel_loop3A_177 = arith.index_cast %parallel_loop3A_176 : i32 to index
      %parallel_loop3A_178 = tpu.vector_load %arg8[%parallel_loop3A_177] {strides = array<i32>} : memref<12800xf32, #tpu.memory_space<vmem>>, vector<16xf32>,
      %parallel_loop3A_179 = vector.shape_cast %parallel_loop3A_178 : vector<16xf32> to vector<16xf32>
      %parallel_loop3A_180 = arith.constant 0.000000e+00 : f32
      %parallel_loop3A_181 = vector.broadcast %parallel_loop3A_180 : f32 to vector<16xf32>
      %parallel_loop3A_182 = arith.subf %parallel_loop3A_181, %parallel_loop3A_179 : vector<16xf32>
      %parallel_loop3A_183 = math.exp %parallel_loop3A_182 : vector<16xf32>
      %parallel_loop3A_184 = arith.constant 1.000000e+00 : f32
      %parallel_loop3A_185 = vector.broadcast %parallel_loop3A_184 : f32 to vector<16xf32>
      %parallel_loop3A_186 = arith.addf %parallel_loop3A_185, %parallel_loop3A_183 : vector<16xf32>
      %parallel_loop3A_187 = arith.constant 1.000000e+00 : f32
      %parallel_loop3A_188 = vector.broadcast %parallel_loop3A_187 : f32 to vector<16xf32>
      %parallel_loop3A_189 = arith.divf %parallel_loop3A_188, %parallel_loop3A_186 : vector<16xf32>
      %parallel_loop3A_190 = arith.index_cast %parallel_loop3A_176 : i32 to index
      %parallel_loop3A_191 = tpu.vector_load %arg8[%parallel_loop3A_190] {strides = array<i32>} : memref<12800xf32, #tpu.memory_space<vmem>>, vector<16xf32>,
      %parallel_loop3A_192 = vector.shape_cast %parallel_loop3A_191 : vector<16xf32> to vector<16xf32>
      %parallel_loop3A_193 = vector.shape_cast %parallel_loop3A_189 : vector<16xf32> to vector<16xf32>
      tpu.vector_store %arg8[%parallel_loop3A_190], %parallel_loop3A_193 {strides = array<i32>} : memref<12800xf32, #tpu.memory_space<vmem>>, vector<16xf32>,
    } {sc.loop_unroll_factor = 8 : i64, sc.parallel_access}
    %add3A_168 = arith.constant 89600 : i32
    %add3A_169 = arith.addi %mul3A_2, %add3A_168 : i32
    %dma_start3A_170 = tpu.memref_slice %arg4[%add3A_169] : memref<3276800xf32, #tpu.memory_space<hbm>> -> memref<12800xf32, #tpu.memory_space<hbm>>
    %dma_start3A_171 = tpu.memref_slice %arg4[%add3A_169] : memref<3276800xf32, #tpu.memory_space<hbm>> -> memref<12800xf32, #tpu.memory_space<hbm>>
    tpu.enqueue_dma source(%arg8 : memref<12800xf32, #tpu.memory_space<vmem>>) target(%dma_start3A_171 : memref<12800xf32, #tpu.memory_space<hbm>>) target_semaphore(%arg12 : memref<!tpu.dma_semaphore, #tpu.memory_space<semaphore_mem>>)
    %dma_wait3A_172 = tpu.memref_slice %arg4[%add3A_160] : memref<3276800xf32, #tpu.memory_space<hbm>> -> memref<12800xf32, #tpu.memory_space<hbm>>
    %dma_wait3A_173 = tpu.memref_slice %arg4[%add3A_160] : memref<3276800xf32, #tpu.memory_space<hbm>> -> memref<12800xf32, #tpu.memory_space<hbm>>
    tpu.wait_dma2 semaphore(%arg12 : memref<!tpu.dma_semaphore, #tpu.memory_space<semaphore_mem>>) src(%arg7 : memref<12800xf32, #tpu.memory_space<vmem>>) dst(%dma_wait3A_173 : memref<12800xf32, #tpu.memory_space<hbm>>)
    %dma_wait3A_174 = tpu.memref_slice %arg4[%add3A_169] : memref<3276800xf32, #tpu.memory_space<hbm>> -> memref<12800xf32, #tpu.memory_space<hbm>>
    %dma_wait3A_175 = tpu.memref_slice %arg4[%add3A_169] : memref<3276800xf32, #tpu.memory_space<hbm>> -> memref<12800xf32, #tpu.memory_space<hbm>>
    tpu.wait_dma2 semaphore(%arg12 : memref<!tpu.dma_semaphore, #tpu.memory_space<semaphore_mem>>) src(%arg8 : memref<12800xf32, #tpu.memory_space<vmem>>) dst(%dma_wait3A_175 : memref<12800xf32, #tpu.memory_space<hbm>>)
    return
  }
}

</mosaic_0001>

<sc_bundles>
// kernel: kernel.3.cloned.1.call-start
scs
__scs_entry_jumppad:
0x0: {  	(pc) =	sbr.rel $0x88, $3  }
0x1: {  	(tag) =	ssettag $0x0;
	lr =	simm.s32 $0x1  }
0x2: {  	[smem:$0x3F9F] =	sst lr;
	_ =	strace $0xD0000000  }
0x3: {  	_ = 	snop  }
0x4: {  	_ = 	snop  }
0x5: {  	_ = 	snop  }
0x6: {  	_ = 	snop  }
0x7: {  	_ = 	snop  }
__scs_overlays_trampoline_lowered:
0x8: {  	[smem:$0x3FAE] =	sst s0  }
0x9: {  	[smem:$0x3FAF] =	sst s1  }
0xa: {  	[smem:$0x3FB0] =	sst s2  }
0xb: {  	[smem:$0x3FB1] =	sst s3  }
0xc: {  	[smem:$0x3FB2] =	sst s4  }
0xd: {  	[smem:$0x3FB3] =	sst s5  }
0xe: {  	[smem:$0x3FB4] =	sst s6  }
0xf: {  	[smem:$0x3FB5] =	sst s7  }
0x10: {  	[smem:$0x3FB6] =	sst s8  }
0x11: {  	[smem:$0x3FB7] =	sst s9;
	s0 =	simm.s32 @!p0 $0x0  }
0x12: {  	s1 =	sld [smem:$0x3F9D];
	s0 =	simm.s32 @p0 $0x1  }
0x13: {  	[smem:$0x3FB8] =	sst s0;
	s0 =	simm.s32 @!p1 $0x0  }
0x14: {  	s2 =	sld [smem:$0x3F9C];
	s0 =	simm.s32 @p1 $0x1  }
0x15: {  	[smem:$0x3FB9] =	sst s0;
	s0 =	simm.s32 @!p2 $0x0  }
0x16: {  	s3 =	sld [smem:$0x3FDB];
	s0 =	simm.s32 @p2 $0x1  }
0x17: {  	s4 =	simm.s32 $0x1BF5;
	[smem:$0x3FBB] =	sst s0  }
0x18: {  	s0 =	sld [smem:$0x3F9E];
	_ =	swait.ge [sflag:s4], $0x0  }
0x19: {  	s7 =	sld [smem:$0x3F9F]  }
0x1a: {  	s8 =	sadd.s32 $0xFFFFE003, lr  }
0x1b: {  	s9 =	sadd.s32 $0xFFFFFEF7, lr;
	s5 =	simm.s32 $0xFFFFFFFF;
	p2 =	slt.u32 s8, $0xFFFFF086  }
0x1c: {  	p1 =	slt.u32 s9, $0xF7A;
	s5 =	simm.s32 @!p2 $0x0  }
0x1d: {  	s5 =	simm.s32 @p1 $0x1;
	p0 =	seq.s32 s7, s2  }
0x1e: {  	s7 =	smul.u32 @!p0 $0xF7A, s2;
	p2 =	seq.s32 @!p0 s5, $0x0  }
0x1f: {  	s9 =	smul.u32 $0xF7A, s1;
	s8 =	simm.s32 @!p0 $0x1BF5;
	p2 =	por !p2, p0  }
0x20: {  	[sflag:s8] =	ssyncset.s32 @!p0 $0xFFFFF086;
	s6 =	sadd.s32 @!p0 s3, s7;
	s7 =	simm.s32 @!p0 $0x108  }
0x21: {  	s3 =	sadd.s32 s3, s9;
	s6 =	sadd.s32 @!p0 $0x88, s6;
	s7 =	simm.s32 @p2 $0x1082  }
0x22: {  	[simem:s7], [sflag:s8] =	dma.local @!p0 [hbm:s6], $0xF7A  }
0x23: {  	s9 =	sor.u32 $0xD0000000, s2;
	s6 =	simm.s32 $0x108;
	_ =	swait.ge @!p0 [sflag:s8], $0x0  }
0x24: {  	s3 =	sadd.s32 $0x88, s3;
	s6 =	simm.s32 @!p1 $0x1082;
	[sflag:s4] =	ssyncset.s32 $0xFFFFF086  }
0x25: {  	[simem:s6], [sflag:s4] =	dma.local [hbm:s3], $0xF7A  }
0x26: {  	[smem:$0x3F9F] =	sst s1;
	(tag) =	ssettag s2;
	_ =	strace s9  }
0x27: {  	s1 =	sld [smem:$0x3FAF]  }
0x28: {  	s2 =	sld [smem:$0x3FB0]  }
0x29: {  	s4 =	sld [smem:$0x3FB2]  }
0x2a: {  	p0 =	seq.s32 s5, $0x0;
	s5 =	sld [smem:$0x3FB3]  }
0x2b: {  	s6 =	sld [smem:$0x3FB4]  }
0x2c: {  	s7 =	sld [smem:$0x3FB5]  }
0x2d: {  	s3 =	simm.s32 $0x108;
	s8 =	sld [smem:$0x3FB6]  }
0x2e: {  	s3 =	simm.s32 @!p0 $0x1082;
	s9 =	sld [smem:$0x3FB7]  }
0x2f: {  	lr =	sadd.s32 s0, s3;
	s0 =	sld [smem:$0x3FAE]  }
0x30: {  	s3 =	sld [smem:$0x3FB1]  }
0x31: {  	[smem:$0x3FBA] =	sst s10  }
0x32: {  	s10 =	sld [smem:$0x3FB8];
	_ =	sdelay $0x3  }
0x33: {  	p0 =	seq.s32 s10, $0x1;
	s10 =	sld [smem:$0x3FBA];
	_ =	sdelay $0x3  }
0x34: {  	[smem:$0x3FBA] =	sst s10  }
0x35: {  	s10 =	sld [smem:$0x3FB9];
	_ =	sdelay $0x3  }
0x36: {  	p1 =	seq.s32 s10, $0x1;
	s10 =	sld [smem:$0x3FBA];
	_ =	sdelay $0x3  }
0x37: {  	[smem:$0x3FBA] =	sst s10  }
0x38: {  	s10 =	sld [smem:$0x3FBB]  }
0x39: {  	_ = 	snop;
	(pc) =	sbr.ind lr, $3  }
0x3a: {  	_ = 	snop  }
0x3b: {  	_ = 	snop  }
0x3c: {  	p2 =	seq.s32 s10, $0x1;
	s10 =	sld [smem:$0x3FBA]  }
0x3d: {  	_ =	shalt  }
0x3e: {  	_ =	shalt  }
0x3f: {  	_ =	shalt  }
0x40: {  	_ =	shalt  }
0x41: {  	_ =	shalt  }
0x42: {  	_ =	shalt  }
0x43: {  	_ =	shalt  }
0x44: {  	_ =	shalt  }
0x45: {  	_ =	shalt  }
0x46: {  	_ =	shalt  }
0x47: {  	_ =	shalt  }
0x48: {  	_ =	shalt  }
0x49: {  	_ =	shalt  }
0x4a: {  	_ =	shalt  }
0x4b: {  	_ =	shalt  }
0x4c: {  	_ =	shalt  }
0x4d: {  	_ =	shalt  }
0x4e: {  	_ =	shalt  }
0x4f: {  	_ =	shalt  }
0x50: {  	_ =	shalt  }
0x51: {  	_ =	shalt  }
0x52: {  	_ =	shalt  }
0x53: {  	_ =	shalt  }
0x54: {  	_ =	shalt  }
0x55: {  	_ =	shalt  }
0x56: {  	_ =	shalt  }
0x57: {  	_ =	shalt  }
0x58: {  	_ =	shalt  }
0x59: {  	_ =	shalt  }
0x5a: {  	_ =	shalt  }
0x5b: {  	_ =	shalt  }
0x5c: {  	_ =	shalt  }
0x5d: {  	_ =	shalt  }
0x5e: {  	_ =	shalt  }
0x5f: {  	_ =	shalt  }
0x60: {  	_ =	shalt  }
0x61: {  	_ =	shalt  }
0x62: {  	_ =	shalt  }
0x63: {  	_ =	shalt  }
0x64: {  	_ =	shalt  }
0x65: {  	_ =	shalt  }
0x66: {  	_ =	shalt  }
0x67: {  	_ =	shalt  }
0x68: {  	_ =	shalt  }
0x69: {  	_ =	shalt  }
0x6a: {  	_ =	shalt  }
0x6b: {  	_ =	shalt  }
0x6c: {  	_ =	shalt  }
0x6d: {  	_ =	shalt  }
0x6e: {  	_ =	shalt  }
0x6f: {  	_ =	shalt  }
0x70: {  	_ =	shalt  }
0x71: {  	_ =	shalt  }
0x72: {  	_ =	shalt  }
0x73: {  	_ =	shalt  }
0x74: {  	_ =	shalt  }
0x75: {  	_ =	shalt  }
0x76: {  	_ =	shalt  }
0x77: {  	_ =	shalt  }
0x78: {  	_ =	shalt  }
0x79: {  	_ =	shalt  }
0x7a: {  	_ =	shalt  }
0x7b: {  	_ =	shalt  }
0x7c: {  	_ =	shalt  }
0x7d: {  	_ =	shalt  }
0x7e: {  	_ =	shalt  }
0x7f: {  	_ =	shalt  }
0x80: {  	_ =	shalt  }
0x81: {  	_ =	shalt  }
0x82: {  	_ =	shalt  }
0x83: {  	_ =	shalt  }
0x84: {  	_ =	shalt  }
0x85: {  	_ =	shalt  }
0x86: {  	_ =	shalt  }
0x87: {  	_ =	shalt  }
.Lfunc_end0:
.L_simem_size_0:
called_computation_lowered:
.L_overlay_start_0:
0x88: {  	s2 =	sld [smem:$0x3FD9]  }
0x89: {  	s3 =	sld [smem:$0x3FFE];
	_ =	sdelay $0x1  }
0x8a: {  	s1 =	srdreg.scid  }
0x8b: {  	s0 =	sand.u32 $0x1, s1  }
0x8c: {  	s17 =	sshll.u32 s0, $0xA;
	s2 =	sadd.s32 s3, s2  }
0x8d: {  	s2 =	sadd.s32 s2, s17  }
0x8e: {  	[smem:$0x3FC6] =	sst s2  }
0x8f: {  	_ = 	snop  }
0x90: {  	s2 =	sld [smem:$0x3FD0];
	(tm) =	ssettm $0x1  }
0x91: {  	s18 =	sld [smem:$0x3FFB];
	_ =	sdelay $0x3  }
0x92: {  	_ =	strace s18  }
0x93: {  	s3 =	sld [smem:$0x3FFC];
	_ =	sdelay $0x3  }
0x94: {  	_ =	strace s3  }
0x95: {  	s3 =	sld [smem:$0x3FFD];
	_ =	sdelay $0x3  }
0x96: {  	_ =	strace s3  }
0x97: {  	_ =	strace $0x8FFFFFFF  }
0x98: {  	s19 =	sld [smem:$0x3FDB];
	_ =	sdelay $0x1  }
0x99: {  	s4 =	simm.s32 $_scs_section_size  }
0x9a: {  	s5 =	simm.s32 $_size__tile_overlayer_lowered;
	s6 =	simm.s32 $_tile_overlayer_lowered  }
0x9b: {  	s22 =	simm.s32 $0x1BFF;
	s21 =	sshll.u32 s6, $0x1;
	s3 =	sadd.s32 s4, s19  }
0x9c: {  	s7 =	simm.s32 $0x0;
	s20 =	sshll.u32 s5, $0x1;
	s5 =	sadd.s32 s21, s3  }
0x9d: {  	[timem:s7], [sflag:s22] =	dma.local [hbm:s5], s20  }
0x9e: {  	_ =	swait.ge [sflag:s22], s20  }
0x9f: {  	s4 =	ssub.s32 $0x0, s20;
	[sflag:s22] =	ssyncset.done $0x0  }
0xa0: {  	[sflag:s22] =	ssyncadd.s32 s4;
	_ =	sdelay $0x1  }
0xa1: {  	s23 =	simm.s32 $0x1B8B  }
0xa2: {  	_ =	swait.ge [sflag:s23], $0x1  }
0xa3: {  	[sflag:s23] =	ssyncset.done $0x0  }
0xa4: {  	s25 =	simm.s32 $0x1B8E;
	s24 =	sld [smem:$0x3FFE];
	[sflag:s23] =	ssyncadd.s32 $0xFFFFFFFF  }
0xa5: {  	s26 =	simm.s32 $execute0_lowered;
	[smem:$0x3FD2] =	sst s25  }
0xa6: {  	s5 =	sshll.u32 s26, $0x1;
	_ =	strace $0x80000046;
	[dreg:$0x1] =	wrdreg $0xFFFFFFFF  }
0xa7: {  	s28 =	simm.s32 $_size_execute0_lowered;
	s3 =	sadd.s32 s3, s5;
	[dreg:$0x0] =	wrdreg $0x0  }
0xa8: {  	s5 =	sshll.u32 s28, $0x1;
	[dreg:$0x2] =	wrdreg s3  }
0xa9: {  	[dreg:$0x3] =	wrdreg s5  }
0xaa: {  	[dreg:$0x4] =	wrdreg $0xC0  }
0xab: {  	_ =	task [dreg:s7], $0x5FFFF  }
0xac: {  	[dreg:$0x1] =	wrdreg $0xFFFFFFFF  }
0xad: {  	[dreg:$0x0] =	wrdreg $0x60  }
0xae: {  	[dreg:$0x2] =	wrdreg s24  }
0xaf: {  	[dreg:$0x3] =	wrdreg s2  }
0xb0: {  	[dreg:$0x4] =	wrdreg $0xC8000  }
0xb1: {  	[dreg:$0x5] =	wrdreg $0x9  }
0xb2: {  	_ =	task.clear_ibuf [dreg:s7], $0x6FFFF;
	_ =	strace $0x90000046  }
0xb3: {  	s29 =	simm.s32 $0x9;
	_ =	strace $0x80000048  }
0xb4: {  	_ =	swait.ge [sflag:s29], $0x1  }
0xb5: {  	[sflag:s29] =	ssyncadd.s32 $0xFFFFFFFF  }
0xb6: {  	_ =	strace $0x90000048  }
0xb7: {  	_ =	sfence  }
0xb8: {  	s30 =	sld [smem:$0x0];
	_ =	sdelay $0x2  }
0xb9: {  	s31 =	sshll.u32 s1, $0xD;
	s1 =	sshrl.u32 s1, $0x2  }
0xba: {  	s3 =	sand.u32 $0x4000, s31;
	s1 =	sadd.s32 s1, s30  }
0xbb: {  	s0 =	sor.u32 s3, s0;
	s1 =	sshll.u32 s1, $0x11  }
0xbc: {  	s0 =	sor.u32 s1, s0  }
0xbd: {  	s0 =	sadd.s32 $0x8F2B, s0  }
0xbe: {  	[sflag:s0] =	ssyncadd.remote.s32 $0x1  }
0xbf: {  	_ =	sfence.sel $0xFFFF  }
0xc0: {  	[dreg:$0x0] =	wrdreg $0xFFFFFFFF;
	(pc) =	sbr.abs _section_cstart, $3  }
0xc1: {  	[dreg:$0x1] =	wrdreg $0xFFFFFFFF  }
0xc2: {  	_ =	task.clear_ibuf [dreg:s7], $0x2FFFF;
	_ =	strace $0x9FFFFFFF  }
0xc3: {  	(tm) =	ssettm $0x7FFFFFFF  }
tec
execute0_lowered:
.L_overlay_start_1:
0x0: {  	(tag) =	ssettag $0x1  }
0x1: {  	s0 =	rddreg [dreg:$0x0]  }
0x2: {  	s1 =	rddreg [dreg:$0x1]  }
0x3: {  	s2 =	rddreg [dreg:$0x2];
	s8 =	stileid.u32  }
0x4: {  	s4 =	srdreg.scid;
	s3 =	simm.s32 $0x0;
	s28 =	simm.s32 $0x9600  }
0x5: {  	s29 =	simm.s32 $0x2;
	s30 =	simm.s32 $0x3;
	s31 =	simm.s32 $0x0  }
0x6: {  	s4 =	sand.u32 $0x1, s4;
	s5 =	sshll.u32 s8, $0x1;
	[smem:$0x7FF] =	sst s3  }
0x7: {  	s6 =	sshll.u32 s8, $0xD;
	s21 =	sshll.u32 s8, $0x10;
	s5 =	sor.u32 s4, s5  }
0x8: {  	s4 =	ssub.s32 $0x2, s4;
	_ =	strace $0x80000047;
	s6 =	sadd.s32 s6, s0  }
0x9: {  	s0 =	sadd.s32 $0x20600, s0;
	s23 =	sadd.s32 s21, s2;
	s5 =	smul.u32 $0x19000, s5  }
0xa: {  	s7 =	sshrl.u32 s4, $0x1;
	s6 =	sadd.s32 $0x600, s6;
	s23 =	sshrl.u32 s23, $0x3  }
0xb: {  	s4 =	ssub.s32 s4, s7;
	[dreg:$0x5] =	wrdreg s6;
	s5 =	sshrl.u32 s5, $0x3  }
0xc: {  	s21 =	smax.u32 s4, $0x1;
	s20 =	sadd.s32 s1, s5;
	s9 =	sadd.s32 $0x640, s5  }
0xd: {  	s7 =	sadd.s32 s0, s5;
	s24 =	sadd.s32 $0xC80, s5;
	s13 =	sadd.s32 $0x12C0, s5  }
0xe: {  	s25 =	sadd.s32 $0x1900, s5;
	s17 =	sadd.s32 $0x1F40, s5;
	s26 =	sadd.s32 $0x2580, s5  }
0xf: {  	s5 =	sadd.s32 $0x2BC0, s5;
	[dreg:$0x4] =	wrdreg s20;
	s22 =	sadd.s32 s1, s9  }
0x10: {  	s8 =	sadd.s32 s1, s24;
	s9 =	sadd.s32 s0, s9;
	s10 =	sadd.s32 s1, s13  }
0x11: {  	s11 =	sadd.s32 s0, s24;
	s12 =	sadd.s32 s1, s25;
	s13 =	sadd.s32 s0, s13  }
0x12: {  	s14 =	sadd.s32 s1, s17;
	s15 =	sadd.s32 s0, s25;
	s16 =	sadd.s32 s1, s26  }
0x13: {  	s17 =	sadd.s32 s0, s17;
	s18 =	sadd.s32 s1, s5;
	s19 =	sadd.s32 s0, s26  }
0x14: {  	s20 =	sadd.s32 s0, s5;
	s24 =	simm.s32 $0x4;
	s25 =	simm.s32 $0x3200  }
0x15: {  	s26 =	simm.s32 $0x6400;
	[dreg:$0x6] =	wrdreg s22;
	s22 =	simm.s32 $0x1  }
.LBB2_1:
0x16: {  	s0 =	rddreg [dreg:$0x4]  }
0x17: {  	[tilespmem:s3], [sflag:$0x1] =	stream.linear.gather [hbm4b:s0+s3], $0x3200, $0x38;
	[tilespmem:$0x1C800] =	vst v63  }
0x18: {  	_ =	swait.ge [sflag:s22], $0x3200  }
0x19: {  	[sflag:s22] =	ssyncset.done $0x0  }
0x1a: {  	s0 =	simm.s32 $0x40;
	[sflag:s22] =	ssyncadd.s32 $0xFFFFCE00  }
0x1b: {  	v2 =	vld [tilespmem:s0+$0x30]  }
0x1c: {  	v3 =	vld [tilespmem:s0+$0xFFFFFFD0]  }
0x1d: {  	v6 =	vld [tilespmem:s0+$0xFFFFFFE0]  }
0x1e: {  	v4 =	vld [tilespmem:s0+$0xFFFFFFF0]  }
0x1f: {  	v1 =	vld [tilespmem:s0+$0x0]  }
0x20: {  	v0 =	vld [tilespmem:s0+$0x10];
	vm0 =	veq.s32 v2, $0x0;
	v5 =	vadd.s32 $0xFFFFFFFF, v2  }
0x21: {  	vm1 =	veq.s32 v3, $0x0;
	v7 =	vadd.s32 $0xFFFFFFFF, v3;
	v2 =	vld [tilespmem:s0+$0x20];
	v8 =	vsel vm0, $0xF423F, v5  }
0x22: {  	s1 =	simm.s32 $0x0;
	s4 =	simm.s32 $0xC0;
	v3 =	vld [tilespmem:s0+$0xFFFFFFC0];
	v5 =	vsel vm1, $0xF423F, v7;
	vm0 =	veq.s32 v6, $0x0;
	v6 =	vadd.s32 $0xFFFFFFFF, v6;
	[tilespmem:s0+$0x30] =	vst v8  }
.LBB2_2:
0x23: {  	v7 =	vld [tilespmem:s4+$0x30];
	s1 =	sadd.s32 $0x80, s1;
	[tilespmem:s0+$0xFFFFFFD0] =	vst v5;
	v5 =	vsel vm0, $0xF423F, v6;
	vm0 =	veq.s32 v4, $0x0;
	v4 =	vadd.s32 $0xFFFFFFFF, v4  }
0x24: {  	v6 =	vld [tilespmem:s4+$0xFFFFFFD0];
	p0 =	slt.u32 s1, $0x3180;
	[tilespmem:s0+$0xFFFFFFE0] =	vst v5;
	v4 =	vsel vm0, $0xF423F, v4;
	vm0 =	veq.s32 v1, $0x0;
	v1 =	vadd.s32 $0xFFFFFFFF, v1  }
0x25: {  	v8 =	vld [tilespmem:s4+$0xFFFFFFE0];
	[tilespmem:s0+$0xFFFFFFF0] =	vst v4;
	v1 =	vsel vm0, $0xF423F, v1;
	vm0 =	veq.s32 v0, $0x0;
	v0 =	vadd.s32 $0xFFFFFFFF, v0  }
.Ltmp0:
0x26: {  	v4 =	vld [tilespmem:s4+$0xFFFFFFF0];
	[tilespmem:s0+$0x0] =	vst v1;
	v0 =	vsel vm0, $0xF423F, v0;
	vm0 =	veq.s32 v2, $0x0;
	v2 =	vadd.s32 $0xFFFFFFFF, v2;
	(pc) =	sbr.rel @p0 .LBB2_2-.Ltmp0, $4  }
0x27: {  	v1 =	vld [tilespmem:s4+$0x0];
	vm1 =	veq.s32 v3, $0x0;
	v3 =	vadd.s32 $0xFFFFFFFF, v3;
	[tilespmem:s0+$0x10] =	vst v0;
	v2 =	vsel vm0, $0xF423F, v2  }
0x28: {  	v0 =	vld [tilespmem:s4+$0x10];
	vm0 =	veq.s32 v7, $0x0;
	v5 =	vadd.s32 $0xFFFFFFFF, v7;
	v3 =	vsel vm1, $0xF423F, v3;
	[tilespmem:s0+$0x20] =	vst v2  }
0x29: {  	vm1 =	veq.s32 v6, $0x0;
	v6 =	vadd.s32 $0xFFFFFFFF, v6;
	v2 =	vld [tilespmem:s4+$0x20];
	v7 =	vsel vm0, $0xF423F, v5;
	[tilespmem:s0+$0xFFFFFFC0] =	vst v3;
	s0 =	smov.u32 s4  }
0x2a: {  	s4 =	sadd.s32 $0x80, s4;
	v3 =	vld [tilespmem:s0+$0xFFFFFFC0];
	v5 =	vsel vm1, $0xF423F, v6;
	vm0 =	veq.s32 v8, $0x0;
	v6 =	vadd.s32 $0xFFFFFFFF, v8;
	[tilespmem:s0+$0x30] =	vst v7  }
0x2b: {  	[tilespmem:s0+$0xFFFFFFD0] =	vst v5;
	v5 =	vsel vm0, $0xF423F, v6;
	vm0 =	veq.s32 v4, $0x0;
	v4 =	vadd.s32 $0xFFFFFFFF, v4  }
0x2c: {  	[tilespmem:s0+$0xFFFFFFE0] =	vst v5;
	v4 =	vsel vm0, $0xF423F, v4;
	vm0 =	veq.s32 v1, $0x0;
	v1 =	vadd.s32 $0xFFFFFFFF, v1  }
0x2d: {  	[tilespmem:s0+$0xFFFFFFF0] =	vst v4;
	v1 =	vsel vm0, $0xF423F, v1;
	vm0 =	veq.s32 v0, $0x0;
	v0 =	vadd.s32 $0xFFFFFFFF, v0  }
0x2e: {  	[tilespmem:s0+$0x0] =	vst v1;
	v0 =	vsel vm0, $0xF423F, v0;
	vm0 =	veq.s32 v2, $0x0;
	v1 =	vadd.s32 $0xFFFFFFFF, v2  }
0x2f: {  	vm1 =	veq.s32 v3, $0x0;
	v2 =	vadd.s32 $0xFFFFFFFF, v3;
	[tilespmem:s0+$0x10] =	vst v0;
	v0 =	vsel vm0, $0xF423F, v1  }
0x30: {  	s1 =	stileid.u32;
	v1 =	vsel vm1, $0xF423F, v2;
	[tilespmem:s0+$0x20] =	vst v0  }
0x31: {  	s1 =	sshll.u32 s1, $0x6;
	[tilespmem:s0+$0xFFFFFFC0] =	vst v1  }
0x32: {  	s4 =	sor.u32 $0x1C04, s1;
	s5 =	rddreg [dreg:$0x5]  }
0x33: {  	[spmem:s23], [sflag:s4] =	dma.local [hbm:s5], $0x2000  }
0x34: {  	_ =	swait.ge [sflag:s24], $0x2000  }
0x35: {  	[sflag:s24] =	ssyncset.done $0x0  }
0x36: {  	[sflag:s24] =	ssyncadd.s32 $0xFFFFE000  }
0x37: {  	[bflag:$0x0] =	sbarrier.arrive $0xFFFF  }
0x38: {  	[tilespmem:s26], [sflag:$0x2] =	stream.indirect.gather [spmem:s2], $0x1, s3, s25, $0xb8;
	[tilespmem:$0x1C800] =	vst v63  }
0x39: {  	s6 =	rddreg [dreg:$0x6]  }
0x3a: {  	[tilespmem:s25], [sflag:$0x1] =	stream.linear.gather [hbm4b:s6+s3], $0x3200, $0x38;
	[tilespmem:$0x1C800] =	vst v63  }
0x3b: {  	_ =	swait.ge [sflag:s22], $0x3200  }
0x3c: {  	[sflag:s22] =	ssyncset.done $0x0  }
0x3d: {  	s0 =	simm.s32 $0x3240;
	[sflag:s22] =	ssyncadd.s32 $0xFFFFCE00  }
0x3e: {  	v2 =	vld [tilespmem:s0+$0x30]  }
0x3f: {  	v3 =	vld [tilespmem:s0+$0xFFFFFFD0]  }
0x40: {  	v6 =	vld [tilespmem:s0+$0xFFFFFFE0]  }
0x41: {  	v4 =	vld [tilespmem:s0+$0xFFFFFFF0]  }
0x42: {  	v1 =	vld [tilespmem:s0+$0x0]  }
0x43: {  	v0 =	vld [tilespmem:s0+$0x10];
	vm0 =	veq.s32 v2, $0x0;
	v5 =	vadd.s32 $0xFFFFFFFF, v2  }
0x44: {  	vm1 =	veq.s32 v3, $0x0;
	v7 =	vadd.s32 $0xFFFFFFFF, v3;
	v2 =	vld [tilespmem:s0+$0x20];
	v8 =	vsel vm0, $0xF423F, v5  }
0x45: {  	s1 =	simm.s32 $0x0;
	s4 =	simm.s32 $0x32C0;
	v3 =	vld [tilespmem:s0+$0xFFFFFFC0];
	v5 =	vsel vm1, $0xF423F, v7;
	vm0 =	veq.s32 v6, $0x0;
	v6 =	vadd.s32 $0xFFFFFFFF, v6;
	[tilespmem:s0+$0x30] =	vst v8  }
.LBB2_4:
0x46: {  	v7 =	vld [tilespmem:s4+$0x30];
	s1 =	sadd.s32 $0x80, s1;
	[tilespmem:s0+$0xFFFFFFD0] =	vst v5;
	v5 =	vsel vm0, $0xF423F, v6;
	vm0 =	veq.s32 v4, $0x0;
	v4 =	vadd.s32 $0xFFFFFFFF, v4  }
0x47: {  	v6 =	vld [tilespmem:s4+$0xFFFFFFD0];
	p0 =	slt.u32 s1, $0x3180;
	[tilespmem:s0+$0xFFFFFFE0] =	vst v5;
	v4 =	vsel vm0, $0xF423F, v4;
	vm0 =	veq.s32 v1, $0x0;
	v1 =	vadd.s32 $0xFFFFFFFF, v1  }
0x48: {  	v8 =	vld [tilespmem:s4+$0xFFFFFFE0];
	[tilespmem:s0+$0xFFFFFFF0] =	vst v4;
	v1 =	vsel vm0, $0xF423F, v1;
	vm0 =	veq.s32 v0, $0x0;
	v0 =	vadd.s32 $0xFFFFFFFF, v0  }
.Ltmp1:
0x49: {  	v4 =	vld [tilespmem:s4+$0xFFFFFFF0];
	[tilespmem:s0+$0x0] =	vst v1;
	v0 =	vsel vm0, $0xF423F, v0;
	vm0 =	veq.s32 v2, $0x0;
	v2 =	vadd.s32 $0xFFFFFFFF, v2;
	(pc) =	sbr.rel @p0 .LBB2_4-.Ltmp1, $4  }
0x4a: {  	v1 =	vld [tilespmem:s4+$0x0];
	vm1 =	veq.s32 v3, $0x0;
	v3 =	vadd.s32 $0xFFFFFFFF, v3;
	[tilespmem:s0+$0x10] =	vst v0;
	v2 =	vsel vm0, $0xF423F, v2  }
0x4b: {  	v0 =	vld [tilespmem:s4+$0x10];
	vm0 =	veq.s32 v7, $0x0;
	v5 =	vadd.s32 $0xFFFFFFFF, v7;
	v3 =	vsel vm1, $0xF423F, v3;
	[tilespmem:s0+$0x20] =	vst v2  }
0x4c: {  	vm1 =	veq.s32 v6, $0x0;
	v6 =	vadd.s32 $0xFFFFFFFF, v6;
	v2 =	vld [tilespmem:s4+$0x20];
	v7 =	vsel vm0, $0xF423F, v5;
	[tilespmem:s0+$0xFFFFFFC0] =	vst v3;
	s0 =	smov.u32 s4  }
0x4d: {  	s4 =	sadd.s32 $0x80, s4;
	v3 =	vld [tilespmem:s0+$0xFFFFFFC0];
	v5 =	vsel vm1, $0xF423F, v6;
	vm0 =	veq.s32 v8, $0x0;
	v6 =	vadd.s32 $0xFFFFFFFF, v8;
	[tilespmem:s0+$0x30] =	vst v7  }
0x4e: {  	[tilespmem:s0+$0xFFFFFFD0] =	vst v5;
	v5 =	vsel vm0, $0xF423F, v6;
	vm12 =	veq.s32 v4, $0x0;
	v4 =	vadd.s32 $0xFFFFFFFF, v4  }
0x4f: {  	[tilespmem:s0+$0xFFFFFFE0] =	vst v5;
	v4 =	vsel vm12, $0xF423F, v4;
	vm13 =	veq.s32 v1, $0x0;
	v1 =	vadd.s32 $0xFFFFFFFF, v1  }
0x50: {  	[tilespmem:s0+$0xFFFFFFF0] =	vst v4;
	v1 =	vsel vm13, $0xF423F, v1;
	vm14 =	veq.s32 v0, $0x0;
	v0 =	vadd.s32 $0xFFFFFFFF, v0  }
0x51: {  	[tilespmem:s0+$0x0] =	vst v1;
	v0 =	vsel vm14, $0xF423F, v0;
	vm15 =	veq.s32 v2, $0x0;
	v1 =	vadd.s32 $0xFFFFFFFF, v2  }
0x52: {  	vm1 =	veq.s32 v3, $0x0;
	v2 =	vadd.s32 $0xFFFFFFFF, v3;
	[tilespmem:s0+$0x10] =	vst v0;
	v0 =	vsel vm15, $0xF423F, v1  }
0x53: {  	v1 =	vsel vm1, $0xF423F, v2;
	[tilespmem:s0+$0x20] =	vst v0  }
0x54: {  	[tilespmem:s0+$0xFFFFFFC0] =	vst v1  }
0x55: {  	[tilespmem:s28], [sflag:$0x2] =	stream.indirect.gather [spmem:s2], $0x1, s25, s25, $0xb8;
	[tilespmem:$0x1C800] =	vst v63  }
0x56: {  	_ =	swait.ge [sflag:s29], $0x3200  }
0x57: {  	[sflag:s29] =	ssyncset.done $0x0  }
0x58: {  	s1 =	simm.s32 $0x6440;
	[sflag:s29] =	ssyncadd.s32 $0xFFFFCE00  }
0x59: {  	v0 =	vld [tilespmem:s1+$0xFFFFFFC0]  }
0x5a: {  	v1 =	vld [tilespmem:s1+$0xFFFFFFE0];
	_ =	sdelay $0x2  }
0x5b: {  	v2 =	vld [tilespmem:s1+$0x20]  }
0x5c: {  	v3 =	vld [tilespmem:s1+$0x30];
	v0 =	vsub.f32 $0.0e+00, v0  }
0x5d: {  	v5 =	vld [tilespmem:s1+$0xFFFFFFF0];
	v1 =	vsub.f32 $0.0e+00, v1  }
0x5e: {  	v4 =	vld [tilespmem:s1+$0x10];
	v0 =	vmul.f32 $1.442695020e+00, v0  }
0x5f: {  	v1 =	vmul.f32 $1.442695020e+00, v1  }
0x60: {  	s0 =	simm.s32 $0x64C0;
	v6 =	vld [tilespmem:s1+$0xFFFFFFD0];
	(erf) = vpow2.f32 v0;
	v0 =	vsub.f32 $0.0e+00, v2  }
0x61: {  	v7 =	vld [tilespmem:s0+$0x30];
	v2 =	vsub.f32 $0.0e+00, v3;
	(erf) = vpow2.f32 v1  }
0x62: {  	v5 =	vsub.f32 $0.0e+00, v5;
	v1 =	vld [tilespmem:s1+$0x0];
	v0 =	vmul.f32 $1.442695020e+00, v0  }
0x63: {  	v3 =	vsub.f32 $0.0e+00, v4;
	v4 =	vld [tilespmem:s0+$0xFFFFFFC0];
	v2 =	vmul.f32 $1.442695020e+00, v2  }
0x64: {  	v5 =	vmul.f32 $1.442695020e+00, v5;
	(erf) = vpow2.f32 v0;
	v0 =	vld [tilespmem:s0+$0xFFFFFFE0]  }
0x65: {  	v6 =	vsub.f32 $0.0e+00, v6;
	v3 =	vmul.f32 $1.442695020e+00, v3;
	(erf) = vpow2.f32 v2;
	v2 =	vld [tilespmem:s0+$0x20];
	_ =	sdelay $0x1  }
0x66: {  	v6 =	vmul.f32 $1.442695020e+00, v6;
	v1 =	vsub.f32 $0.0e+00, v1;
	(erf) = vpow2.f32 v3  }
0x67: {  	v3 =	vsub.f32 $0.0e+00, v4;
	(erf) = vpow2.f32 v5  }
0x68: {  	v4 =	vld [tilespmem:s0+$0x10];
	v1 =	vmul.f32 $1.442695020e+00, v1;
	(erf) = vpow2.f32 v6;
	v5 =	vpop (erf);
	v0 =	vsub.f32 $0.0e+00, v0  }
0x69: {  	v9 =	vld [tilespmem:s0+$0x0];
	v7 =	vsub.f32 $0.0e+00, v7;
	v3 =	vmul.f32 $1.442695020e+00, v3;
	v8 =	vpop (erf);
	v2 =	vsub.f32 $0.0e+00, v2  }
0x6a: {  	v6 =	vld [tilespmem:s0+$0xFFFFFFF0];
	(erf) = vpow2.f32 v1;
	v8 =	vadd.f32 $1.000000000e+00, v8;
	v0 =	vmul.f32 $1.442695020e+00, v0  }
0x6b: {  	v7 =	vmul.f32 $1.442695020e+00, v7;
	(erf) = vpow2.f32 v3  }
0x6c: {  	s4 =	simm.s32 $0x6540;
	v2 =	vmul.f32 $1.442695020e+00, v2;
	(erf) = vrcp.f32 v8  }
0x6d: {  	v10 =	vld [tilespmem:s4+$0xFFFFFFC0];
	v4 =	vsub.f32 $0.0e+00, v4;
	v3 =	vpop (erf);
	(erf) = vpow2.f32 v0  }
0x6e: {  	v3 =	vadd.f32 $1.000000000e+00, v3;
	v0 =	vpop (erf);
	(erf) = vpow2.f32 v2;
	v2 =	vsub.f32 $0.0e+00, v9;
	v9 =	vld [tilespmem:s4+$0xFFFFFFE0]  }
0x6f: {  	v1 =	vld [tilespmem:s0+$0xFFFFFFD0];
	v6 =	vsub.f32 $0.0e+00, v6;
	v4 =	vmul.f32 $1.442695020e+00, v4;
	v8 =	vpop (erf);
	(erf) = vpow2.f32 v7  }
0x70: {  	v11 =	vld [tilespmem:s4+$0x30];
	v5 =	vadd.f32 $1.000000000e+00, v5;
	v7 =	vpop (erf);
	(erf) = vrcp.f32 v3  }
0x71: {  	v15 =	vld [tilespmem:s4+$0xFFFFFFD0];
	v3 =	vmul.f32 $1.442695020e+00, v6;
	v6 =	vadd.f32 $1.000000000e+00, v8;
	v8 =	vpop (erf);
	(erf) = vpow2.f32 v4  }
0x72: {  	v10 =	vsub.f32 $0.0e+00, v10;
	v4 =	vadd.f32 $1.000000000e+00, v8;
	(erf) = vrcp.f32 v5  }
0x73: {  	v8 =	vld [tilespmem:s4+$0x20];
	(erf) = vpow2.f32 v3;
	v3 =	vmul.f32 $1.442695020e+00, v2;
	v2 =	vsub.f32 $0.0e+00, v9  }
0x74: {  	v1 =	vsub.f32 $0.0e+00, v1;
	v5 =	vadd.f32 $1.000000000e+00, v7;
	v7 =	vpop (erf);
	v9 =	vld [tilespmem:s4+$0xFFFFFFF0]  }
0x75: {  	v12 =	vld [tilespmem:s4+$0x10];
	v13 =	vpop (erf);
	(erf) = vrcp.f32 v4;
	v16 =	vmul.f32 $1.442695020e+00, v2;
	v2 =	vsub.f32 $0.0e+00, v11  }
0x76: {  	v62 =	vsub.f32 $0.0e+00, v15;
	v1 =	vmul.f32 $1.442695020e+00, v1;
	(erf) = vrcp.f32 v6;
	v4 =	vpop (erf)  }
0x77: {  	v0 =	vadd.f32 $1.000000000e+00, v0;
	(erf) = vrcp.f32 v5;
	v5 =	vmul.f32 $1.442695020e+00, v10;
	v11 =	vpop (erf)  }
0x78: {  	v14 =	vld [tilespmem:s4+$0x0];
	v8 =	vsub.f32 $0.0e+00, v8;
	(erf) = vpow2.f32 v1;
	v6 =	vmul.f32 $1.442695020e+00, v2;
	v10 =	vpop (erf)  }
0x79: {  	v1 =	vadd.f32 $1.000000000e+00, v11;
	(erf) = vrcp.f32 v0;
	v9 =	vsub.f32 $0.0e+00, v9;
	v2 =	vpop (erf)  }
0x7a: {  	v17 =	vmul.f32 $1.442695020e+00, v8;
	(erf) = vpow2.f32 v3;
	v8 =	vsub.f32 $0.0e+00, v12;
	v11 =	vpop (erf)  }
0x7b: {  	v7 =	vadd.f32 $1.000000000e+00, v7;
	(erf) = vpow2.f32 v5;
	v5 =	vmul.f32 $1.442695020e+00, v9;
	v61 =	vpop (erf)  }
0x7c: {  	(erf) = vrcp.f32 v1;
	v8 =	vmul.f32 $1.442695020e+00, v8;
	v3 =	vpop (erf)  }
0x7d: {  	[tilespmem:s1+$0xFFFFFFE0] =	vst v4;
	v0 =	vsub.f32 $0.0e+00, v14;
	v1 =	vmul.f32 $1.442695020e+00, v62;
	(erf) = vrcp.f32 v7;
	v9 =	vpop (erf)  }
0x7e: {  	[tilespmem:s1+$0x20] =	vst v11;
	v11 =	vadd.f32 $1.000000000e+00, v10;
	v10 =	vadd.f32 $1.000000000e+00, v13;
	(erf) = vpow2.f32 v16;
	v63 =	vpop (erf)  }
0x7f: {  	s5 =	simm.s32 $0x100;
	s6 =	simm.s32 $0x65C0;
	v4 =	vadd.f32 $1.000000000e+00, v61;
	(erf) = vpow2.f32 v17;
	v7 =	vadd.f32 $1.000000000e+00, v9;
	[tilespmem:s1+$0xFFFFFFD0] =	vst v63;
	v9 =	vpop (erf)  }
.LBB2_6:
0x80: {  	v12 =	vld [tilespmem:s6+$0xFFFFFFE0];
	s5 =	sadd.s32 $0x80, s5;
	(erf) = vpow2.f32 v6;
	v13 =	vadd.f32 $1.000000000e+00, v2;
	[tilespmem:s1+$0x10] =	vst v9;
	v2 =	vpop (erf)  }
0x81: {  	v6 =	vld [tilespmem:s6+$0xFFFFFFC0];
	p0 =	slt.u32 s5, $0x3180;
	v9 =	vpop (erf);
	(erf) = vrcp.f32 v11  }
0x82: {  	v11 =	vld [tilespmem:s6+$0x30];
	(erf) = vpow2.f32 v8;
	v15 =	vadd.f32 $1.000000000e+00, v9;
	[tilespmem:s1+$0xFFFFFFC0] =	vst v3;
	v3 =	vpop (erf)  }
0x83: {  	v9 =	vld [tilespmem:s6+$0x20];
	(erf) = vrcp.f32 v10;
	v10 =	vpop (erf);
	[tilespmem:s1+$0x30] =	vst v3  }
0x84: {  	v0 =	vmul.f32 $1.442695020e+00, v0;
	v3 =	vld [tilespmem:s6+$0x10];
	v14 =	vpop (erf);
	(erf) = vpow2.f32 v5;
	v10 =	vadd.f32 $1.000000000e+00, v10  }
0x85: {  	v5 =	vsub.f32 $0.0e+00, v12;
	v12 =	vld [tilespmem:s6+$0xFFFFFFF0];
	(erf) = vrcp.f32 v15;
	v8 =	vpop (erf)  }
0x86: {  	v6 =	vsub.f32 $0.0e+00, v6;
	v15 =	vld [tilespmem:s6+$0x0];
	(erf) = vrcp.f32 v4;
	[tilespmem:s1+$0xFFFFFFF0] =	vst v2;
	v2 =	vpop (erf)  }
0x87: {  	v4 =	vld [tilespmem:s6+$0xFFFFFFD0];
	v16 =	vmul.f32 $1.442695020e+00, v5;
	v5 =	vsub.f32 $0.0e+00, v11;
	v11 =	vpop (erf);
	(erf) = vrcp.f32 v7;
	[tilespmem:s1+$0x0] =	vst v2;
	s1 =	smov.u32 s0;
	s0 =	smov.u32 s4;
	s4 =	smov.u32 s6  }
0x88: {  	v18 =	vmul.f32 $1.442695020e+00, v6;
	v9 =	vsub.f32 $0.0e+00, v9;
	(erf) = vpow2.f32 v1;
	v17 =	vpop (erf);
	[tilespmem:s1+$0xFFFFFFE0] =	vst v8  }
0x89: {  	v1 =	vadd.f32 $1.000000000e+00, v11;
	v6 =	vmul.f32 $1.442695020e+00, v5;
	v2 =	vpop (erf);
	(erf) = vrcp.f32 v13  }
0x8a: {  	v5 =	vsub.f32 $0.0e+00, v12;
	v9 =	vmul.f32 $1.442695020e+00, v9;
	(erf) = vpow2.f32 v0;
	v8 =	vpop (erf)  }
.Ltmp2:
0x8b: {  	v11 =	vsub.f32 $0.0e+00, v3;
	v0 =	vsub.f32 $0.0e+00, v15;
	(erf) = vpow2.f32 v18;
	v7 =	vpop (erf);
	[tilespmem:s1+$0x20] =	vst v8;
	(pc) =	sbr.rel @p0 .LBB2_6-.Ltmp2, $4  }
0x8c: {  	v13 =	vsub.f32 $0.0e+00, v4;
	v5 =	vmul.f32 $1.442695020e+00, v5;
	(erf) = vrcp.f32 v1;
	v3 =	vpop (erf)  }
0x8d: {  	v8 =	vmul.f32 $1.442695020e+00, v11;
	v4 =	vadd.f32 $1.000000000e+00, v7;
	v7 =	vpop (erf);
	(erf) = vrcp.f32 v10  }
0x8e: {  	v11 =	vadd.f32 $1.000000000e+00, v17;
	v1 =	vmul.f32 $1.442695020e+00, v13;
	(erf) = vpow2.f32 v16;
	v12 =	vpop (erf)  }
0x8f: {  	s6 =	sadd.s32 $0x80, s6;
	v10 =	vadd.f32 $1.000000000e+00, v14;
	v7 =	vadd.f32 $1.000000000e+00, v7;
	(erf) = vpow2.f32 v9;
	[tilespmem:s1+$0xFFFFFFD0] =	vst v12;
	v9 =	vpop (erf)  }
0x90: {  	(erf) = vpow2.f32 v6;
	v6 =	vpop (erf)  }
0x91: {  	v12 =	vpop (erf);
	(erf) = vrcp.f32 v11  }
0x92: {  	(erf) = vpow2.f32 v8;
	v8 =	vpop (erf)  }
0x93: {  	v57 =	vadd.f32 $1.000000000e+00, v12;
	(erf) = vrcp.f32 v10;
	v58 =	vpop (erf)  }
0x94: {  	v59 =	vpop (erf);
	(erf) = vpow2.f32 v5  }
0x95: {  	(erf) = vrcp.f32 v57;
	v5 =	vpop (erf)  }
0x96: {  	(erf) = vrcp.f32 v4;
	v4 =	vpop (erf)  }
0x97: {  	v60 =	vpop (erf);
	(erf) = vrcp.f32 v7  }
0x98: {  	v2 =	vadd.f32 $1.000000000e+00, v2;
	(erf) = vpow2.f32 v1;
	v1 =	vpop (erf)  }
0x99: {  	v0 =	vmul.f32 $1.442695020e+00, v0;
	v7 =	vpop (erf)  }
0x9a: {  	v13 =	vpop (erf)  }
0x9b: {  	(erf) = vrcp.f32 v2;
	v14 =	vpop (erf)  }
0x9c: {  	(erf) = vpow2.f32 v0;
	v2 =	vpop (erf)  }
0x9d: {  	v11 =	vadd.f32 $1.000000000e+00, v60;
	v0 =	vpop (erf)  }
0x9e: {  	[tilespmem:s1+$0x10] =	vst v9;
	v15 =	vpop (erf)  }
0x9f: {  	[tilespmem:s1+$0xFFFFFFC0] =	vst v3;
	v61 =	vadd.f32 $1.000000000e+00, v58;
	(erf) = vrcp.f32 v11;
	v62 =	vpop (erf)  }
0xa0: {  	[tilespmem:s1+$0x30] =	vst v8;
	v1 =	vadd.f32 $1.000000000e+00, v1;
	v3 =	vpop (erf)  }
0xa1: {  	v8 =	vadd.f32 $1.000000000e+00, v59;
	[tilespmem:s1+$0x0] =	vst v4;
	v4 =	vadd.f32 $1.000000000e+00, v14;
	(erf) = vrcp.f32 v61;
	v63 =	vpop (erf)  }
0xa2: {  	[tilespmem:s1+$0xFFFFFFF0] =	vst v6;
	(erf) = vrcp.f32 v1;
	v1 =	vadd.f32 $1.000000000e+00, v63  }
0xa3: {  	[tilespmem:s0+$0xFFFFFFE0] =	vst v5;
	(erf) = vrcp.f32 v8  }
0xa4: {  	[tilespmem:s0+$0x20] =	vst v13;
	v0 =	vadd.f32 $1.000000000e+00, v0;
	v5 =	vpop (erf);
	(erf) = vrcp.f32 v1;
	v1 =	vadd.f32 $1.000000000e+00, v7  }
0xa5: {  	[tilespmem:s0+$0xFFFFFFC0] =	vst v2;
	(erf) = vrcp.f32 v4;
	v4 =	vpop (erf)  }
0xa6: {  	[tilespmem:s0+$0xFFFFFFD0] =	vst v15;
	(erf) = vrcp.f32 v0;
	v0 =	vadd.f32 $1.000000000e+00, v4  }
0xa7: {  	[tilespmem:s0+$0x10] =	vst v62;
	(erf) = vrcp.f32 v1  }
0xa8: {  	[tilespmem:s0+$0xFFFFFFF0] =	vst v3;
	v1 =	vpop (erf);
	(erf) = vrcp.f32 v0  }
0xa9: {  	[tilespmem:s0+$0x30] =	vst v5  }
0xaa: {  	[tilespmem:s4+$0xFFFFFFE0] =	vst v1;
	v0 =	vpop (erf)  }
0xab: {  	[tilespmem:s0+$0x0] =	vst v0;
	v0 =	vpop (erf)  }
0xac: {  	v1 =	vpop (erf);
	[tilespmem:s4+$0x20] =	vst v0  }
0xad: {  	v0 =	vpop (erf);
	[tilespmem:s4+$0xFFFFFFC0] =	vst v1  }
0xae: {  	[tilespmem:s4+$0xFFFFFFD0] =	vst v0;
	v0 =	vpop (erf)  }
0xaf: {  	[tilespmem:s4+$0x10] =	vst v0;
	v0 =	vpop (erf)  }
0xb0: {  	v1 =	vpop (erf);
	[tilespmem:s4+$0xFFFFFFF0] =	vst v0  }
0xb1: {  	[tilespmem:s4+$0x30] =	vst v1;
	v0 =	vpop (erf)  }
0xb2: {  	[tilespmem:s4+$0x0] =	vst v0  }
0xb3: {  	[hbm4b:s7+s3] =	stream.linear.scatter [tilespmem:s26], [sflag:$0x3], $0x3200, $0x38;
	[tilespmem:$0x1C800] =	vst v63  }
0xb4: {  	_ = 	snop  }
0xb5: {  	[tilespmem:s3], [sflag:$0x1] =	stream.linear.gather [hbm4b:s8+s3], $0x3200, $0x38;
	[tilespmem:$0x1C800] =	vst v63  }
0xb6: {  	_ =	swait.ge [sflag:s22], $0x3200  }
0xb7: {  	[sflag:s22] =	ssyncset.done $0x0  }
0xb8: {  	s0 =	simm.s32 $0x40;
	[sflag:s22] =	ssyncadd.s32 $0xFFFFCE00  }
0xb9: {  	v2 =	vld [tilespmem:s0+$0x30]  }
0xba: {  	v3 =	vld [tilespmem:s0+$0xFFFFFFD0]  }
0xbb: {  	v6 =	vld [tilespmem:s0+$0xFFFFFFE0]  }
0xbc: {  	v4 =	vld [tilespmem:s0+$0xFFFFFFF0]  }
0xbd: {  	v1 =	vld [tilespmem:s0+$0x0]  }
0xbe: {  	v0 =	vld [tilespmem:s0+$0x10];
	vm0 =	veq.s32 v2, $0x0;
	v5 =	vadd.s32 $0xFFFFFFFF, v2  }
0xbf: {  	vm1 =	veq.s32 v3, $0x0;
	v7 =	vadd.s32 $0xFFFFFFFF, v3;
	v2 =	vld [tilespmem:s0+$0x20];
	v8 =	vsel vm0, $0xF423F, v5  }
0xc0: {  	s1 =	simm.s32 $0x0;
	s4 =	simm.s32 $0xC0;
	v3 =	vld [tilespmem:s0+$0xFFFFFFC0];
	v5 =	vsel vm1, $0xF423F, v7;
	vm0 =	veq.s32 v6, $0x0;
	v6 =	vadd.s32 $0xFFFFFFFF, v6;
	[tilespmem:s0+$0x30] =	vst v8  }
.LBB2_8:
0xc1: {  	v7 =	vld [tilespmem:s4+$0x30];
	s1 =	sadd.s32 $0x80, s1;
	[tilespmem:s0+$0xFFFFFFD0] =	vst v5;
	v5 =	vsel vm0, $0xF423F, v6;
	vm0 =	veq.s32 v4, $0x0;
	v4 =	vadd.s32 $0xFFFFFFFF, v4  }
0xc2: {  	v6 =	vld [tilespmem:s4+$0xFFFFFFD0];
	p0 =	slt.u32 s1, $0x3180;
	[tilespmem:s0+$0xFFFFFFE0] =	vst v5;
	v4 =	vsel vm0, $0xF423F, v4;
	vm0 =	veq.s32 v1, $0x0;
	v1 =	vadd.s32 $0xFFFFFFFF, v1  }
0xc3: {  	v8 =	vld [tilespmem:s4+$0xFFFFFFE0];
	[tilespmem:s0+$0xFFFFFFF0] =	vst v4;
	v1 =	vsel vm0, $0xF423F, v1;
	vm0 =	veq.s32 v0, $0x0;
	v0 =	vadd.s32 $0xFFFFFFFF, v0  }
.Ltmp3:
0xc4: {  	v4 =	vld [tilespmem:s4+$0xFFFFFFF0];
	[tilespmem:s0+$0x0] =	vst v1;
	v0 =	vsel vm0, $0xF423F, v0;
	vm0 =	veq.s32 v2, $0x0;
	v2 =	vadd.s32 $0xFFFFFFFF, v2;
	(pc) =	sbr.rel @p0 .LBB2_8-.Ltmp3, $4  }
0xc5: {  	v1 =	vld [tilespmem:s4+$0x0];
	vm1 =	veq.s32 v3, $0x0;
	v3 =	vadd.s32 $0xFFFFFFFF, v3;
	[tilespmem:s0+$0x10] =	vst v0;
	v2 =	vsel vm0, $0xF423F, v2  }
0xc6: {  	v0 =	vld [tilespmem:s4+$0x10];
	vm0 =	veq.s32 v7, $0x0;
	v5 =	vadd.s32 $0xFFFFFFFF, v7;
	v3 =	vsel vm1, $0xF423F, v3;
	[tilespmem:s0+$0x20] =	vst v2  }
0xc7: {  	vm1 =	veq.s32 v6, $0x0;
	v6 =	vadd.s32 $0xFFFFFFFF, v6;
	v2 =	vld [tilespmem:s4+$0x20];
	v7 =	vsel vm0, $0xF423F, v5;
	[tilespmem:s0+$0xFFFFFFC0] =	vst v3;
	s0 =	smov.u32 s4  }
0xc8: {  	s4 =	sadd.s32 $0x80, s4;
	v3 =	vld [tilespmem:s0+$0xFFFFFFC0];
	v5 =	vsel vm1, $0xF423F, v6;
	vm0 =	veq.s32 v8, $0x0;
	v6 =	vadd.s32 $0xFFFFFFFF, v8;
	[tilespmem:s0+$0x30] =	vst v7  }
0xc9: {  	[tilespmem:s0+$0xFFFFFFD0] =	vst v5;
	v5 =	vsel vm0, $0xF423F, v6;
	vm12 =	veq.s32 v4, $0x0;
	v4 =	vadd.s32 $0xFFFFFFFF, v4  }
0xca: {  	[tilespmem:s0+$0xFFFFFFE0] =	vst v5;
	v4 =	vsel vm12, $0xF423F, v4;
	vm13 =	veq.s32 v1, $0x0;
	v1 =	vadd.s32 $0xFFFFFFFF, v1  }
0xcb: {  	[tilespmem:s0+$0xFFFFFFF0] =	vst v4;
	v1 =	vsel vm13, $0xF423F, v1;
	vm14 =	veq.s32 v0, $0x0;
	v0 =	vadd.s32 $0xFFFFFFFF, v0  }
0xcc: {  	[tilespmem:s0+$0x0] =	vst v1;
	v0 =	vsel vm14, $0xF423F, v0;
	vm15 =	veq.s32 v2, $0x0;
	v1 =	vadd.s32 $0xFFFFFFFF, v2  }
0xcd: {  	vm1 =	veq.s32 v3, $0x0;
	v2 =	vadd.s32 $0xFFFFFFFF, v3;
	[tilespmem:s0+$0x10] =	vst v0;
	v0 =	vsel vm15, $0xF423F, v1  }
0xce: {  	v1 =	vsel vm1, $0xF423F, v2;
	[tilespmem:s0+$0x20] =	vst v0  }
0xcf: {  	[tilespmem:s0+$0xFFFFFFC0] =	vst v1  }
0xd0: {  	_ =	swait.ge [sflag:s30], $0x3200  }
0xd1: {  	[sflag:s30] =	ssyncset.done $0x0  }
0xd2: {  	[sflag:s30] =	ssyncadd.s32 $0xFFFFCE00  }
0xd3: {  	[tilespmem:s26], [sflag:$0x2] =	stream.indirect.gather [spmem:s2], $0x1, s3, s25, $0xb8;
	[tilespmem:$0x1C800] =	vst v63  }
0xd4: {  	_ =	swait.ge [sflag:s29], $0x3200  }
0xd5: {  	[sflag:s29] =	ssyncset.done $0x0  }
0xd6: {  	s1 =	simm.s32 $0x9640;
	[sflag:s29] =	ssyncadd.s32 $0xFFFFCE00  }
0xd7: {  	v0 =	vld [tilespmem:s1+$0xFFFFFFC0]  }
0xd8: {  	v1 =	vld [tilespmem:s1+$0xFFFFFFE0];
	_ =	sdelay $0x2  }
0xd9: {  	v2 =	vld [tilespmem:s1+$0x20]  }
0xda: {  	v3 =	vld [tilespmem:s1+$0x30];
	v0 =	vsub.f32 $0.0e+00, v0  }
0xdb: {  	v5 =	vld [tilespmem:s1+$0xFFFFFFF0];
	v1 =	vsub.f32 $0.0e+00, v1  }
0xdc: {  	v4 =	vld [tilespmem:s1+$0x10];
	v0 =	vmul.f32 $1.442695020e+00, v0  }
0xdd: {  	v1 =	vmul.f32 $1.442695020e+00, v1  }
0xde: {  	s0 =	simm.s32 $0x96C0;
	v6 =	vld [tilespmem:s1+$0xFFFFFFD0];
	(erf) = vpow2.f32 v0;
	v0 =	vsub.f32 $0.0e+00, v2  }
0xdf: {  	v7 =	vld [tilespmem:s0+$0x30];
	v2 =	vsub.f32 $0.0e+00, v3;
	(erf) = vpow2.f32 v1  }
0xe0: {  	v5 =	vsub.f32 $0.0e+00, v5;
	v1 =	vld [tilespmem:s1+$0x0];
	v0 =	vmul.f32 $1.442695020e+00, v0  }
0xe1: {  	v3 =	vsub.f32 $0.0e+00, v4;
	v4 =	vld [tilespmem:s0+$0xFFFFFFC0];
	v2 =	vmul.f32 $1.442695020e+00, v2  }
0xe2: {  	v5 =	vmul.f32 $1.442695020e+00, v5;
	(erf) = vpow2.f32 v0;
	v0 =	vld [tilespmem:s0+$0xFFFFFFE0]  }
0xe3: {  	v6 =	vsub.f32 $0.0e+00, v6;
	v3 =	vmul.f32 $1.442695020e+00, v3;
	(erf) = vpow2.f32 v2;
	v2 =	vld [tilespmem:s0+$0x20];
	_ =	sdelay $0x1  }
0xe4: {  	v6 =	vmul.f32 $1.442695020e+00, v6;
	v1 =	vsub.f32 $0.0e+00, v1;
	(erf) = vpow2.f32 v3  }
0xe5: {  	v3 =	vsub.f32 $0.0e+00, v4;
	(erf) = vpow2.f32 v5  }
0xe6: {  	v4 =	vld [tilespmem:s0+$0x10];
	v1 =	vmul.f32 $1.442695020e+00, v1;
	(erf) = vpow2.f32 v6;
	v5 =	vpop (erf);
	v0 =	vsub.f32 $0.0e+00, v0  }
0xe7: {  	v9 =	vld [tilespmem:s0+$0x0];
	v7 =	vsub.f32 $0.0e+00, v7;
	v3 =	vmul.f32 $1.442695020e+00, v3;
	v8 =	vpop (erf);
	v2 =	vsub.f32 $0.0e+00, v2  }
0xe8: {  	v6 =	vld [tilespmem:s0+$0xFFFFFFF0];
	(erf) = vpow2.f32 v1;
	v8 =	vadd.f32 $1.000000000e+00, v8;
	v0 =	vmul.f32 $1.442695020e+00, v0  }
0xe9: {  	v7 =	vmul.f32 $1.442695020e+00, v7;
	(erf) = vpow2.f32 v3  }
0xea: {  	s4 =	simm.s32 $0x9740;
	v2 =	vmul.f32 $1.442695020e+00, v2;
	(erf) = vrcp.f32 v8  }
0xeb: {  	v10 =	vld [tilespmem:s4+$0xFFFFFFC0];
	v4 =	vsub.f32 $0.0e+00, v4;
	v3 =	vpop (erf);
	(erf) = vpow2.f32 v0  }
0xec: {  	v3 =	vadd.f32 $1.000000000e+00, v3;
	v0 =	vpop (erf);
	(erf) = vpow2.f32 v2;
	v2 =	vsub.f32 $0.0e+00, v9;
	v9 =	vld [tilespmem:s4+$0xFFFFFFE0]  }
0xed: {  	v1 =	vld [tilespmem:s0+$0xFFFFFFD0];
	v6 =	vsub.f32 $0.0e+00, v6;
	v4 =	vmul.f32 $1.442695020e+00, v4;
	v8 =	vpop (erf);
	(erf) = vpow2.f32 v7  }
0xee: {  	v11 =	vld [tilespmem:s4+$0x30];
	v5 =	vadd.f32 $1.000000000e+00, v5;
	v7 =	vpop (erf);
	(erf) = vrcp.f32 v3  }
0xef: {  	v15 =	vld [tilespmem:s4+$0xFFFFFFD0];
	v3 =	vmul.f32 $1.442695020e+00, v6;
	v6 =	vadd.f32 $1.000000000e+00, v8;
	v8 =	vpop (erf);
	(erf) = vpow2.f32 v4  }
0xf0: {  	v10 =	vsub.f32 $0.0e+00, v10;
	v4 =	vadd.f32 $1.000000000e+00, v8;
	(erf) = vrcp.f32 v5  }
0xf1: {  	v8 =	vld [tilespmem:s4+$0x20];
	(erf) = vpow2.f32 v3;
	v3 =	vmul.f32 $1.442695020e+00, v2;
	v2 =	vsub.f32 $0.0e+00, v9  }
0xf2: {  	v1 =	vsub.f32 $0.0e+00, v1;
	v5 =	vadd.f32 $1.000000000e+00, v7;
	v7 =	vpop (erf);
	v9 =	vld [tilespmem:s4+$0xFFFFFFF0]  }
0xf3: {  	v12 =	vld [tilespmem:s4+$0x10];
	v13 =	vpop (erf);
	(erf) = vrcp.f32 v4;
	v16 =	vmul.f32 $1.442695020e+00, v2;
	v2 =	vsub.f32 $0.0e+00, v11  }
0xf4: {  	v62 =	vsub.f32 $0.0e+00, v15;
	v1 =	vmul.f32 $1.442695020e+00, v1;
	(erf) = vrcp.f32 v6;
	v4 =	vpop (erf)  }
0xf5: {  	v0 =	vadd.f32 $1.000000000e+00, v0;
	(erf) = vrcp.f32 v5;
	v5 =	vmul.f32 $1.442695020e+00, v10;
	v11 =	vpop (erf)  }
0xf6: {  	v14 =	vld [tilespmem:s4+$0x0];
	v8 =	vsub.f32 $0.0e+00, v8;
	(erf) = vpow2.f32 v1;
	v6 =	vmul.f32 $1.442695020e+00, v2;
	v10 =	vpop (erf)  }
0xf7: {  	v1 =	vadd.f32 $1.000000000e+00, v11;
	(erf) = vrcp.f32 v0;
	v9 =	vsub.f32 $0.0e+00, v9;
	v2 =	vpop (erf)  }
0xf8: {  	v17 =	vmul.f32 $1.442695020e+00, v8;
	(erf) = vpow2.f32 v3;
	v8 =	vsub.f32 $0.0e+00, v12;
	v11 =	vpop (erf)  }
0xf9: {  	v7 =	vadd.f32 $1.000000000e+00, v7;
	(erf) = vpow2.f32 v5;
	v5 =	vmul.f32 $1.442695020e+00, v9;
	v61 =	vpop (erf)  }
0xfa: {  	(erf) = vrcp.f32 v1;
	v8 =	vmul.f32 $1.442695020e+00, v8;
	v3 =	vpop (erf)  }
0xfb: {  	[tilespmem:s1+$0xFFFFFFE0] =	vst v4;
	v0 =	vsub.f32 $0.0e+00, v14;
	v1 =	vmul.f32 $1.442695020e+00, v62;
	(erf) = vrcp.f32 v7;
	v9 =	vpop (erf)  }
0xfc: {  	[tilespmem:s1+$0x20] =	vst v11;
	v11 =	vadd.f32 $1.000000000e+00, v10;
	v10 =	vadd.f32 $1.000000000e+00, v13;
	(erf) = vpow2.f32 v16;
	v63 =	vpop (erf)  }
0xfd: {  	s5 =	simm.s32 $0x100;
	s6 =	simm.s32 $0x97C0;
	v4 =	vadd.f32 $1.000000000e+00, v61;
	(erf) = vpow2.f32 v17;
	v7 =	vadd.f32 $1.000000000e+00, v9;
	[tilespmem:s1+$0xFFFFFFD0] =	vst v63;
	v9 =	vpop (erf)  }
.LBB2_10:
0xfe: {  	v12 =	vld [tilespmem:s6+$0xFFFFFFE0];
	s5 =	sadd.s32 $0x80, s5;
	(erf) = vpow2.f32 v6;
	v13 =	vadd.f32 $1.000000000e+00, v2;
	[tilespmem:s1+$0x10] =	vst v9;
	v2 =	vpop (erf)  }
0xff: {  	v6 =	vld [tilespmem:s6+$0xFFFFFFC0];
	p0 =	slt.u32 s5, $0x3180;
	v9 =	vpop (erf);
	(erf) = vrcp.f32 v11  }
0x100: {  	v11 =	vld [tilespmem:s6+$0x30];
	(erf) = vpow2.f32 v8;
	v15 =	vadd.f32 $1.000000000e+00, v9;
	[tilespmem:s1+$0xFFFFFFC0] =	vst v3;
	v3 =	vpop (erf)  }
0x101: {  	v9 =	vld [tilespmem:s6+$0x20];
	(erf) = vrcp.f32 v10;
	v10 =	vpop (erf);
	[tilespmem:s1+$0x30] =	vst v3  }
0x102: {  	v0 =	vmul.f32 $1.442695020e+00, v0;
	v3 =	vld [tilespmem:s6+$0x10];
	v14 =	vpop (erf);
	(erf) = vpow2.f32 v5;
	v10 =	vadd.f32 $1.000000000e+00, v10  }
0x103: {  	v5 =	vsub.f32 $0.0e+00, v12;
	v12 =	vld [tilespmem:s6+$0xFFFFFFF0];
	(erf) = vrcp.f32 v15;
	v8 =	vpop (erf)  }
0x104: {  	v6 =	vsub.f32 $0.0e+00, v6;
	v15 =	vld [tilespmem:s6+$0x0];
	(erf) = vrcp.f32 v4;
	[tilespmem:s1+$0xFFFFFFF0] =	vst v2;
	v2 =	vpop (erf)  }
0x105: {  	v4 =	vld [tilespmem:s6+$0xFFFFFFD0];
	v16 =	vmul.f32 $1.442695020e+00, v5;
	v5 =	vsub.f32 $0.0e+00, v11;
	v11 =	vpop (erf);
	(erf) = vrcp.f32 v7;
	[tilespmem:s1+$0x0] =	vst v2;
	s1 =	smov.u32 s0;
	s0 =	smov.u32 s4;
	s4 =	smov.u32 s6  }
0x106: {  	v18 =	vmul.f32 $1.442695020e+00, v6;
	v9 =	vsub.f32 $0.0e+00, v9;
	(erf) = vpow2.f32 v1;
	v17 =	vpop (erf);
	[tilespmem:s1+$0xFFFFFFE0] =	vst v8  }
0x107: {  	v1 =	vadd.f32 $1.000000000e+00, v11;
	v6 =	vmul.f32 $1.442695020e+00, v5;
	v2 =	vpop (erf);
	(erf) = vrcp.f32 v13  }
0x108: {  	v5 =	vsub.f32 $0.0e+00, v12;
	v9 =	vmul.f32 $1.442695020e+00, v9;
	(erf) = vpow2.f32 v0;
	v8 =	vpop (erf)  }
.Ltmp4:
0x109: {  	v11 =	vsub.f32 $0.0e+00, v3;
	v0 =	vsub.f32 $0.0e+00, v15;
	(erf) = vpow2.f32 v18;
	v7 =	vpop (erf);
	[tilespmem:s1+$0x20] =	vst v8;
	(pc) =	sbr.rel @p0 .LBB2_10-.Ltmp4, $4  }
0x10a: {  	v13 =	vsub.f32 $0.0e+00, v4;
	v5 =	vmul.f32 $1.442695020e+00, v5;
	(erf) = vrcp.f32 v1;
	v3 =	vpop (erf)  }
0x10b: {  	v8 =	vmul.f32 $1.442695020e+00, v11;
	v4 =	vadd.f32 $1.000000000e+00, v7;
	v7 =	vpop (erf);
	(erf) = vrcp.f32 v10  }
0x10c: {  	v11 =	vadd.f32 $1.000000000e+00, v17;
	v1 =	vmul.f32 $1.442695020e+00, v13;
	(erf) = vpow2.f32 v16;
	v12 =	vpop (erf)  }
0x10d: {  	s6 =	sadd.s32 $0x80, s6;
	v10 =	vadd.f32 $1.000000000e+00, v14;
	v7 =	vadd.f32 $1.000000000e+00, v7;
	(erf) = vpow2.f32 v9;
	[tilespmem:s1+$0xFFFFFFD0] =	vst v12;
	v9 =	vpop (erf)  }
0x10e: {  	(erf) = vpow2.f32 v6;
	v6 =	vpop (erf)  }
0x10f: {  	v12 =	vpop (erf);
	(erf) = vrcp.f32 v11  }
0x110: {  	(erf) = vpow2.f32 v8;
	v8 =	vpop (erf)  }
0x111: {  	v57 =	vadd.f32 $1.000000000e+00, v12;
	(erf) = vrcp.f32 v10;
	v58 =	vpop (erf)  }
0x112: {  	v59 =	vpop (erf);
	(erf) = vpow2.f32 v5  }
0x113: {  	(erf) = vrcp.f32 v57;
	v5 =	vpop (erf)  }
0x114: {  	(erf) = vrcp.f32 v4;
	v4 =	vpop (erf)  }
0x115: {  	v60 =	vpop (erf);
	(erf) = vrcp.f32 v7  }
0x116: {  	v2 =	vadd.f32 $1.000000000e+00, v2;
	(erf) = vpow2.f32 v1;
	v1 =	vpop (erf)  }
0x117: {  	v0 =	vmul.f32 $1.442695020e+00, v0;
	v7 =	vpop (erf)  }
0x118: {  	v13 =	vpop (erf)  }
0x119: {  	(erf) = vrcp.f32 v2;
	v14 =	vpop (erf)  }
0x11a: {  	(erf) = vpow2.f32 v0;
	v2 =	vpop (erf)  }
0x11b: {  	v11 =	vadd.f32 $1.000000000e+00, v60;
	v0 =	vpop (erf)  }
0x11c: {  	[tilespmem:s1+$0x10] =	vst v9;
	v15 =	vpop (erf)  }
0x11d: {  	[tilespmem:s1+$0xFFFFFFC0] =	vst v3;
	v61 =	vadd.f32 $1.000000000e+00, v58;
	(erf) = vrcp.f32 v11;
	v62 =	vpop (erf)  }
0x11e: {  	[tilespmem:s1+$0x30] =	vst v8;
	v1 =	vadd.f32 $1.000000000e+00, v1;
	v3 =	vpop (erf)  }
0x11f: {  	v8 =	vadd.f32 $1.000000000e+00, v59;
	[tilespmem:s1+$0x0] =	vst v4;
	v4 =	vadd.f32 $1.000000000e+00, v14;
	(erf) = vrcp.f32 v61;
	v63 =	vpop (erf)  }
0x120: {  	[tilespmem:s1+$0xFFFFFFF0] =	vst v6;
	(erf) = vrcp.f32 v1;
	v1 =	vadd.f32 $1.000000000e+00, v63  }
0x121: {  	[tilespmem:s0+$0xFFFFFFE0] =	vst v5;
	(erf) = vrcp.f32 v8  }
0x122: {  	[tilespmem:s0+$0x20] =	vst v13;
	v0 =	vadd.f32 $1.000000000e+00, v0;
	v5 =	vpop (erf);
	(erf) = vrcp.f32 v1;
	v1 =	vadd.f32 $1.000000000e+00, v7  }
0x123: {  	[tilespmem:s0+$0xFFFFFFC0] =	vst v2;
	(erf) = vrcp.f32 v4;
	v4 =	vpop (erf)  }
0x124: {  	[tilespmem:s0+$0xFFFFFFD0] =	vst v15;
	(erf) = vrcp.f32 v0;
	v0 =	vadd.f32 $1.000000000e+00, v4  }
0x125: {  	[tilespmem:s0+$0x10] =	vst v62;
	(erf) = vrcp.f32 v1  }
0x126: {  	[tilespmem:s0+$0xFFFFFFF0] =	vst v3;
	v1 =	vpop (erf);
	(erf) = vrcp.f32 v0  }
0x127: {  	[tilespmem:s0+$0x30] =	vst v5  }
0x128: {  	[tilespmem:s4+$0xFFFFFFE0] =	vst v1;
	v0 =	vpop (erf)  }
0x129: {  	[tilespmem:s0+$0x0] =	vst v0;
	v0 =	vpop (erf)  }
0x12a: {  	v1 =	vpop (erf);
	[tilespmem:s4+$0x20] =	vst v0  }
0x12b: {  	v0 =	vpop (erf);
	[tilespmem:s4+$0xFFFFFFC0] =	vst v1  }
0x12c: {  	[tilespmem:s4+$0xFFFFFFD0] =	vst v0;
	v0 =	vpop (erf)  }
0x12d: {  	[tilespmem:s4+$0x10] =	vst v0;
	v0 =	vpop (erf)  }
0x12e: {  	v1 =	vpop (erf);
	[tilespmem:s4+$0xFFFFFFF0] =	vst v0  }
0x12f: {  	[tilespmem:s4+$0x30] =	vst v1;
	v0 =	vpop (erf)  }
0x130: {  	[tilespmem:s4+$0x0] =	vst v0  }
0x131: {  	[hbm4b:s9+s3] =	stream.linear.scatter [tilespmem:s28], [sflag:$0x3], $0x3200, $0x38;
	[tilespmem:$0x1C800] =	vst v63  }
0x132: {  	_ = 	snop  }
0x133: {  	[tilespmem:s25], [sflag:$0x1] =	stream.linear.gather [hbm4b:s10+s3], $0x3200, $0x38;
	[tilespmem:$0x1C800] =	vst v63  }
0x134: {  	_ =	swait.ge [sflag:s22], $0x3200  }
0x135: {  	[sflag:s22] =	ssyncset.done $0x0  }
0x136: {  	s0 =	simm.s32 $0x3240;
	[sflag:s22] =	ssyncadd.s32 $0xFFFFCE00  }
0x137: {  	v2 =	vld [tilespmem:s0+$0x30]  }
0x138: {  	v3 =	vld [tilespmem:s0+$0xFFFFFFD0]  }
0x139: {  	v6 =	vld [tilespmem:s0+$0xFFFFFFE0]  }
0x13a: {  	v4 =	vld [tilespmem:s0+$0xFFFFFFF0]  }
0x13b: {  	v1 =	vld [tilespmem:s0+$0x0]  }
0x13c: {  	v0 =	vld [tilespmem:s0+$0x10];
	vm0 =	veq.s32 v2, $0x0;
	v5 =	vadd.s32 $0xFFFFFFFF, v2  }
0x13d: {  	vm1 =	veq.s32 v3, $0x0;
	v7 =	vadd.s32 $0xFFFFFFFF, v3;
	v2 =	vld [tilespmem:s0+$0x20];
	v8 =	vsel vm0, $0xF423F, v5  }
0x13e: {  	s1 =	simm.s32 $0x0;
	s4 =	simm.s32 $0x32C0;
	v3 =	vld [tilespmem:s0+$0xFFFFFFC0];
	v5 =	vsel vm1, $0xF423F, v7;
	vm0 =	veq.s32 v6, $0x0;
	v6 =	vadd.s32 $0xFFFFFFFF, v6;
	[tilespmem:s0+$0x30] =	vst v8  }
.LBB2_12:
0x13f: {  	v7 =	vld [tilespmem:s4+$0x30];
	s1 =	sadd.s32 $0x80, s1;
	[tilespmem:s0+$0xFFFFFFD0] =	vst v5;
	v5 =	vsel vm0, $0xF423F, v6;
	vm0 =	veq.s32 v4, $0x0;
	v4 =	vadd.s32 $0xFFFFFFFF, v4  }
0x140: {  	v6 =	vld [tilespmem:s4+$0xFFFFFFD0];
	p0 =	slt.u32 s1, $0x3180;
	[tilespmem:s0+$0xFFFFFFE0] =	vst v5;
	v4 =	vsel vm0, $0xF423F, v4;
	vm0 =	veq.s32 v1, $0x0;
	v1 =	vadd.s32 $0xFFFFFFFF, v1  }
0x141: {  	v8 =	vld [tilespmem:s4+$0xFFFFFFE0];
	[tilespmem:s0+$0xFFFFFFF0] =	vst v4;
	v1 =	vsel vm0, $0xF423F, v1;
	vm0 =	veq.s32 v0, $0x0;
	v0 =	vadd.s32 $0xFFFFFFFF, v0  }
.Ltmp5:
0x142: {  	v4 =	vld [tilespmem:s4+$0xFFFFFFF0];
	[tilespmem:s0+$0x0] =	vst v1;
	v0 =	vsel vm0, $0xF423F, v0;
	vm0 =	veq.s32 v2, $0x0;
	v2 =	vadd.s32 $0xFFFFFFFF, v2;
	(pc) =	sbr.rel @p0 .LBB2_12-.Ltmp5, $4  }
0x143: {  	v1 =	vld [tilespmem:s4+$0x0];
	vm1 =	veq.s32 v3, $0x0;
	v3 =	vadd.s32 $0xFFFFFFFF, v3;
	[tilespmem:s0+$0x10] =	vst v0;
	v2 =	vsel vm0, $0xF423F, v2  }
0x144: {  	v0 =	vld [tilespmem:s4+$0x10];
	vm0 =	veq.s32 v7, $0x0;
	v5 =	vadd.s32 $0xFFFFFFFF, v7;
	v3 =	vsel vm1, $0xF423F, v3;
	[tilespmem:s0+$0x20] =	vst v2  }
0x145: {  	vm1 =	veq.s32 v6, $0x0;
	v6 =	vadd.s32 $0xFFFFFFFF, v6;
	v2 =	vld [tilespmem:s4+$0x20];
	v7 =	vsel vm0, $0xF423F, v5;
	[tilespmem:s0+$0xFFFFFFC0] =	vst v3;
	s0 =	smov.u32 s4  }
0x146: {  	s4 =	sadd.s32 $0x80, s4;
	v3 =	vld [tilespmem:s0+$0xFFFFFFC0];
	v5 =	vsel vm1, $0xF423F, v6;
	vm0 =	veq.s32 v8, $0x0;
	v6 =	vadd.s32 $0xFFFFFFFF, v8;
	[tilespmem:s0+$0x30] =	vst v7  }
0x147: {  	[tilespmem:s0+$0xFFFFFFD0] =	vst v5;
	v5 =	vsel vm0, $0xF423F, v6;
	vm12 =	veq.s32 v4, $0x0;
	v4 =	vadd.s32 $0xFFFFFFFF, v4  }
0x148: {  	[tilespmem:s0+$0xFFFFFFE0] =	vst v5;
	v4 =	vsel vm12, $0xF423F, v4;
	vm13 =	veq.s32 v1, $0x0;
	v1 =	vadd.s32 $0xFFFFFFFF, v1  }
0x149: {  	[tilespmem:s0+$0xFFFFFFF0] =	vst v4;
	v1 =	vsel vm13, $0xF423F, v1;
	vm14 =	veq.s32 v0, $0x0;
	v0 =	vadd.s32 $0xFFFFFFFF, v0  }
0x14a: {  	[tilespmem:s0+$0x0] =	vst v1;
	v0 =	vsel vm14, $0xF423F, v0;
	vm15 =	veq.s32 v2, $0x0;
	v1 =	vadd.s32 $0xFFFFFFFF, v2  }
0x14b: {  	vm1 =	veq.s32 v3, $0x0;
	v2 =	vadd.s32 $0xFFFFFFFF, v3;
	[tilespmem:s0+$0x10] =	vst v0;
	v0 =	vsel vm15, $0xF423F, v1  }
0x14c: {  	v1 =	vsel vm1, $0xF423F, v2;
	[tilespmem:s0+$0x20] =	vst v0  }
0x14d: {  	[tilespmem:s0+$0xFFFFFFC0] =	vst v1  }
0x14e: {  	_ =	swait.ge [sflag:s30], $0x3200  }
0x14f: {  	[sflag:s30] =	ssyncset.done $0x0  }
0x150: {  	[sflag:s30] =	ssyncadd.s32 $0xFFFFCE00  }
0x151: {  	[tilespmem:s28], [sflag:$0x2] =	stream.indirect.gather [spmem:s2], $0x1, s25, s25, $0xb8;
	[tilespmem:$0x1C800] =	vst v63  }
0x152: {  	_ =	swait.ge [sflag:s29], $0x3200  }
0x153: {  	[sflag:s29] =	ssyncset.done $0x0  }
0x154: {  	s1 =	simm.s32 $0x6440;
	[sflag:s29] =	ssyncadd.s32 $0xFFFFCE00  }
0x155: {  	v0 =	vld [tilespmem:s1+$0xFFFFFFC0]  }
0x156: {  	v1 =	vld [tilespmem:s1+$0xFFFFFFE0];
	_ =	sdelay $0x2  }
0x157: {  	v2 =	vld [tilespmem:s1+$0x20]  }
0x158: {  	v3 =	vld [tilespmem:s1+$0x30];
	v0 =	vsub.f32 $0.0e+00, v0  }
0x159: {  	v5 =	vld [tilespmem:s1+$0xFFFFFFF0];
	v1 =	vsub.f32 $0.0e+00, v1  }
0x15a: {  	v4 =	vld [tilespmem:s1+$0x10];
	v0 =	vmul.f32 $1.442695020e+00, v0  }
0x15b: {  	v1 =	vmul.f32 $1.442695020e+00, v1  }
0x15c: {  	s0 =	simm.s32 $0x64C0;
	v6 =	vld [tilespmem:s1+$0xFFFFFFD0];
	(erf) = vpow2.f32 v0;
	v0 =	vsub.f32 $0.0e+00, v2  }
0x15d: {  	v7 =	vld [tilespmem:s0+$0x30];
	v2 =	vsub.f32 $0.0e+00, v3;
	(erf) = vpow2.f32 v1  }
0x15e: {  	v5 =	vsub.f32 $0.0e+00, v5;
	v1 =	vld [tilespmem:s1+$0x0];
	v0 =	vmul.f32 $1.442695020e+00, v0  }
0x15f: {  	v3 =	vsub.f32 $0.0e+00, v4;
	v4 =	vld [tilespmem:s0+$0xFFFFFFC0];
	v2 =	vmul.f32 $1.442695020e+00, v2  }
0x160: {  	v5 =	vmul.f32 $1.442695020e+00, v5;
	(erf) = vpow2.f32 v0;
	v0 =	vld [tilespmem:s0+$0xFFFFFFE0]  }
0x161: {  	v6 =	vsub.f32 $0.0e+00, v6;
	v3 =	vmul.f32 $1.442695020e+00, v3;
	(erf) = vpow2.f32 v2;
	v2 =	vld [tilespmem:s0+$0x20];
	_ =	sdelay $0x1  }
0x162: {  	v6 =	vmul.f32 $1.442695020e+00, v6;
	v1 =	vsub.f32 $0.0e+00, v1;
	(erf) = vpow2.f32 v3  }
0x163: {  	v3 =	vsub.f32 $0.0e+00, v4;
	(erf) = vpow2.f32 v5  }
0x164: {  	v4 =	vld [tilespmem:s0+$0x10];
	v1 =	vmul.f32 $1.442695020e+00, v1;
	(erf) = vpow2.f32 v6;
	v5 =	vpop (erf);
	v0 =	vsub.f32 $0.0e+00, v0  }
0x165: {  	v9 =	vld [tilespmem:s0+$0x0];
	v7 =	vsub.f32 $0.0e+00, v7;
	v3 =	vmul.f32 $1.442695020e+00, v3;
	v8 =	vpop (erf);
	v2 =	vsub.f32 $0.0e+00, v2  }
0x166: {  	v6 =	vld [tilespmem:s0+$0xFFFFFFF0];
	(erf) = vpow2.f32 v1;
	v8 =	vadd.f32 $1.000000000e+00, v8;
	v0 =	vmul.f32 $1.442695020e+00, v0  }
0x167: {  	v7 =	vmul.f32 $1.442695020e+00, v7;
	(erf) = vpow2.f32 v3  }
0x168: {  	s4 =	simm.s32 $0x6540;
	v2 =	vmul.f32 $1.442695020e+00, v2;
	(erf) = vrcp.f32 v8  }
0x169: {  	v10 =	vld [tilespmem:s4+$0xFFFFFFC0];
	v4 =	vsub.f32 $0.0e+00, v4;
	v3 =	vpop (erf);
	(erf) = vpow2.f32 v0  }
0x16a: {  	v3 =	vadd.f32 $1.000000000e+00, v3;
	v0 =	vpop (erf);
	(erf) = vpow2.f32 v2;
	v2 =	vsub.f32 $0.0e+00, v9;
	v9 =	vld [tilespmem:s4+$0xFFFFFFE0]  }
0x16b: {  	v1 =	vld [tilespmem:s0+$0xFFFFFFD0];
	v6 =	vsub.f32 $0.0e+00, v6;
	v4 =	vmul.f32 $1.442695020e+00, v4;
	v8 =	vpop (erf);
	(erf) = vpow2.f32 v7  }
0x16c: {  	v11 =	vld [tilespmem:s4+$0x30];
	v5 =	vadd.f32 $1.000000000e+00, v5;
	v7 =	vpop (erf);
	(erf) = vrcp.f32 v3  }
0x16d: {  	v15 =	vld [tilespmem:s4+$0xFFFFFFD0];
	v3 =	vmul.f32 $1.442695020e+00, v6;
	v6 =	vadd.f32 $1.000000000e+00, v8;
	v8 =	vpop (erf);
	(erf) = vpow2.f32 v4  }
0x16e: {  	v10 =	vsub.f32 $0.0e+00, v10;
	v4 =	vadd.f32 $1.000000000e+00, v8;
	(erf) = vrcp.f32 v5  }
0x16f: {  	v8 =	vld [tilespmem:s4+$0x20];
	(erf) = vpow2.f32 v3;
	v3 =	vmul.f32 $1.442695020e+00, v2;
	v2 =	vsub.f32 $0.0e+00, v9  }
0x170: {  	v1 =	vsub.f32 $0.0e+00, v1;
	v5 =	vadd.f32 $1.000000000e+00, v7;
	v7 =	vpop (erf);
	v9 =	vld [tilespmem:s4+$0xFFFFFFF0]  }
0x171: {  	v12 =	vld [tilespmem:s4+$0x10];
	v13 =	vpop (erf);
	(erf) = vrcp.f32 v4;
	v16 =	vmul.f32 $1.442695020e+00, v2;
	v2 =	vsub.f32 $0.0e+00, v11  }
0x172: {  	v62 =	vsub.f32 $0.0e+00, v15;
	v1 =	vmul.f32 $1.442695020e+00, v1;
	(erf) = vrcp.f32 v6;
	v4 =	vpop (erf)  }
0x173: {  	v0 =	vadd.f32 $1.000000000e+00, v0;
	(erf) = vrcp.f32 v5;
	v5 =	vmul.f32 $1.442695020e+00, v10;
	v11 =	vpop (erf)  }
0x174: {  	v14 =	vld [tilespmem:s4+$0x0];
	v8 =	vsub.f32 $0.0e+00, v8;
	(erf) = vpow2.f32 v1;
	v6 =	vmul.f32 $1.442695020e+00, v2;
	v10 =	vpop (erf)  }
0x175: {  	v1 =	vadd.f32 $1.000000000e+00, v11;
	(erf) = vrcp.f32 v0;
	v9 =	vsub.f32 $0.0e+00, v9;
	v2 =	vpop (erf)  }
0x176: {  	v17 =	vmul.f32 $1.442695020e+00, v8;
	(erf) = vpow2.f32 v3;
	v8 =	vsub.f32 $0.0e+00, v12;
	v11 =	vpop (erf)  }
0x177: {  	v7 =	vadd.f32 $1.000000000e+00, v7;
	(erf) = vpow2.f32 v5;
	v5 =	vmul.f32 $1.442695020e+00, v9;
	v61 =	vpop (erf)  }
0x178: {  	(erf) = vrcp.f32 v1;
	v8 =	vmul.f32 $1.442695020e+00, v8;
	v3 =	vpop (erf)  }
0x179: {  	[tilespmem:s1+$0xFFFFFFE0] =	vst v4;
	v0 =	vsub.f32 $0.0e+00, v14;
	v1 =	vmul.f32 $1.442695020e+00, v62;
	(erf) = vrcp.f32 v7;
	v9 =	vpop (erf)  }
0x17a: {  	[tilespmem:s1+$0x20] =	vst v11;
	v11 =	vadd.f32 $1.000000000e+00, v10;
	v10 =	vadd.f32 $1.000000000e+00, v13;
	(erf) = vpow2.f32 v16;
	v63 =	vpop (erf)  }
0x17b: {  	s5 =	simm.s32 $0x100;
	s6 =	simm.s32 $0x65C0;
	v4 =	vadd.f32 $1.000000000e+00, v61;
	(erf) = vpow2.f32 v17;
	v7 =	vadd.f32 $1.000000000e+00, v9;
	[tilespmem:s1+$0xFFFFFFD0] =	vst v63;
	v9 =	vpop (erf)  }
.LBB2_14:
0x17c: {  	v12 =	vld [tilespmem:s6+$0xFFFFFFE0];
	s5 =	sadd.s32 $0x80, s5;
	(erf) = vpow2.f32 v6;
	v13 =	vadd.f32 $1.000000000e+00, v2;
	[tilespmem:s1+$0x10] =	vst v9;
	v2 =	vpop (erf)  }
0x17d: {  	v6 =	vld [tilespmem:s6+$0xFFFFFFC0];
	p0 =	slt.u32 s5, $0x3180;
	v9 =	vpop (erf);
	(erf) = vrcp.f32 v11  }
0x17e: {  	v11 =	vld [tilespmem:s6+$0x30];
	(erf) = vpow2.f32 v8;
	v15 =	vadd.f32 $1.000000000e+00, v9;
	[tilespmem:s1+$0xFFFFFFC0] =	vst v3;
	v3 =	vpop (erf)  }
0x17f: {  	v9 =	vld [tilespmem:s6+$0x20];
	(erf) = vrcp.f32 v10;
	v10 =	vpop (erf);
	[tilespmem:s1+$0x30] =	vst v3  }
0x180: {  	v0 =	vmul.f32 $1.442695020e+00, v0;
	v3 =	vld [tilespmem:s6+$0x10];
	v14 =	vpop (erf);
	(erf) = vpow2.f32 v5;
	v10 =	vadd.f32 $1.000000000e+00, v10  }
0x181: {  	v5 =	vsub.f32 $0.0e+00, v12;
	v12 =	vld [tilespmem:s6+$0xFFFFFFF0];
	(erf) = vrcp.f32 v15;
	v8 =	vpop (erf)  }
0x182: {  	v6 =	vsub.f32 $0.0e+00, v6;
	v15 =	vld [tilespmem:s6+$0x0];
	(erf) = vrcp.f32 v4;
	[tilespmem:s1+$0xFFFFFFF0] =	vst v2;
	v2 =	vpop (erf)  }
0x183: {  	v4 =	vld [tilespmem:s6+$0xFFFFFFD0];
	v16 =	vmul.f32 $1.442695020e+00, v5;
	v5 =	vsub.f32 $0.0e+00, v11;
	v11 =	vpop (erf);
	(erf) = vrcp.f32 v7;
	[tilespmem:s1+$0x0] =	vst v2;
	s1 =	smov.u32 s0;
	s0 =	smov.u32 s4;
	s4 =	smov.u32 s6  }
0x184: {  	v18 =	vmul.f32 $1.442695020e+00, v6;
	v9 =	vsub.f32 $0.0e+00, v9;
	(erf) = vpow2.f32 v1;
	v17 =	vpop (erf);
	[tilespmem:s1+$0xFFFFFFE0] =	vst v8  }
0x185: {  	v1 =	vadd.f32 $1.000000000e+00, v11;
	v6 =	vmul.f32 $1.442695020e+00, v5;
	v2 =	vpop (erf);
	(erf) = vrcp.f32 v13  }
0x186: {  	v5 =	vsub.f32 $0.0e+00, v12;
	v9 =	vmul.f32 $1.442695020e+00, v9;
	(erf) = vpow2.f32 v0;
	v8 =	vpop (erf)  }
.Ltmp6:
0x187: {  	v11 =	vsub.f32 $0.0e+00, v3;
	v0 =	vsub.f32 $0.0e+00, v15;
	(erf) = vpow2.f32 v18;
	v7 =	vpop (erf);
	[tilespmem:s1+$0x20] =	vst v8;
	(pc) =	sbr.rel @p0 .LBB2_14-.Ltmp6, $4  }
0x188: {  	v13 =	vsub.f32 $0.0e+00, v4;
	v5 =	vmul.f32 $1.442695020e+00, v5;
	(erf) = vrcp.f32 v1;
	v3 =	vpop (erf)  }
0x189: {  	v8 =	vmul.f32 $1.442695020e+00, v11;
	v4 =	vadd.f32 $1.000000000e+00, v7;
	v7 =	vpop (erf);
	(erf) = vrcp.f32 v10  }
0x18a: {  	v11 =	vadd.f32 $1.000000000e+00, v17;
	v1 =	vmul.f32 $1.442695020e+00, v13;
	(erf) = vpow2.f32 v16;
	v12 =	vpop (erf)  }
0x18b: {  	s6 =	sadd.s32 $0x80, s6;
	v10 =	vadd.f32 $1.000000000e+00, v14;
	v7 =	vadd.f32 $1.000000000e+00, v7;
	(erf) = vpow2.f32 v9;
	[tilespmem:s1+$0xFFFFFFD0] =	vst v12;
	v9 =	vpop (erf)  }
0x18c: {  	(erf) = vpow2.f32 v6;
	v6 =	vpop (erf)  }
0x18d: {  	v12 =	vpop (erf);
	(erf) = vrcp.f32 v11  }
0x18e: {  	(erf) = vpow2.f32 v8;
	v8 =	vpop (erf)  }
0x18f: {  	v57 =	vadd.f32 $1.000000000e+00, v12;
	(erf) = vrcp.f32 v10;
	v58 =	vpop (erf)  }
0x190: {  	v59 =	vpop (erf);
	(erf) = vpow2.f32 v5  }
0x191: {  	(erf) = vrcp.f32 v57;
	v5 =	vpop (erf)  }
0x192: {  	(erf) = vrcp.f32 v4;
	v4 =	vpop (erf)  }
0x193: {  	v60 =	vpop (erf);
	(erf) = vrcp.f32 v7  }
0x194: {  	v2 =	vadd.f32 $1.000000000e+00, v2;
	(erf) = vpow2.f32 v1;
	v1 =	vpop (erf)  }
0x195: {  	v0 =	vmul.f32 $1.442695020e+00, v0;
	v7 =	vpop (erf)  }
0x196: {  	v13 =	vpop (erf)  }
0x197: {  	(erf) = vrcp.f32 v2;
	v14 =	vpop (erf)  }
0x198: {  	(erf) = vpow2.f32 v0;
	v2 =	vpop (erf)  }
0x199: {  	v11 =	vadd.f32 $1.000000000e+00, v60;
	v0 =	vpop (erf)  }
0x19a: {  	[tilespmem:s1+$0x10] =	vst v9;
	v15 =	vpop (erf)  }
0x19b: {  	[tilespmem:s1+$0xFFFFFFC0] =	vst v3;
	v61 =	vadd.f32 $1.000000000e+00, v58;
	(erf) = vrcp.f32 v11;
	v62 =	vpop (erf)  }
0x19c: {  	[tilespmem:s1+$0x30] =	vst v8;
	v1 =	vadd.f32 $1.000000000e+00, v1;
	v3 =	vpop (erf)  }
0x19d: {  	v8 =	vadd.f32 $1.000000000e+00, v59;
	[tilespmem:s1+$0x0] =	vst v4;
	v4 =	vadd.f32 $1.000000000e+00, v14;
	(erf) = vrcp.f32 v61;
	v63 =	vpop (erf)  }
0x19e: {  	[tilespmem:s1+$0xFFFFFFF0] =	vst v6;
	(erf) = vrcp.f32 v1;
	v1 =	vadd.f32 $1.000000000e+00, v63  }
0x19f: {  	[tilespmem:s0+$0xFFFFFFE0] =	vst v5;
	(erf) = vrcp.f32 v8  }
0x1a0: {  	[tilespmem:s0+$0x20] =	vst v13;
	v0 =	vadd.f32 $1.000000000e+00, v0;
	v5 =	vpop (erf);
	(erf) = vrcp.f32 v1;
	v1 =	vadd.f32 $1.000000000e+00, v7  }
0x1a1: {  	[tilespmem:s0+$0xFFFFFFC0] =	vst v2;
	(erf) = vrcp.f32 v4;
	v4 =	vpop (erf)  }
0x1a2: {  	[tilespmem:s0+$0xFFFFFFD0] =	vst v15;
	(erf) = vrcp.f32 v0;
	v0 =	vadd.f32 $1.000000000e+00, v4  }
0x1a3: {  	[tilespmem:s0+$0x10] =	vst v62;
	(erf) = vrcp.f32 v1  }
0x1a4: {  	[tilespmem:s0+$0xFFFFFFF0] =	vst v3;
	v1 =	vpop (erf);
	(erf) = vrcp.f32 v0  }
0x1a5: {  	[tilespmem:s0+$0x30] =	vst v5  }
0x1a6: {  	[tilespmem:s4+$0xFFFFFFE0] =	vst v1;
	v0 =	vpop (erf)  }
0x1a7: {  	[tilespmem:s0+$0x0] =	vst v0;
	v0 =	vpop (erf)  }
0x1a8: {  	v1 =	vpop (erf);
	[tilespmem:s4+$0x20] =	vst v0  }
0x1a9: {  	v0 =	vpop (erf);
	[tilespmem:s4+$0xFFFFFFC0] =	vst v1  }
0x1aa: {  	[tilespmem:s4+$0xFFFFFFD0] =	vst v0;
	v0 =	vpop (erf)  }
0x1ab: {  	[tilespmem:s4+$0x10] =	vst v0;
	v0 =	vpop (erf)  }
0x1ac: {  	v1 =	vpop (erf);
	[tilespmem:s4+$0xFFFFFFF0] =	vst v0  }
0x1ad: {  	[tilespmem:s4+$0x30] =	vst v1;
	v0 =	vpop (erf)  }
0x1ae: {  	[tilespmem:s4+$0x0] =	vst v0  }
0x1af: {  	[hbm4b:s11+s3] =	stream.linear.scatter [tilespmem:s26], [sflag:$0x3], $0x3200, $0x38;
	[tilespmem:$0x1C800] =	vst v63  }
0x1b0: {  	_ = 	snop  }
0x1b1: {  	[tilespmem:s3], [sflag:$0x1] =	stream.linear.gather [hbm4b:s12+s3], $0x3200, $0x38;
	[tilespmem:$0x1C800] =	vst v63  }
0x1b2: {  	_ =	swait.ge [sflag:s22], $0x3200  }
0x1b3: {  	[sflag:s22] =	ssyncset.done $0x0  }
0x1b4: {  	s0 =	simm.s32 $0x40;
	[sflag:s22] =	ssyncadd.s32 $0xFFFFCE00  }
0x1b5: {  	v2 =	vld [tilespmem:s0+$0x30]  }
0x1b6: {  	v3 =	vld [tilespmem:s0+$0xFFFFFFD0]  }
0x1b7: {  	v6 =	vld [tilespmem:s0+$0xFFFFFFE0]  }
0x1b8: {  	v4 =	vld [tilespmem:s0+$0xFFFFFFF0]  }
0x1b9: {  	v1 =	vld [tilespmem:s0+$0x0]  }
0x1ba: {  	v0 =	vld [tilespmem:s0+$0x10];
	vm0 =	veq.s32 v2, $0x0;
	v5 =	vadd.s32 $0xFFFFFFFF, v2  }
0x1bb: {  	vm1 =	veq.s32 v3, $0x0;
	v7 =	vadd.s32 $0xFFFFFFFF, v3;
	v2 =	vld [tilespmem:s0+$0x20];
	v8 =	vsel vm0, $0xF423F, v5  }
0x1bc: {  	s1 =	simm.s32 $0x0;
	s4 =	simm.s32 $0xC0;
	v3 =	vld [tilespmem:s0+$0xFFFFFFC0];
	v5 =	vsel vm1, $0xF423F, v7;
	vm0 =	veq.s32 v6, $0x0;
	v6 =	vadd.s32 $0xFFFFFFFF, v6;
	[tilespmem:s0+$0x30] =	vst v8  }
.LBB2_16:
0x1bd: {  	v7 =	vld [tilespmem:s4+$0x30];
	s1 =	sadd.s32 $0x80, s1;
	[tilespmem:s0+$0xFFFFFFD0] =	vst v5;
	v5 =	vsel vm0, $0xF423F, v6;
	vm0 =	veq.s32 v4, $0x0;
	v4 =	vadd.s32 $0xFFFFFFFF, v4  }
0x1be: {  	v6 =	vld [tilespmem:s4+$0xFFFFFFD0];
	p0 =	slt.u32 s1, $0x3180;
	[tilespmem:s0+$0xFFFFFFE0] =	vst v5;
	v4 =	vsel vm0, $0xF423F, v4;
	vm0 =	veq.s32 v1, $0x0;
	v1 =	vadd.s32 $0xFFFFFFFF, v1  }
0x1bf: {  	v8 =	vld [tilespmem:s4+$0xFFFFFFE0];
	[tilespmem:s0+$0xFFFFFFF0] =	vst v4;
	v1 =	vsel vm0, $0xF423F, v1;
	vm0 =	veq.s32 v0, $0x0;
	v0 =	vadd.s32 $0xFFFFFFFF, v0  }
.Ltmp7:
0x1c0: {  	v4 =	vld [tilespmem:s4+$0xFFFFFFF0];
	[tilespmem:s0+$0x0] =	vst v1;
	v0 =	vsel vm0, $0xF423F, v0;
	vm0 =	veq.s32 v2, $0x0;
	v2 =	vadd.s32 $0xFFFFFFFF, v2;
	(pc) =	sbr.rel @p0 .LBB2_16-.Ltmp7, $4  }
0x1c1: {  	v1 =	vld [tilespmem:s4+$0x0];
	vm1 =	veq.s32 v3, $0x0;
	v3 =	vadd.s32 $0xFFFFFFFF, v3;
	[tilespmem:s0+$0x10] =	vst v0;
	v2 =	vsel vm0, $0xF423F, v2  }
0x1c2: {  	v0 =	vld [tilespmem:s4+$0x10];
	vm0 =	veq.s32 v7, $0x0;
	v5 =	vadd.s32 $0xFFFFFFFF, v7;
	v3 =	vsel vm1, $0xF423F, v3;
	[tilespmem:s0+$0x20] =	vst v2  }
0x1c3: {  	vm1 =	veq.s32 v6, $0x0;
	v6 =	vadd.s32 $0xFFFFFFFF, v6;
	v2 =	vld [tilespmem:s4+$0x20];
	v7 =	vsel vm0, $0xF423F, v5;
	[tilespmem:s0+$0xFFFFFFC0] =	vst v3;
	s0 =	smov.u32 s4  }
0x1c4: {  	s4 =	sadd.s32 $0x80, s4;
	v3 =	vld [tilespmem:s0+$0xFFFFFFC0];
	v5 =	vsel vm1, $0xF423F, v6;
	vm0 =	veq.s32 v8, $0x0;
	v6 =	vadd.s32 $0xFFFFFFFF, v8;
	[tilespmem:s0+$0x30] =	vst v7  }
0x1c5: {  	[tilespmem:s0+$0xFFFFFFD0] =	vst v5;
	v5 =	vsel vm0, $0xF423F, v6;
	vm12 =	veq.s32 v4, $0x0;
	v4 =	vadd.s32 $0xFFFFFFFF, v4  }
0x1c6: {  	[tilespmem:s0+$0xFFFFFFE0] =	vst v5;
	v4 =	vsel vm12, $0xF423F, v4;
	vm13 =	veq.s32 v1, $0x0;
	v1 =	vadd.s32 $0xFFFFFFFF, v1  }
0x1c7: {  	[tilespmem:s0+$0xFFFFFFF0] =	vst v4;
	v1 =	vsel vm13, $0xF423F, v1;
	vm14 =	veq.s32 v0, $0x0;
	v0 =	vadd.s32 $0xFFFFFFFF, v0  }
0x1c8: {  	[tilespmem:s0+$0x0] =	vst v1;
	v0 =	vsel vm14, $0xF423F, v0;
	vm15 =	veq.s32 v2, $0x0;
	v1 =	vadd.s32 $0xFFFFFFFF, v2  }
0x1c9: {  	vm1 =	veq.s32 v3, $0x0;
	v2 =	vadd.s32 $0xFFFFFFFF, v3;
	[tilespmem:s0+$0x10] =	vst v0;
	v0 =	vsel vm15, $0xF423F, v1  }
0x1ca: {  	v1 =	vsel vm1, $0xF423F, v2;
	[tilespmem:s0+$0x20] =	vst v0  }
0x1cb: {  	[tilespmem:s0+$0xFFFFFFC0] =	vst v1  }
0x1cc: {  	_ =	swait.ge [sflag:s30], $0x3200  }
0x1cd: {  	[sflag:s30] =	ssyncset.done $0x0  }
0x1ce: {  	[sflag:s30] =	ssyncadd.s32 $0xFFFFCE00  }
0x1cf: {  	[tilespmem:s26], [sflag:$0x2] =	stream.indirect.gather [spmem:s2], $0x1, s3, s25, $0xb8;
	[tilespmem:$0x1C800] =	vst v63  }
0x1d0: {  	_ =	swait.ge [sflag:s29], $0x3200  }
0x1d1: {  	[sflag:s29] =	ssyncset.done $0x0  }
0x1d2: {  	s1 =	simm.s32 $0x9640;
	[sflag:s29] =	ssyncadd.s32 $0xFFFFCE00  }
0x1d3: {  	v0 =	vld [tilespmem:s1+$0xFFFFFFC0]  }
0x1d4: {  	v1 =	vld [tilespmem:s1+$0xFFFFFFE0];
	_ =	sdelay $0x2  }
0x1d5: {  	v2 =	vld [tilespmem:s1+$0x20]  }
0x1d6: {  	v3 =	vld [tilespmem:s1+$0x30];
	v0 =	vsub.f32 $0.0e+00, v0  }
0x1d7: {  	v5 =	vld [tilespmem:s1+$0xFFFFFFF0];
	v1 =	vsub.f32 $0.0e+00, v1  }
0x1d8: {  	v4 =	vld [tilespmem:s1+$0x10];
	v0 =	vmul.f32 $1.442695020e+00, v0  }
0x1d9: {  	v1 =	vmul.f32 $1.442695020e+00, v1  }
0x1da: {  	s0 =	simm.s32 $0x96C0;
	v6 =	vld [tilespmem:s1+$0xFFFFFFD0];
	(erf) = vpow2.f32 v0;
	v0 =	vsub.f32 $0.0e+00, v2  }
0x1db: {  	v7 =	vld [tilespmem:s0+$0x30];
	v2 =	vsub.f32 $0.0e+00, v3;
	(erf) = vpow2.f32 v1  }
0x1dc: {  	v5 =	vsub.f32 $0.0e+00, v5;
	v1 =	vld [tilespmem:s1+$0x0];
	v0 =	vmul.f32 $1.442695020e+00, v0  }
0x1dd: {  	v3 =	vsub.f32 $0.0e+00, v4;
	v4 =	vld [tilespmem:s0+$0xFFFFFFC0];
	v2 =	vmul.f32 $1.442695020e+00, v2  }
0x1de: {  	v5 =	vmul.f32 $1.442695020e+00, v5;
	(erf) = vpow2.f32 v0;
	v0 =	vld [tilespmem:s0+$0xFFFFFFE0]  }
0x1df: {  	v6 =	vsub.f32 $0.0e+00, v6;
	v3 =	vmul.f32 $1.442695020e+00, v3;
	(erf) = vpow2.f32 v2;
	v2 =	vld [tilespmem:s0+$0x20];
	_ =	sdelay $0x1  }
0x1e0: {  	v6 =	vmul.f32 $1.442695020e+00, v6;
	v1 =	vsub.f32 $0.0e+00, v1;
	(erf) = vpow2.f32 v3  }
0x1e1: {  	v3 =	vsub.f32 $0.0e+00, v4;
	(erf) = vpow2.f32 v5  }
0x1e2: {  	v4 =	vld [tilespmem:s0+$0x10];
	v1 =	vmul.f32 $1.442695020e+00, v1;
	(erf) = vpow2.f32 v6;
	v5 =	vpop (erf);
	v0 =	vsub.f32 $0.0e+00, v0  }
0x1e3: {  	v9 =	vld [tilespmem:s0+$0x0];
	v7 =	vsub.f32 $0.0e+00, v7;
	v3 =	vmul.f32 $1.442695020e+00, v3;
	v8 =	vpop (erf);
	v2 =	vsub.f32 $0.0e+00, v2  }
0x1e4: {  	v6 =	vld [tilespmem:s0+$0xFFFFFFF0];
	(erf) = vpow2.f32 v1;
	v8 =	vadd.f32 $1.000000000e+00, v8;
	v0 =	vmul.f32 $1.442695020e+00, v0  }
0x1e5: {  	v7 =	vmul.f32 $1.442695020e+00, v7;
	(erf) = vpow2.f32 v3  }
0x1e6: {  	s4 =	simm.s32 $0x9740;
	v2 =	vmul.f32 $1.442695020e+00, v2;
	(erf) = vrcp.f32 v8  }
0x1e7: {  	v10 =	vld [tilespmem:s4+$0xFFFFFFC0];
	v4 =	vsub.f32 $0.0e+00, v4;
	v3 =	vpop (erf);
	(erf) = vpow2.f32 v0  }
0x1e8: {  	v3 =	vadd.f32 $1.000000000e+00, v3;
	v0 =	vpop (erf);
	(erf) = vpow2.f32 v2;
	v2 =	vsub.f32 $0.0e+00, v9;
	v9 =	vld [tilespmem:s4+$0xFFFFFFE0]  }
0x1e9: {  	v1 =	vld [tilespmem:s0+$0xFFFFFFD0];
	v6 =	vsub.f32 $0.0e+00, v6;
	v4 =	vmul.f32 $1.442695020e+00, v4;
	v8 =	vpop (erf);
	(erf) = vpow2.f32 v7  }
0x1ea: {  	v11 =	vld [tilespmem:s4+$0x30];
	v5 =	vadd.f32 $1.000000000e+00, v5;
	v7 =	vpop (erf);
	(erf) = vrcp.f32 v3  }
0x1eb: {  	v15 =	vld [tilespmem:s4+$0xFFFFFFD0];
	v3 =	vmul.f32 $1.442695020e+00, v6;
	v6 =	vadd.f32 $1.000000000e+00, v8;
	v8 =	vpop (erf);
	(erf) = vpow2.f32 v4  }
0x1ec: {  	v10 =	vsub.f32 $0.0e+00, v10;
	v4 =	vadd.f32 $1.000000000e+00, v8;
	(erf) = vrcp.f32 v5  }
0x1ed: {  	v8 =	vld [tilespmem:s4+$0x20];
	(erf) = vpow2.f32 v3;
	v3 =	vmul.f32 $1.442695020e+00, v2;
	v2 =	vsub.f32 $0.0e+00, v9  }
0x1ee: {  	v1 =	vsub.f32 $0.0e+00, v1;
	v5 =	vadd.f32 $1.000000000e+00, v7;
	v7 =	vpop (erf);
	v9 =	vld [tilespmem:s4+$0xFFFFFFF0]  }
0x1ef: {  	v12 =	vld [tilespmem:s4+$0x10];
	v13 =	vpop (erf);
	(erf) = vrcp.f32 v4;
	v16 =	vmul.f32 $1.442695020e+00, v2;
	v2 =	vsub.f32 $0.0e+00, v11  }
0x1f0: {  	v62 =	vsub.f32 $0.0e+00, v15;
	v1 =	vmul.f32 $1.442695020e+00, v1;
	(erf) = vrcp.f32 v6;
	v4 =	vpop (erf)  }
0x1f1: {  	v0 =	vadd.f32 $1.000000000e+00, v0;
	(erf) = vrcp.f32 v5;
	v5 =	vmul.f32 $1.442695020e+00, v10;
	v11 =	vpop (erf)  }
0x1f2: {  	v14 =	vld [tilespmem:s4+$0x0];
	v8 =	vsub.f32 $0.0e+00, v8;
	(erf) = vpow2.f32 v1;
	v6 =	vmul.f32 $1.442695020e+00, v2;
	v10 =	vpop (erf)  }
0x1f3: {  	v1 =	vadd.f32 $1.000000000e+00, v11;
	(erf) = vrcp.f32 v0;
	v9 =	vsub.f32 $0.0e+00, v9;
	v2 =	vpop (erf)  }
0x1f4: {  	v17 =	vmul.f32 $1.442695020e+00, v8;
	(erf) = vpow2.f32 v3;
	v8 =	vsub.f32 $0.0e+00, v12;
	v11 =	vpop (erf)  }
0x1f5: {  	v7 =	vadd.f32 $1.000000000e+00, v7;
	(erf) = vpow2.f32 v5;
	v5 =	vmul.f32 $1.442695020e+00, v9;
	v61 =	vpop (erf)  }
0x1f6: {  	(erf) = vrcp.f32 v1;
	v8 =	vmul.f32 $1.442695020e+00, v8;
	v3 =	vpop (erf)  }
0x1f7: {  	[tilespmem:s1+$0xFFFFFFE0] =	vst v4;
	v0 =	vsub.f32 $0.0e+00, v14;
	v1 =	vmul.f32 $1.442695020e+00, v62;
	(erf) = vrcp.f32 v7;
	v9 =	vpop (erf)  }
0x1f8: {  	[tilespmem:s1+$0x20] =	vst v11;
	v11 =	vadd.f32 $1.000000000e+00, v10;
	v10 =	vadd.f32 $1.000000000e+00, v13;
	(erf) = vpow2.f32 v16;
	v63 =	vpop (erf)  }
0x1f9: {  	s5 =	simm.s32 $0x100;
	s6 =	simm.s32 $0x97C0;
	v4 =	vadd.f32 $1.000000000e+00, v61;
	(erf) = vpow2.f32 v17;
	v7 =	vadd.f32 $1.000000000e+00, v9;
	[tilespmem:s1+$0xFFFFFFD0] =	vst v63;
	v9 =	vpop (erf)  }
.LBB2_18:
0x1fa: {  	v12 =	vld [tilespmem:s6+$0xFFFFFFE0];
	s5 =	sadd.s32 $0x80, s5;
	(erf) = vpow2.f32 v6;
	v13 =	vadd.f32 $1.000000000e+00, v2;
	[tilespmem:s1+$0x10] =	vst v9;
	v2 =	vpop (erf)  }
0x1fb: {  	v6 =	vld [tilespmem:s6+$0xFFFFFFC0];
	p0 =	slt.u32 s5, $0x3180;
	v9 =	vpop (erf);
	(erf) = vrcp.f32 v11  }
0x1fc: {  	v11 =	vld [tilespmem:s6+$0x30];
	(erf) = vpow2.f32 v8;
	v15 =	vadd.f32 $1.000000000e+00, v9;
	[tilespmem:s1+$0xFFFFFFC0] =	vst v3;
	v3 =	vpop (erf)  }
0x1fd: {  	v9 =	vld [tilespmem:s6+$0x20];
	(erf) = vrcp.f32 v10;
	v10 =	vpop (erf);
	[tilespmem:s1+$0x30] =	vst v3  }
0x1fe: {  	v0 =	vmul.f32 $1.442695020e+00, v0;
	v3 =	vld [tilespmem:s6+$0x10];
	v14 =	vpop (erf);
	(erf) = vpow2.f32 v5;
	v10 =	vadd.f32 $1.000000000e+00, v10  }
0x1ff: {  	v5 =	vsub.f32 $0.0e+00, v12;
	v12 =	vld [tilespmem:s6+$0xFFFFFFF0];
	(erf) = vrcp.f32 v15;
	v8 =	vpop (erf)  }
0x200: {  	v6 =	vsub.f32 $0.0e+00, v6;
	v15 =	vld [tilespmem:s6+$0x0];
	(erf) = vrcp.f32 v4;
	[tilespmem:s1+$0xFFFFFFF0] =	vst v2;
	v2 =	vpop (erf)  }
0x201: {  	v4 =	vld [tilespmem:s6+$0xFFFFFFD0];
	v16 =	vmul.f32 $1.442695020e+00, v5;
	v5 =	vsub.f32 $0.0e+00, v11;
	v11 =	vpop (erf);
	(erf) = vrcp.f32 v7;
	[tilespmem:s1+$0x0] =	vst v2;
	s1 =	smov.u32 s0;
	s0 =	smov.u32 s4;
	s4 =	smov.u32 s6  }
0x202: {  	v18 =	vmul.f32 $1.442695020e+00, v6;
	v9 =	vsub.f32 $0.0e+00, v9;
	(erf) = vpow2.f32 v1;
	v17 =	vpop (erf);
	[tilespmem:s1+$0xFFFFFFE0] =	vst v8  }
0x203: {  	v1 =	vadd.f32 $1.000000000e+00, v11;
	v6 =	vmul.f32 $1.442695020e+00, v5;
	v2 =	vpop (erf);
	(erf) = vrcp.f32 v13  }
0x204: {  	v5 =	vsub.f32 $0.0e+00, v12;
	v9 =	vmul.f32 $1.442695020e+00, v9;
	(erf) = vpow2.f32 v0;
	v8 =	vpop (erf)  }
.Ltmp8:
0x205: {  	v11 =	vsub.f32 $0.0e+00, v3;
	v0 =	vsub.f32 $0.0e+00, v15;
	(erf) = vpow2.f32 v18;
	v7 =	vpop (erf);
	[tilespmem:s1+$0x20] =	vst v8;
	(pc) =	sbr.rel @p0 .LBB2_18-.Ltmp8, $4  }
0x206: {  	v13 =	vsub.f32 $0.0e+00, v4;
	v5 =	vmul.f32 $1.442695020e+00, v5;
	(erf) = vrcp.f32 v1;
	v3 =	vpop (erf)  }
0x207: {  	v8 =	vmul.f32 $1.442695020e+00, v11;
	v4 =	vadd.f32 $1.000000000e+00, v7;
	v7 =	vpop (erf);
	(erf) = vrcp.f32 v10  }
0x208: {  	v11 =	vadd.f32 $1.000000000e+00, v17;
	v1 =	vmul.f32 $1.442695020e+00, v13;
	(erf) = vpow2.f32 v16;
	v12 =	vpop (erf)  }
0x209: {  	s6 =	sadd.s32 $0x80, s6;
	v10 =	vadd.f32 $1.000000000e+00, v14;
	v7 =	vadd.f32 $1.000000000e+00, v7;
	(erf) = vpow2.f32 v9;
	[tilespmem:s1+$0xFFFFFFD0] =	vst v12;
	v9 =	vpop (erf)  }
0x20a: {  	(erf) = vpow2.f32 v6;
	v6 =	vpop (erf)  }
0x20b: {  	v12 =	vpop (erf);
	(erf) = vrcp.f32 v11  }
0x20c: {  	(erf) = vpow2.f32 v8;
	v8 =	vpop (erf)  }
0x20d: {  	v57 =	vadd.f32 $1.000000000e+00, v12;
	(erf) = vrcp.f32 v10;
	v58 =	vpop (erf)  }
0x20e: {  	v59 =	vpop (erf);
	(erf) = vpow2.f32 v5  }
0x20f: {  	(erf) = vrcp.f32 v57;
	v5 =	vpop (erf)  }
0x210: {  	(erf) = vrcp.f32 v4;
	v4 =	vpop (erf)  }
0x211: {  	v60 =	vpop (erf);
	(erf) = vrcp.f32 v7  }
0x212: {  	v2 =	vadd.f32 $1.000000000e+00, v2;
	(erf) = vpow2.f32 v1;
	v1 =	vpop (erf)  }
0x213: {  	v0 =	vmul.f32 $1.442695020e+00, v0;
	v7 =	vpop (erf)  }
0x214: {  	v13 =	vpop (erf)  }
0x215: {  	(erf) = vrcp.f32 v2;
	v14 =	vpop (erf)  }
0x216: {  	(erf) = vpow2.f32 v0;
	v2 =	vpop (erf)  }
0x217: {  	v11 =	vadd.f32 $1.000000000e+00, v60;
	v0 =	vpop (erf)  }
0x218: {  	[tilespmem:s1+$0x10] =	vst v9;
	v15 =	vpop (erf)  }
0x219: {  	[tilespmem:s1+$0xFFFFFFC0] =	vst v3;
	v61 =	vadd.f32 $1.000000000e+00, v58;
	(erf) = vrcp.f32 v11;
	v62 =	vpop (erf)  }
0x21a: {  	[tilespmem:s1+$0x30] =	vst v8;
	v1 =	vadd.f32 $1.000000000e+00, v1;
	v3 =	vpop (erf)  }
0x21b: {  	v8 =	vadd.f32 $1.000000000e+00, v59;
	[tilespmem:s1+$0x0] =	vst v4;
	v4 =	vadd.f32 $1.000000000e+00, v14;
	(erf) = vrcp.f32 v61;
	v63 =	vpop (erf)  }
0x21c: {  	[tilespmem:s1+$0xFFFFFFF0] =	vst v6;
	(erf) = vrcp.f32 v1;
	v1 =	vadd.f32 $1.000000000e+00, v63  }
0x21d: {  	[tilespmem:s0+$0xFFFFFFE0] =	vst v5;
	(erf) = vrcp.f32 v8  }
0x21e: {  	[tilespmem:s0+$0x20] =	vst v13;
	v0 =	vadd.f32 $1.000000000e+00, v0;
	v5 =	vpop (erf);
	(erf) = vrcp.f32 v1;
	v1 =	vadd.f32 $1.000000000e+00, v7  }
0x21f: {  	[tilespmem:s0+$0xFFFFFFC0] =	vst v2;
	(erf) = vrcp.f32 v4;
	v4 =	vpop (erf)  }
0x220: {  	[tilespmem:s0+$0xFFFFFFD0] =	vst v15;
	(erf) = vrcp.f32 v0;
	v0 =	vadd.f32 $1.000000000e+00, v4  }
0x221: {  	[tilespmem:s0+$0x10] =	vst v62;
	(erf) = vrcp.f32 v1  }
0x222: {  	[tilespmem:s0+$0xFFFFFFF0] =	vst v3;
	v1 =	vpop (erf);
	(erf) = vrcp.f32 v0  }
0x223: {  	[tilespmem:s0+$0x30] =	vst v5  }
0x224: {  	[tilespmem:s4+$0xFFFFFFE0] =	vst v1;
	v0 =	vpop (erf)  }
0x225: {  	[tilespmem:s0+$0x0] =	vst v0;
	v0 =	vpop (erf)  }
0x226: {  	v1 =	vpop (erf);
	[tilespmem:s4+$0x20] =	vst v0  }
0x227: {  	v0 =	vpop (erf);
	[tilespmem:s4+$0xFFFFFFC0] =	vst v1  }
0x228: {  	[tilespmem:s4+$0xFFFFFFD0] =	vst v0;
	v0 =	vpop (erf)  }
0x229: {  	[tilespmem:s4+$0x10] =	vst v0;
	v0 =	vpop (erf)  }
0x22a: {  	v1 =	vpop (erf);
	[tilespmem:s4+$0xFFFFFFF0] =	vst v0  }
0x22b: {  	[tilespmem:s4+$0x30] =	vst v1;
	v0 =	vpop (erf)  }
0x22c: {  	[tilespmem:s4+$0x0] =	vst v0  }
0x22d: {  	[hbm4b:s13+s3] =	stream.linear.scatter [tilespmem:s28], [sflag:$0x3], $0x3200, $0x38;
	[tilespmem:$0x1C800] =	vst v63  }
0x22e: {  	_ = 	snop  }
0x22f: {  	[tilespmem:s25], [sflag:$0x1] =	stream.linear.gather [hbm4b:s14+s3], $0x3200, $0x38;
	[tilespmem:$0x1C800] =	vst v63  }
0x230: {  	_ =	swait.ge [sflag:s22], $0x3200  }
0x231: {  	[sflag:s22] =	ssyncset.done $0x0  }
0x232: {  	s0 =	simm.s32 $0x3240;
	[sflag:s22] =	ssyncadd.s32 $0xFFFFCE00  }
0x233: {  	v2 =	vld [tilespmem:s0+$0x30]  }
0x234: {  	v3 =	vld [tilespmem:s0+$0xFFFFFFD0]  }
0x235: {  	v6 =	vld [tilespmem:s0+$0xFFFFFFE0]  }
0x236: {  	v4 =	vld [tilespmem:s0+$0xFFFFFFF0]  }
0x237: {  	v1 =	vld [tilespmem:s0+$0x0]  }
0x238: {  	v0 =	vld [tilespmem:s0+$0x10];
	vm0 =	veq.s32 v2, $0x0;
	v5 =	vadd.s32 $0xFFFFFFFF, v2  }
0x239: {  	vm1 =	veq.s32 v3, $0x0;
	v7 =	vadd.s32 $0xFFFFFFFF, v3;
	v2 =	vld [tilespmem:s0+$0x20];
	v8 =	vsel vm0, $0xF423F, v5  }
0x23a: {  	s1 =	simm.s32 $0x0;
	s4 =	simm.s32 $0x32C0;
	v3 =	vld [tilespmem:s0+$0xFFFFFFC0];
	v5 =	vsel vm1, $0xF423F, v7;
	vm0 =	veq.s32 v6, $0x0;
	v6 =	vadd.s32 $0xFFFFFFFF, v6;
	[tilespmem:s0+$0x30] =	vst v8  }
.LBB2_20:
0x23b: {  	v7 =	vld [tilespmem:s4+$0x30];
	s1 =	sadd.s32 $0x80, s1;
	[tilespmem:s0+$0xFFFFFFD0] =	vst v5;
	v5 =	vsel vm0, $0xF423F, v6;
	vm0 =	veq.s32 v4, $0x0;
	v4 =	vadd.s32 $0xFFFFFFFF, v4  }
0x23c: {  	v6 =	vld [tilespmem:s4+$0xFFFFFFD0];
	p0 =	slt.u32 s1, $0x3180;
	[tilespmem:s0+$0xFFFFFFE0] =	vst v5;
	v4 =	vsel vm0, $0xF423F, v4;
	vm0 =	veq.s32 v1, $0x0;
	v1 =	vadd.s32 $0xFFFFFFFF, v1  }
0x23d: {  	v8 =	vld [tilespmem:s4+$0xFFFFFFE0];
	[tilespmem:s0+$0xFFFFFFF0] =	vst v4;
	v1 =	vsel vm0, $0xF423F, v1;
	vm0 =	veq.s32 v0, $0x0;
	v0 =	vadd.s32 $0xFFFFFFFF, v0  }
.Ltmp9:
0x23e: {  	v4 =	vld [tilespmem:s4+$0xFFFFFFF0];
	[tilespmem:s0+$0x0] =	vst v1;
	v0 =	vsel vm0, $0xF423F, v0;
	vm0 =	veq.s32 v2, $0x0;
	v2 =	vadd.s32 $0xFFFFFFFF, v2;
	(pc) =	sbr.rel @p0 .LBB2_20-.Ltmp9, $4  }
0x23f: {  	v1 =	vld [tilespmem:s4+$0x0];
	vm1 =	veq.s32 v3, $0x0;
	v3 =	vadd.s32 $0xFFFFFFFF, v3;
	[tilespmem:s0+$0x10] =	vst v0;
	v2 =	vsel vm0, $0xF423F, v2  }
0x240: {  	v0 =	vld [tilespmem:s4+$0x10];
	vm0 =	veq.s32 v7, $0x0;
	v5 =	vadd.s32 $0xFFFFFFFF, v7;
	v3 =	vsel vm1, $0xF423F, v3;
	[tilespmem:s0+$0x20] =	vst v2  }
0x241: {  	vm1 =	veq.s32 v6, $0x0;
	v6 =	vadd.s32 $0xFFFFFFFF, v6;
	v2 =	vld [tilespmem:s4+$0x20];
	v7 =	vsel vm0, $0xF423F, v5;
	[tilespmem:s0+$0xFFFFFFC0] =	vst v3;
	s0 =	smov.u32 s4  }
0x242: {  	s4 =	sadd.s32 $0x80, s4;
	v3 =	vld [tilespmem:s0+$0xFFFFFFC0];
	v5 =	vsel vm1, $0xF423F, v6;
	vm0 =	veq.s32 v8, $0x0;
	v6 =	vadd.s32 $0xFFFFFFFF, v8;
	[tilespmem:s0+$0x30] =	vst v7  }
0x243: {  	[tilespmem:s0+$0xFFFFFFD0] =	vst v5;
	v5 =	vsel vm0, $0xF423F, v6;
	vm12 =	veq.s32 v4, $0x0;
	v4 =	vadd.s32 $0xFFFFFFFF, v4  }
0x244: {  	[tilespmem:s0+$0xFFFFFFE0] =	vst v5;
	v4 =	vsel vm12, $0xF423F, v4;
	vm13 =	veq.s32 v1, $0x0;
	v1 =	vadd.s32 $0xFFFFFFFF, v1  }
0x245: {  	[tilespmem:s0+$0xFFFFFFF0] =	vst v4;
	v1 =	vsel vm13, $0xF423F, v1;
	vm14 =	veq.s32 v0, $0x0;
	v0 =	vadd.s32 $0xFFFFFFFF, v0  }
0x246: {  	[tilespmem:s0+$0x0] =	vst v1;
	v0 =	vsel vm14, $0xF423F, v0;
	vm15 =	veq.s32 v2, $0x0;
	v1 =	vadd.s32 $0xFFFFFFFF, v2  }
0x247: {  	vm1 =	veq.s32 v3, $0x0;
	v2 =	vadd.s32 $0xFFFFFFFF, v3;
	[tilespmem:s0+$0x10] =	vst v0;
	v0 =	vsel vm15, $0xF423F, v1  }
0x248: {  	v1 =	vsel vm1, $0xF423F, v2;
	[tilespmem:s0+$0x20] =	vst v0  }
0x249: {  	[tilespmem:s0+$0xFFFFFFC0] =	vst v1  }
0x24a: {  	_ =	swait.ge [sflag:s30], $0x3200  }
0x24b: {  	[sflag:s30] =	ssyncset.done $0x0  }
0x24c: {  	[sflag:s30] =	ssyncadd.s32 $0xFFFFCE00  }
0x24d: {  	[tilespmem:s28], [sflag:$0x2] =	stream.indirect.gather [spmem:s2], $0x1, s25, s25, $0xb8;
	[tilespmem:$0x1C800] =	vst v63  }
0x24e: {  	_ =	swait.ge [sflag:s29], $0x3200  }
0x24f: {  	[sflag:s29] =	ssyncset.done $0x0  }
0x250: {  	s1 =	simm.s32 $0x6440;
	[sflag:s29] =	ssyncadd.s32 $0xFFFFCE00  }
0x251: {  	v0 =	vld [tilespmem:s1+$0xFFFFFFC0]  }
0x252: {  	v1 =	vld [tilespmem:s1+$0xFFFFFFE0];
	_ =	sdelay $0x2  }
0x253: {  	v2 =	vld [tilespmem:s1+$0x20]  }
0x254: {  	v3 =	vld [tilespmem:s1+$0x30];
	v0 =	vsub.f32 $0.0e+00, v0  }
0x255: {  	v5 =	vld [tilespmem:s1+$0xFFFFFFF0];
	v1 =	vsub.f32 $0.0e+00, v1  }
0x256: {  	v4 =	vld [tilespmem:s1+$0x10];
	v0 =	vmul.f32 $1.442695020e+00, v0  }
0x257: {  	v1 =	vmul.f32 $1.442695020e+00, v1  }
0x258: {  	s0 =	simm.s32 $0x64C0;
	v6 =	vld [tilespmem:s1+$0xFFFFFFD0];
	(erf) = vpow2.f32 v0;
	v0 =	vsub.f32 $0.0e+00, v2  }
0x259: {  	v7 =	vld [tilespmem:s0+$0x30];
	v2 =	vsub.f32 $0.0e+00, v3;
	(erf) = vpow2.f32 v1  }
0x25a: {  	v5 =	vsub.f32 $0.0e+00, v5;
	v1 =	vld [tilespmem:s1+$0x0];
	v0 =	vmul.f32 $1.442695020e+00, v0  }
0x25b: {  	v3 =	vsub.f32 $0.0e+00, v4;
	v4 =	vld [tilespmem:s0+$0xFFFFFFC0];
	v2 =	vmul.f32 $1.442695020e+00, v2  }
0x25c: {  	v5 =	vmul.f32 $1.442695020e+00, v5;
	(erf) = vpow2.f32 v0;
	v0 =	vld [tilespmem:s0+$0xFFFFFFE0]  }
0x25d: {  	v6 =	vsub.f32 $0.0e+00, v6;
	v3 =	vmul.f32 $1.442695020e+00, v3;
	(erf) = vpow2.f32 v2;
	v2 =	vld [tilespmem:s0+$0x20];
	_ =	sdelay $0x1  }
0x25e: {  	v6 =	vmul.f32 $1.442695020e+00, v6;
	v1 =	vsub.f32 $0.0e+00, v1;
	(erf) = vpow2.f32 v3  }
0x25f: {  	v3 =	vsub.f32 $0.0e+00, v4;
	(erf) = vpow2.f32 v5  }
0x260: {  	v4 =	vld [tilespmem:s0+$0x10];
	v1 =	vmul.f32 $1.442695020e+00, v1;
	(erf) = vpow2.f32 v6;
	v5 =	vpop (erf);
	v0 =	vsub.f32 $0.0e+00, v0  }
0x261: {  	v9 =	vld [tilespmem:s0+$0x0];
	v7 =	vsub.f32 $0.0e+00, v7;
	v3 =	vmul.f32 $1.442695020e+00, v3;
	v8 =	vpop (erf);
	v2 =	vsub.f32 $0.0e+00, v2  }
0x262: {  	v6 =	vld [tilespmem:s0+$0xFFFFFFF0];
	(erf) = vpow2.f32 v1;
	v8 =	vadd.f32 $1.000000000e+00, v8;
	v0 =	vmul.f32 $1.442695020e+00, v0  }
0x263: {  	v7 =	vmul.f32 $1.442695020e+00, v7;
	(erf) = vpow2.f32 v3  }
0x264: {  	s4 =	simm.s32 $0x6540;
	v2 =	vmul.f32 $1.442695020e+00, v2;
	(erf) = vrcp.f32 v8  }
0x265: {  	v10 =	vld [tilespmem:s4+$0xFFFFFFC0];
	v4 =	vsub.f32 $0.0e+00, v4;
	v3 =	vpop (erf);
	(erf) = vpow2.f32 v0  }
0x266: {  	v3 =	vadd.f32 $1.000000000e+00, v3;
	v0 =	vpop (erf);
	(erf) = vpow2.f32 v2;
	v2 =	vsub.f32 $0.0e+00, v9;
	v9 =	vld [tilespmem:s4+$0xFFFFFFE0]  }
0x267: {  	v1 =	vld [tilespmem:s0+$0xFFFFFFD0];
	v6 =	vsub.f32 $0.0e+00, v6;
	v4 =	vmul.f32 $1.442695020e+00, v4;
	v8 =	vpop (erf);
	(erf) = vpow2.f32 v7  }
0x268: {  	v11 =	vld [tilespmem:s4+$0x30];
	v5 =	vadd.f32 $1.000000000e+00, v5;
	v7 =	vpop (erf);
	(erf) = vrcp.f32 v3  }
0x269: {  	v15 =	vld [tilespmem:s4+$0xFFFFFFD0];
	v3 =	vmul.f32 $1.442695020e+00, v6;
	v6 =	vadd.f32 $1.000000000e+00, v8;
	v8 =	vpop (erf);
	(erf) = vpow2.f32 v4  }
0x26a: {  	v10 =	vsub.f32 $0.0e+00, v10;
	v4 =	vadd.f32 $1.000000000e+00, v8;
	(erf) = vrcp.f32 v5  }
0x26b: {  	v8 =	vld [tilespmem:s4+$0x20];
	(erf) = vpow2.f32 v3;
	v3 =	vmul.f32 $1.442695020e+00, v2;
	v2 =	vsub.f32 $0.0e+00, v9  }
0x26c: {  	v1 =	vsub.f32 $0.0e+00, v1;
	v5 =	vadd.f32 $1.000000000e+00, v7;
	v7 =	vpop (erf);
	v9 =	vld [tilespmem:s4+$0xFFFFFFF0]  }
0x26d: {  	v12 =	vld [tilespmem:s4+$0x10];
	v13 =	vpop (erf);
	(erf) = vrcp.f32 v4;
	v16 =	vmul.f32 $1.442695020e+00, v2;
	v2 =	vsub.f32 $0.0e+00, v11  }
0x26e: {  	v62 =	vsub.f32 $0.0e+00, v15;
	v1 =	vmul.f32 $1.442695020e+00, v1;
	(erf) = vrcp.f32 v6;
	v4 =	vpop (erf)  }
0x26f: {  	v0 =	vadd.f32 $1.000000000e+00, v0;
	(erf) = vrcp.f32 v5;
	v5 =	vmul.f32 $1.442695020e+00, v10;
	v11 =	vpop (erf)  }
0x270: {  	v14 =	vld [tilespmem:s4+$0x0];
	v8 =	vsub.f32 $0.0e+00, v8;
	(erf) = vpow2.f32 v1;
	v6 =	vmul.f32 $1.442695020e+00, v2;
	v10 =	vpop (erf)  }
0x271: {  	v1 =	vadd.f32 $1.000000000e+00, v11;
	(erf) = vrcp.f32 v0;
	v9 =	vsub.f32 $0.0e+00, v9;
	v2 =	vpop (erf)  }
0x272: {  	v17 =	vmul.f32 $1.442695020e+00, v8;
	(erf) = vpow2.f32 v3;
	v8 =	vsub.f32 $0.0e+00, v12;
	v11 =	vpop (erf)  }
0x273: {  	v7 =	vadd.f32 $1.000000000e+00, v7;
	(erf) = vpow2.f32 v5;
	v5 =	vmul.f32 $1.442695020e+00, v9;
	v61 =	vpop (erf)  }
0x274: {  	(erf) = vrcp.f32 v1;
	v8 =	vmul.f32 $1.442695020e+00, v8;
	v3 =	vpop (erf)  }
0x275: {  	[tilespmem:s1+$0xFFFFFFE0] =	vst v4;
	v0 =	vsub.f32 $0.0e+00, v14;
	v1 =	vmul.f32 $1.442695020e+00, v62;
	(erf) = vrcp.f32 v7;
	v9 =	vpop (erf)  }
0x276: {  	[tilespmem:s1+$0x20] =	vst v11;
	v11 =	vadd.f32 $1.000000000e+00, v10;
	v10 =	vadd.f32 $1.000000000e+00, v13;
	(erf) = vpow2.f32 v16;
	v63 =	vpop (erf)  }
0x277: {  	s5 =	simm.s32 $0x100;
	s6 =	simm.s32 $0x65C0;
	v4 =	vadd.f32 $1.000000000e+00, v61;
	(erf) = vpow2.f32 v17;
	v7 =	vadd.f32 $1.000000000e+00, v9;
	[tilespmem:s1+$0xFFFFFFD0] =	vst v63;
	v9 =	vpop (erf)  }
.LBB2_22:
0x278: {  	v12 =	vld [tilespmem:s6+$0xFFFFFFE0];
	s5 =	sadd.s32 $0x80, s5;
	(erf) = vpow2.f32 v6;
	v13 =	vadd.f32 $1.000000000e+00, v2;
	[tilespmem:s1+$0x10] =	vst v9;
	v2 =	vpop (erf)  }
0x279: {  	v6 =	vld [tilespmem:s6+$0xFFFFFFC0];
	p0 =	slt.u32 s5, $0x3180;
	v9 =	vpop (erf);
	(erf) = vrcp.f32 v11  }
0x27a: {  	v11 =	vld [tilespmem:s6+$0x30];
	(erf) = vpow2.f32 v8;
	v15 =	vadd.f32 $1.000000000e+00, v9;
	[tilespmem:s1+$0xFFFFFFC0] =	vst v3;
	v3 =	vpop (erf)  }
0x27b: {  	v9 =	vld [tilespmem:s6+$0x20];
	(erf) = vrcp.f32 v10;
	v10 =	vpop (erf);
	[tilespmem:s1+$0x30] =	vst v3  }
0x27c: {  	v0 =	vmul.f32 $1.442695020e+00, v0;
	v3 =	vld [tilespmem:s6+$0x10];
	v14 =	vpop (erf);
	(erf) = vpow2.f32 v5;
	v10 =	vadd.f32 $1.000000000e+00, v10  }
0x27d: {  	v5 =	vsub.f32 $0.0e+00, v12;
	v12 =	vld [tilespmem:s6+$0xFFFFFFF0];
	(erf) = vrcp.f32 v15;
	v8 =	vpop (erf)  }
0x27e: {  	v6 =	vsub.f32 $0.0e+00, v6;
	v15 =	vld [tilespmem:s6+$0x0];
	(erf) = vrcp.f32 v4;
	[tilespmem:s1+$0xFFFFFFF0] =	vst v2;
	v2 =	vpop (erf)  }
0x27f: {  	v4 =	vld [tilespmem:s6+$0xFFFFFFD0];
	v16 =	vmul.f32 $1.442695020e+00, v5;
	v5 =	vsub.f32 $0.0e+00, v11;
	v11 =	vpop (erf);
	(erf) = vrcp.f32 v7;
	[tilespmem:s1+$0x0] =	vst v2;
	s1 =	smov.u32 s0;
	s0 =	smov.u32 s4;
	s4 =	smov.u32 s6  }
0x280: {  	v18 =	vmul.f32 $1.442695020e+00, v6;
	v9 =	vsub.f32 $0.0e+00, v9;
	(erf) = vpow2.f32 v1;
	v17 =	vpop (erf);
	[tilespmem:s1+$0xFFFFFFE0] =	vst v8  }
0x281: {  	v1 =	vadd.f32 $1.000000000e+00, v11;
	v6 =	vmul.f32 $1.442695020e+00, v5;
	v2 =	vpop (erf);
	(erf) = vrcp.f32 v13  }
0x282: {  	v5 =	vsub.f32 $0.0e+00, v12;
	v9 =	vmul.f32 $1.442695020e+00, v9;
	(erf) = vpow2.f32 v0;
	v8 =	vpop (erf)  }
.Ltmp10:
0x283: {  	v11 =	vsub.f32 $0.0e+00, v3;
	v0 =	vsub.f32 $0.0e+00, v15;
	(erf) = vpow2.f32 v18;
	v7 =	vpop (erf);
	[tilespmem:s1+$0x20] =	vst v8;
	(pc) =	sbr.rel @p0 .LBB2_22-.Ltmp10, $4  }
0x284: {  	v13 =	vsub.f32 $0.0e+00, v4;
	v5 =	vmul.f32 $1.442695020e+00, v5;
	(erf) = vrcp.f32 v1;
	v3 =	vpop (erf)  }
0x285: {  	v8 =	vmul.f32 $1.442695020e+00, v11;
	v4 =	vadd.f32 $1.000000000e+00, v7;
	v7 =	vpop (erf);
	(erf) = vrcp.f32 v10  }
0x286: {  	v11 =	vadd.f32 $1.000000000e+00, v17;
	v1 =	vmul.f32 $1.442695020e+00, v13;
	(erf) = vpow2.f32 v16;
	v12 =	vpop (erf)  }
0x287: {  	s6 =	sadd.s32 $0x80, s6;
	v10 =	vadd.f32 $1.000000000e+00, v14;
	v7 =	vadd.f32 $1.000000000e+00, v7;
	(erf) = vpow2.f32 v9;
	[tilespmem:s1+$0xFFFFFFD0] =	vst v12;
	v9 =	vpop (erf)  }
0x288: {  	(erf) = vpow2.f32 v6;
	v6 =	vpop (erf)  }
0x289: {  	v12 =	vpop (erf);
	(erf) = vrcp.f32 v11  }
0x28a: {  	(erf) = vpow2.f32 v8;
	v8 =	vpop (erf)  }
0x28b: {  	v57 =	vadd.f32 $1.000000000e+00, v12;
	(erf) = vrcp.f32 v10;
	v58 =	vpop (erf)  }
0x28c: {  	v59 =	vpop (erf);
	(erf) = vpow2.f32 v5  }
0x28d: {  	(erf) = vrcp.f32 v57;
	v5 =	vpop (erf)  }
0x28e: {  	(erf) = vrcp.f32 v4;
	v4 =	vpop (erf)  }
0x28f: {  	v60 =	vpop (erf);
	(erf) = vrcp.f32 v7  }
0x290: {  	v2 =	vadd.f32 $1.000000000e+00, v2;
	(erf) = vpow2.f32 v1;
	v1 =	vpop (erf)  }
0x291: {  	v0 =	vmul.f32 $1.442695020e+00, v0;
	v7 =	vpop (erf)  }
0x292: {  	v13 =	vpop (erf)  }
0x293: {  	(erf) = vrcp.f32 v2;
	v14 =	vpop (erf)  }
0x294: {  	(erf) = vpow2.f32 v0;
	v2 =	vpop (erf)  }
0x295: {  	v11 =	vadd.f32 $1.000000000e+00, v60;
	v0 =	vpop (erf)  }
0x296: {  	[tilespmem:s1+$0x10] =	vst v9;
	v15 =	vpop (erf)  }
0x297: {  	[tilespmem:s1+$0xFFFFFFC0] =	vst v3;
	v61 =	vadd.f32 $1.000000000e+00, v58;
	(erf) = vrcp.f32 v11;
	v62 =	vpop (erf)  }
0x298: {  	[tilespmem:s1+$0x30] =	vst v8;
	v1 =	vadd.f32 $1.000000000e+00, v1;
	v3 =	vpop (erf)  }
0x299: {  	v8 =	vadd.f32 $1.000000000e+00, v59;
	[tilespmem:s1+$0x0] =	vst v4;
	v4 =	vadd.f32 $1.000000000e+00, v14;
	(erf) = vrcp.f32 v61;
	v63 =	vpop (erf)  }
0x29a: {  	[tilespmem:s1+$0xFFFFFFF0] =	vst v6;
	(erf) = vrcp.f32 v1;
	v1 =	vadd.f32 $1.000000000e+00, v63  }
0x29b: {  	[tilespmem:s0+$0xFFFFFFE0] =	vst v5;
	(erf) = vrcp.f32 v8  }
0x29c: {  	[tilespmem:s0+$0x20] =	vst v13;
	v0 =	vadd.f32 $1.000000000e+00, v0;
	v5 =	vpop (erf);
	(erf) = vrcp.f32 v1;
	v1 =	vadd.f32 $1.000000000e+00, v7  }
0x29d: {  	[tilespmem:s0+$0xFFFFFFC0] =	vst v2;
	(erf) = vrcp.f32 v4;
	v4 =	vpop (erf)  }
0x29e: {  	[tilespmem:s0+$0xFFFFFFD0] =	vst v15;
	(erf) = vrcp.f32 v0;
	v0 =	vadd.f32 $1.000000000e+00, v4  }
0x29f: {  	[tilespmem:s0+$0x10] =	vst v62;
	(erf) = vrcp.f32 v1  }
0x2a0: {  	[tilespmem:s0+$0xFFFFFFF0] =	vst v3;
	v1 =	vpop (erf);
	(erf) = vrcp.f32 v0  }
0x2a1: {  	[tilespmem:s0+$0x30] =	vst v5  }
0x2a2: {  	[tilespmem:s4+$0xFFFFFFE0] =	vst v1;
	v0 =	vpop (erf)  }
0x2a3: {  	[tilespmem:s0+$0x0] =	vst v0;
	v0 =	vpop (erf)  }
0x2a4: {  	v1 =	vpop (erf);
	[tilespmem:s4+$0x20] =	vst v0  }
0x2a5: {  	v0 =	vpop (erf);
	[tilespmem:s4+$0xFFFFFFC0] =	vst v1  }
0x2a6: {  	[tilespmem:s4+$0xFFFFFFD0] =	vst v0;
	v0 =	vpop (erf)  }
0x2a7: {  	[tilespmem:s4+$0x10] =	vst v0;
	v0 =	vpop (erf)  }
0x2a8: {  	v1 =	vpop (erf);
	[tilespmem:s4+$0xFFFFFFF0] =	vst v0  }
0x2a9: {  	[tilespmem:s4+$0x30] =	vst v1;
	v0 =	vpop (erf)  }
0x2aa: {  	[tilespmem:s4+$0x0] =	vst v0  }
0x2ab: {  	[hbm4b:s15+s3] =	stream.linear.scatter [tilespmem:s26], [sflag:$0x3], $0x3200, $0x38;
	[tilespmem:$0x1C800] =	vst v63  }
0x2ac: {  	_ = 	snop  }
0x2ad: {  	[tilespmem:s3], [sflag:$0x1] =	stream.linear.gather [hbm4b:s16+s3], $0x3200, $0x38;
	[tilespmem:$0x1C800] =	vst v63  }
0x2ae: {  	_ =	swait.ge [sflag:s22], $0x3200  }
0x2af: {  	[sflag:s22] =	ssyncset.done $0x0  }
0x2b0: {  	s0 =	simm.s32 $0x40;
	[sflag:s22] =	ssyncadd.s32 $0xFFFFCE00  }
0x2b1: {  	v2 =	vld [tilespmem:s0+$0x30]  }
0x2b2: {  	v3 =	vld [tilespmem:s0+$0xFFFFFFD0]  }
0x2b3: {  	v6 =	vld [tilespmem:s0+$0xFFFFFFE0]  }
0x2b4: {  	v4 =	vld [tilespmem:s0+$0xFFFFFFF0]  }
0x2b5: {  	v1 =	vld [tilespmem:s0+$0x0]  }
0x2b6: {  	v0 =	vld [tilespmem:s0+$0x10];
	vm0 =	veq.s32 v2, $0x0;
	v5 =	vadd.s32 $0xFFFFFFFF, v2  }
0x2b7: {  	vm1 =	veq.s32 v3, $0x0;
	v7 =	vadd.s32 $0xFFFFFFFF, v3;
	v2 =	vld [tilespmem:s0+$0x20];
	v8 =	vsel vm0, $0xF423F, v5  }
0x2b8: {  	s1 =	simm.s32 $0x0;
	s4 =	simm.s32 $0xC0;
	v3 =	vld [tilespmem:s0+$0xFFFFFFC0];
	v5 =	vsel vm1, $0xF423F, v7;
	vm0 =	veq.s32 v6, $0x0;
	v6 =	vadd.s32 $0xFFFFFFFF, v6;
	[tilespmem:s0+$0x30] =	vst v8  }
.LBB2_24:
0x2b9: {  	v7 =	vld [tilespmem:s4+$0x30];
	s1 =	sadd.s32 $0x80, s1;
	[tilespmem:s0+$0xFFFFFFD0] =	vst v5;
	v5 =	vsel vm0, $0xF423F, v6;
	vm0 =	veq.s32 v4, $0x0;
	v4 =	vadd.s32 $0xFFFFFFFF, v4  }
0x2ba: {  	v6 =	vld [tilespmem:s4+$0xFFFFFFD0];
	p0 =	slt.u32 s1, $0x3180;
	[tilespmem:s0+$0xFFFFFFE0] =	vst v5;
	v4 =	vsel vm0, $0xF423F, v4;
	vm0 =	veq.s32 v1, $0x0;
	v1 =	vadd.s32 $0xFFFFFFFF, v1  }
0x2bb: {  	v8 =	vld [tilespmem:s4+$0xFFFFFFE0];
	[tilespmem:s0+$0xFFFFFFF0] =	vst v4;
	v1 =	vsel vm0, $0xF423F, v1;
	vm0 =	veq.s32 v0, $0x0;
	v0 =	vadd.s32 $0xFFFFFFFF, v0  }
.Ltmp11:
0x2bc: {  	v4 =	vld [tilespmem:s4+$0xFFFFFFF0];
	[tilespmem:s0+$0x0] =	vst v1;
	v0 =	vsel vm0, $0xF423F, v0;
	vm0 =	veq.s32 v2, $0x0;
	v2 =	vadd.s32 $0xFFFFFFFF, v2;
	(pc) =	sbr.rel @p0 .LBB2_24-.Ltmp11, $4  }
0x2bd: {  	v1 =	vld [tilespmem:s4+$0x0];
	vm1 =	veq.s32 v3, $0x0;
	v3 =	vadd.s32 $0xFFFFFFFF, v3;
	[tilespmem:s0+$0x10] =	vst v0;
	v2 =	vsel vm0, $0xF423F, v2  }
0x2be: {  	v0 =	vld [tilespmem:s4+$0x10];
	vm0 =	veq.s32 v7, $0x0;
	v5 =	vadd.s32 $0xFFFFFFFF, v7;
	v3 =	vsel vm1, $0xF423F, v3;
	[tilespmem:s0+$0x20] =	vst v2  }
0x2bf: {  	vm1 =	veq.s32 v6, $0x0;
	v6 =	vadd.s32 $0xFFFFFFFF, v6;
	v2 =	vld [tilespmem:s4+$0x20];
	v7 =	vsel vm0, $0xF423F, v5;
	[tilespmem:s0+$0xFFFFFFC0] =	vst v3;
	s0 =	smov.u32 s4  }
0x2c0: {  	s4 =	sadd.s32 $0x80, s4;
	v3 =	vld [tilespmem:s0+$0xFFFFFFC0];
	v5 =	vsel vm1, $0xF423F, v6;
	vm0 =	veq.s32 v8, $0x0;
	v6 =	vadd.s32 $0xFFFFFFFF, v8;
	[tilespmem:s0+$0x30] =	vst v7  }
0x2c1: {  	[tilespmem:s0+$0xFFFFFFD0] =	vst v5;
	v5 =	vsel vm0, $0xF423F, v6;
	vm12 =	veq.s32 v4, $0x0;
	v4 =	vadd.s32 $0xFFFFFFFF, v4  }
0x2c2: {  	[tilespmem:s0+$0xFFFFFFE0] =	vst v5;
	v4 =	vsel vm12, $0xF423F, v4;
	vm13 =	veq.s32 v1, $0x0;
	v1 =	vadd.s32 $0xFFFFFFFF, v1  }
0x2c3: {  	[tilespmem:s0+$0xFFFFFFF0] =	vst v4;
	v1 =	vsel vm13, $0xF423F, v1;
	vm14 =	veq.s32 v0, $0x0;
	v0 =	vadd.s32 $0xFFFFFFFF, v0  }
0x2c4: {  	[tilespmem:s0+$0x0] =	vst v1;
	v0 =	vsel vm14, $0xF423F, v0;
	vm15 =	veq.s32 v2, $0x0;
	v1 =	vadd.s32 $0xFFFFFFFF, v2  }
0x2c5: {  	vm1 =	veq.s32 v3, $0x0;
	v2 =	vadd.s32 $0xFFFFFFFF, v3;
	[tilespmem:s0+$0x10] =	vst v0;
	v0 =	vsel vm15, $0xF423F, v1  }
0x2c6: {  	v1 =	vsel vm1, $0xF423F, v2;
	[tilespmem:s0+$0x20] =	vst v0  }
0x2c7: {  	[tilespmem:s0+$0xFFFFFFC0] =	vst v1  }
0x2c8: {  	_ =	swait.ge [sflag:s30], $0x3200  }
0x2c9: {  	[sflag:s30] =	ssyncset.done $0x0  }
0x2ca: {  	[sflag:s30] =	ssyncadd.s32 $0xFFFFCE00  }
0x2cb: {  	[tilespmem:s26], [sflag:$0x2] =	stream.indirect.gather [spmem:s2], $0x1, s3, s25, $0xb8;
	[tilespmem:$0x1C800] =	vst v63  }
0x2cc: {  	_ =	swait.ge [sflag:s29], $0x3200  }
0x2cd: {  	[sflag:s29] =	ssyncset.done $0x0  }
0x2ce: {  	s1 =	simm.s32 $0x9640;
	[sflag:s29] =	ssyncadd.s32 $0xFFFFCE00  }
0x2cf: {  	v0 =	vld [tilespmem:s1+$0xFFFFFFC0]  }
0x2d0: {  	v1 =	vld [tilespmem:s1+$0xFFFFFFE0];
	_ =	sdelay $0x2  }
0x2d1: {  	v2 =	vld [tilespmem:s1+$0x20]  }
0x2d2: {  	v3 =	vld [tilespmem:s1+$0x30];
	v0 =	vsub.f32 $0.0e+00, v0  }
0x2d3: {  	v5 =	vld [tilespmem:s1+$0xFFFFFFF0];
	v1 =	vsub.f32 $0.0e+00, v1  }
0x2d4: {  	v4 =	vld [tilespmem:s1+$0x10];
	v0 =	vmul.f32 $1.442695020e+00, v0  }
0x2d5: {  	v1 =	vmul.f32 $1.442695020e+00, v1  }
0x2d6: {  	s0 =	simm.s32 $0x96C0;
	v6 =	vld [tilespmem:s1+$0xFFFFFFD0];
	(erf) = vpow2.f32 v0;
	v0 =	vsub.f32 $0.0e+00, v2  }
0x2d7: {  	v7 =	vld [tilespmem:s0+$0x30];
	v2 =	vsub.f32 $0.0e+00, v3;
	(erf) = vpow2.f32 v1  }
0x2d8: {  	v5 =	vsub.f32 $0.0e+00, v5;
	v1 =	vld [tilespmem:s1+$0x0];
	v0 =	vmul.f32 $1.442695020e+00, v0  }
0x2d9: {  	v3 =	vsub.f32 $0.0e+00, v4;
	v4 =	vld [tilespmem:s0+$0xFFFFFFC0];
	v2 =	vmul.f32 $1.442695020e+00, v2  }
0x2da: {  	v5 =	vmul.f32 $1.442695020e+00, v5;
	(erf) = vpow2.f32 v0;
	v0 =	vld [tilespmem:s0+$0xFFFFFFE0]  }
0x2db: {  	v6 =	vsub.f32 $0.0e+00, v6;
	v3 =	vmul.f32 $1.442695020e+00, v3;
	(erf) = vpow2.f32 v2;
	v2 =	vld [tilespmem:s0+$0x20];
	_ =	sdelay $0x1  }
0x2dc: {  	v6 =	vmul.f32 $1.442695020e+00, v6;
	v1 =	vsub.f32 $0.0e+00, v1;
	(erf) = vpow2.f32 v3  }
0x2dd: {  	v3 =	vsub.f32 $0.0e+00, v4;
	(erf) = vpow2.f32 v5  }
0x2de: {  	v4 =	vld [tilespmem:s0+$0x10];
	v1 =	vmul.f32 $1.442695020e+00, v1;
	(erf) = vpow2.f32 v6;
	v5 =	vpop (erf);
	v0 =	vsub.f32 $0.0e+00, v0  }
0x2df: {  	v9 =	vld [tilespmem:s0+$0x0];
	v7 =	vsub.f32 $0.0e+00, v7;
	v3 =	vmul.f32 $1.442695020e+00, v3;
	v8 =	vpop (erf);
	v2 =	vsub.f32 $0.0e+00, v2  }
0x2e0: {  	v6 =	vld [tilespmem:s0+$0xFFFFFFF0];
	(erf) = vpow2.f32 v1;
	v8 =	vadd.f32 $1.000000000e+00, v8;
	v0 =	vmul.f32 $1.442695020e+00, v0  }
0x2e1: {  	v7 =	vmul.f32 $1.442695020e+00, v7;
	(erf) = vpow2.f32 v3  }
0x2e2: {  	s4 =	simm.s32 $0x9740;
	v2 =	vmul.f32 $1.442695020e+00, v2;
	(erf) = vrcp.f32 v8  }
0x2e3: {  	v10 =	vld [tilespmem:s4+$0xFFFFFFC0];
	v4 =	vsub.f32 $0.0e+00, v4;
	v3 =	vpop (erf);
	(erf) = vpow2.f32 v0  }
0x2e4: {  	v3 =	vadd.f32 $1.000000000e+00, v3;
	v0 =	vpop (erf);
	(erf) = vpow2.f32 v2;
	v2 =	vsub.f32 $0.0e+00, v9;
	v9 =	vld [tilespmem:s4+$0xFFFFFFE0]  }
0x2e5: {  	v1 =	vld [tilespmem:s0+$0xFFFFFFD0];
	v6 =	vsub.f32 $0.0e+00, v6;
	v4 =	vmul.f32 $1.442695020e+00, v4;
	v8 =	vpop (erf);
	(erf) = vpow2.f32 v7  }
0x2e6: {  	v11 =	vld [tilespmem:s4+$0x30];
	v5 =	vadd.f32 $1.000000000e+00, v5;
	v7 =	vpop (erf);
	(erf) = vrcp.f32 v3  }
0x2e7: {  	v15 =	vld [tilespmem:s4+$0xFFFFFFD0];
	v3 =	vmul.f32 $1.442695020e+00, v6;
	v6 =	vadd.f32 $1.000000000e+00, v8;
	v8 =	vpop (erf);
	(erf) = vpow2.f32 v4  }
0x2e8: {  	v10 =	vsub.f32 $0.0e+00, v10;
	v4 =	vadd.f32 $1.000000000e+00, v8;
	(erf) = vrcp.f32 v5  }
0x2e9: {  	v8 =	vld [tilespmem:s4+$0x20];
	(erf) = vpow2.f32 v3;
	v3 =	vmul.f32 $1.442695020e+00, v2;
	v2 =	vsub.f32 $0.0e+00, v9  }
0x2ea: {  	v1 =	vsub.f32 $0.0e+00, v1;
	v5 =	vadd.f32 $1.000000000e+00, v7;
	v7 =	vpop (erf);
	v9 =	vld [tilespmem:s4+$0xFFFFFFF0]  }
0x2eb: {  	v12 =	vld [tilespmem:s4+$0x10];
	v13 =	vpop (erf);
	(erf) = vrcp.f32 v4;
	v16 =	vmul.f32 $1.442695020e+00, v2;
	v2 =	vsub.f32 $0.0e+00, v11  }
0x2ec: {  	v62 =	vsub.f32 $0.0e+00, v15;
	v1 =	vmul.f32 $1.442695020e+00, v1;
	(erf) = vrcp.f32 v6;
	v4 =	vpop (erf)  }
0x2ed: {  	v0 =	vadd.f32 $1.000000000e+00, v0;
	(erf) = vrcp.f32 v5;
	v5 =	vmul.f32 $1.442695020e+00, v10;
	v11 =	vpop (erf)  }
0x2ee: {  	v14 =	vld [tilespmem:s4+$0x0];
	v8 =	vsub.f32 $0.0e+00, v8;
	(erf) = vpow2.f32 v1;
	v6 =	vmul.f32 $1.442695020e+00, v2;
	v10 =	vpop (erf)  }
0x2ef: {  	v1 =	vadd.f32 $1.000000000e+00, v11;
	(erf) = vrcp.f32 v0;
	v9 =	vsub.f32 $0.0e+00, v9;
	v2 =	vpop (erf)  }
0x2f0: {  	v17 =	vmul.f32 $1.442695020e+00, v8;
	(erf) = vpow2.f32 v3;
	v8 =	vsub.f32 $0.0e+00, v12;
	v11 =	vpop (erf)  }
0x2f1: {  	v7 =	vadd.f32 $1.000000000e+00, v7;
	(erf) = vpow2.f32 v5;
	v5 =	vmul.f32 $1.442695020e+00, v9;
	v61 =	vpop (erf)  }
0x2f2: {  	(erf) = vrcp.f32 v1;
	v8 =	vmul.f32 $1.442695020e+00, v8;
	v3 =	vpop (erf)  }
0x2f3: {  	[tilespmem:s1+$0xFFFFFFE0] =	vst v4;
	v0 =	vsub.f32 $0.0e+00, v14;
	v1 =	vmul.f32 $1.442695020e+00, v62;
	(erf) = vrcp.f32 v7;
	v9 =	vpop (erf)  }
0x2f4: {  	[tilespmem:s1+$0x20] =	vst v11;
	v11 =	vadd.f32 $1.000000000e+00, v10;
	v10 =	vadd.f32 $1.000000000e+00, v13;
	(erf) = vpow2.f32 v16;
	v63 =	vpop (erf)  }
0x2f5: {  	s5 =	simm.s32 $0x100;
	s6 =	simm.s32 $0x97C0;
	v4 =	vadd.f32 $1.000000000e+00, v61;
	(erf) = vpow2.f32 v17;
	v7 =	vadd.f32 $1.000000000e+00, v9;
	[tilespmem:s1+$0xFFFFFFD0] =	vst v63;
	v9 =	vpop (erf)  }
.LBB2_26:
0x2f6: {  	v12 =	vld [tilespmem:s6+$0xFFFFFFE0];
	s5 =	sadd.s32 $0x80, s5;
	(erf) = vpow2.f32 v6;
	v13 =	vadd.f32 $1.000000000e+00, v2;
	[tilespmem:s1+$0x10] =	vst v9;
	v2 =	vpop (erf)  }
0x2f7: {  	v6 =	vld [tilespmem:s6+$0xFFFFFFC0];
	p0 =	slt.u32 s5, $0x3180;
	v9 =	vpop (erf);
	(erf) = vrcp.f32 v11  }
0x2f8: {  	v11 =	vld [tilespmem:s6+$0x30];
	(erf) = vpow2.f32 v8;
	v15 =	vadd.f32 $1.000000000e+00, v9;
	[tilespmem:s1+$0xFFFFFFC0] =	vst v3;
	v3 =	vpop (erf)  }
0x2f9: {  	v9 =	vld [tilespmem:s6+$0x20];
	(erf) = vrcp.f32 v10;
	v10 =	vpop (erf);
	[tilespmem:s1+$0x30] =	vst v3  }
0x2fa: {  	v0 =	vmul.f32 $1.442695020e+00, v0;
	v3 =	vld [tilespmem:s6+$0x10];
	v14 =	vpop (erf);
	(erf) = vpow2.f32 v5;
	v10 =	vadd.f32 $1.000000000e+00, v10  }
0x2fb: {  	v5 =	vsub.f32 $0.0e+00, v12;
	v12 =	vld [tilespmem:s6+$0xFFFFFFF0];
	(erf) = vrcp.f32 v15;
	v8 =	vpop (erf)  }
0x2fc: {  	v6 =	vsub.f32 $0.0e+00, v6;
	v15 =	vld [tilespmem:s6+$0x0];
	(erf) = vrcp.f32 v4;
	[tilespmem:s1+$0xFFFFFFF0] =	vst v2;
	v2 =	vpop (erf)  }
0x2fd: {  	v4 =	vld [tilespmem:s6+$0xFFFFFFD0];
	v16 =	vmul.f32 $1.442695020e+00, v5;
	v5 =	vsub.f32 $0.0e+00, v11;
	v11 =	vpop (erf);
	(erf) = vrcp.f32 v7;
	[tilespmem:s1+$0x0] =	vst v2;
	s1 =	smov.u32 s0;
	s0 =	smov.u32 s4;
	s4 =	smov.u32 s6  }
0x2fe: {  	v18 =	vmul.f32 $1.442695020e+00, v6;
	v9 =	vsub.f32 $0.0e+00, v9;
	(erf) = vpow2.f32 v1;
	v17 =	vpop (erf);
	[tilespmem:s1+$0xFFFFFFE0] =	vst v8  }
0x2ff: {  	v1 =	vadd.f32 $1.000000000e+00, v11;
	v6 =	vmul.f32 $1.442695020e+00, v5;
	v2 =	vpop (erf);
	(erf) = vrcp.f32 v13  }
0x300: {  	v5 =	vsub.f32 $0.0e+00, v12;
	v9 =	vmul.f32 $1.442695020e+00, v9;
	(erf) = vpow2.f32 v0;
	v8 =	vpop (erf)  }
.Ltmp12:
0x301: {  	v11 =	vsub.f32 $0.0e+00, v3;
	v0 =	vsub.f32 $0.0e+00, v15;
	(erf) = vpow2.f32 v18;
	v7 =	vpop (erf);
	[tilespmem:s1+$0x20] =	vst v8;
	(pc) =	sbr.rel @p0 .LBB2_26-.Ltmp12, $4  }
0x302: {  	v13 =	vsub.f32 $0.0e+00, v4;
	v5 =	vmul.f32 $1.442695020e+00, v5;
	(erf) = vrcp.f32 v1;
	v3 =	vpop (erf)  }
0x303: {  	v8 =	vmul.f32 $1.442695020e+00, v11;
	v4 =	vadd.f32 $1.000000000e+00, v7;
	v7 =	vpop (erf);
	(erf) = vrcp.f32 v10  }
0x304: {  	v11 =	vadd.f32 $1.000000000e+00, v17;
	v1 =	vmul.f32 $1.442695020e+00, v13;
	(erf) = vpow2.f32 v16;
	v12 =	vpop (erf)  }
0x305: {  	s6 =	sadd.s32 $0x80, s6;
	v10 =	vadd.f32 $1.000000000e+00, v14;
	v7 =	vadd.f32 $1.000000000e+00, v7;
	(erf) = vpow2.f32 v9;
	[tilespmem:s1+$0xFFFFFFD0] =	vst v12;
	v9 =	vpop (erf)  }
0x306: {  	(erf) = vpow2.f32 v6;
	v6 =	vpop (erf)  }
0x307: {  	v12 =	vpop (erf);
	(erf) = vrcp.f32 v11  }
0x308: {  	(erf) = vpow2.f32 v8;
	v8 =	vpop (erf)  }
0x309: {  	v57 =	vadd.f32 $1.000000000e+00, v12;
	(erf) = vrcp.f32 v10;
	v58 =	vpop (erf)  }
0x30a: {  	v59 =	vpop (erf);
	(erf) = vpow2.f32 v5  }
0x30b: {  	(erf) = vrcp.f32 v57;
	v5 =	vpop (erf)  }
0x30c: {  	(erf) = vrcp.f32 v4;
	v4 =	vpop (erf)  }
0x30d: {  	v60 =	vpop (erf);
	(erf) = vrcp.f32 v7  }
0x30e: {  	v2 =	vadd.f32 $1.000000000e+00, v2;
	(erf) = vpow2.f32 v1;
	v1 =	vpop (erf)  }
0x30f: {  	v0 =	vmul.f32 $1.442695020e+00, v0;
	v7 =	vpop (erf)  }
0x310: {  	v13 =	vpop (erf)  }
0x311: {  	(erf) = vrcp.f32 v2;
	v14 =	vpop (erf)  }
0x312: {  	(erf) = vpow2.f32 v0;
	v2 =	vpop (erf)  }
0x313: {  	v11 =	vadd.f32 $1.000000000e+00, v60;
	v0 =	vpop (erf)  }
0x314: {  	[tilespmem:s1+$0x10] =	vst v9;
	v15 =	vpop (erf)  }
0x315: {  	[tilespmem:s1+$0xFFFFFFC0] =	vst v3;
	v61 =	vadd.f32 $1.000000000e+00, v58;
	(erf) = vrcp.f32 v11;
	v62 =	vpop (erf)  }
0x316: {  	[tilespmem:s1+$0x30] =	vst v8;
	v1 =	vadd.f32 $1.000000000e+00, v1;
	v3 =	vpop (erf)  }
0x317: {  	v8 =	vadd.f32 $1.000000000e+00, v59;
	[tilespmem:s1+$0x0] =	vst v4;
	v4 =	vadd.f32 $1.000000000e+00, v14;
	(erf) = vrcp.f32 v61;
	v63 =	vpop (erf)  }
0x318: {  	[tilespmem:s1+$0xFFFFFFF0] =	vst v6;
	(erf) = vrcp.f32 v1;
	v1 =	vadd.f32 $1.000000000e+00, v63  }
0x319: {  	[tilespmem:s0+$0xFFFFFFE0] =	vst v5;
	(erf) = vrcp.f32 v8  }
0x31a: {  	[tilespmem:s0+$0x20] =	vst v13;
	v0 =	vadd.f32 $1.000000000e+00, v0;
	v5 =	vpop (erf);
	(erf) = vrcp.f32 v1;
	v1 =	vadd.f32 $1.000000000e+00, v7  }
0x31b: {  	[tilespmem:s0+$0xFFFFFFC0] =	vst v2;
	(erf) = vrcp.f32 v4;
	v4 =	vpop (erf)  }
0x31c: {  	[tilespmem:s0+$0xFFFFFFD0] =	vst v15;
	(erf) = vrcp.f32 v0;
	v0 =	vadd.f32 $1.000000000e+00, v4  }
0x31d: {  	[tilespmem:s0+$0x10] =	vst v62;
	(erf) = vrcp.f32 v1  }
0x31e: {  	[tilespmem:s0+$0xFFFFFFF0] =	vst v3;
	v1 =	vpop (erf);
	(erf) = vrcp.f32 v0  }
0x31f: {  	[tilespmem:s0+$0x30] =	vst v5  }
0x320: {  	[tilespmem:s4+$0xFFFFFFE0] =	vst v1;
	v0 =	vpop (erf)  }
0x321: {  	[tilespmem:s0+$0x0] =	vst v0;
	v0 =	vpop (erf)  }
0x322: {  	v1 =	vpop (erf);
	[tilespmem:s4+$0x20] =	vst v0  }
0x323: {  	v0 =	vpop (erf);
	[tilespmem:s4+$0xFFFFFFC0] =	vst v1  }
0x324: {  	[tilespmem:s4+$0xFFFFFFD0] =	vst v0;
	v0 =	vpop (erf)  }
0x325: {  	[tilespmem:s4+$0x10] =	vst v0;
	v0 =	vpop (erf)  }
0x326: {  	v1 =	vpop (erf);
	[tilespmem:s4+$0xFFFFFFF0] =	vst v0  }
0x327: {  	[tilespmem:s4+$0x30] =	vst v1;
	v0 =	vpop (erf)  }
0x328: {  	[tilespmem:s4+$0x0] =	vst v0  }
0x329: {  	[hbm4b:s17+s3] =	stream.linear.scatter [tilespmem:s28], [sflag:$0x3], $0x3200, $0x38;
	[tilespmem:$0x1C800] =	vst v63  }
0x32a: {  	_ = 	snop  }
0x32b: {  	[tilespmem:s25], [sflag:$0x1] =	stream.linear.gather [hbm4b:s18+s3], $0x3200, $0x38;
	[tilespmem:$0x1C800] =	vst v63  }
0x32c: {  	_ =	swait.ge [sflag:s22], $0x3200  }
0x32d: {  	[sflag:s22] =	ssyncset.done $0x0  }
0x32e: {  	s0 =	simm.s32 $0x3240;
	[sflag:s22] =	ssyncadd.s32 $0xFFFFCE00  }
0x32f: {  	v2 =	vld [tilespmem:s0+$0x30]  }
0x330: {  	v3 =	vld [tilespmem:s0+$0xFFFFFFD0]  }
0x331: {  	v6 =	vld [tilespmem:s0+$0xFFFFFFE0]  }
0x332: {  	v4 =	vld [tilespmem:s0+$0xFFFFFFF0]  }
0x333: {  	v1 =	vld [tilespmem:s0+$0x0]  }
0x334: {  	v0 =	vld [tilespmem:s0+$0x10];
	vm0 =	veq.s32 v2, $0x0;
	v5 =	vadd.s32 $0xFFFFFFFF, v2  }
0x335: {  	vm1 =	veq.s32 v3, $0x0;
	v7 =	vadd.s32 $0xFFFFFFFF, v3;
	v2 =	vld [tilespmem:s0+$0x20];
	v8 =	vsel vm0, $0xF423F, v5  }
0x336: {  	s1 =	simm.s32 $0x0;
	s4 =	simm.s32 $0x32C0;
	v3 =	vld [tilespmem:s0+$0xFFFFFFC0];
	v5 =	vsel vm1, $0xF423F, v7;
	vm0 =	veq.s32 v6, $0x0;
	v6 =	vadd.s32 $0xFFFFFFFF, v6;
	[tilespmem:s0+$0x30] =	vst v8  }
.LBB2_28:
0x337: {  	v7 =	vld [tilespmem:s4+$0x30];
	s1 =	sadd.s32 $0x80, s1;
	[tilespmem:s0+$0xFFFFFFD0] =	vst v5;
	v5 =	vsel vm0, $0xF423F, v6;
	vm0 =	veq.s32 v4, $0x0;
	v4 =	vadd.s32 $0xFFFFFFFF, v4  }
0x338: {  	v6 =	vld [tilespmem:s4+$0xFFFFFFD0];
	p0 =	slt.u32 s1, $0x3180;
	[tilespmem:s0+$0xFFFFFFE0] =	vst v5;
	v4 =	vsel vm0, $0xF423F, v4;
	vm0 =	veq.s32 v1, $0x0;
	v1 =	vadd.s32 $0xFFFFFFFF, v1  }
0x339: {  	v8 =	vld [tilespmem:s4+$0xFFFFFFE0];
	[tilespmem:s0+$0xFFFFFFF0] =	vst v4;
	v1 =	vsel vm0, $0xF423F, v1;
	vm0 =	veq.s32 v0, $0x0;
	v0 =	vadd.s32 $0xFFFFFFFF, v0  }
.Ltmp13:
0x33a: {  	v4 =	vld [tilespmem:s4+$0xFFFFFFF0];
	[tilespmem:s0+$0x0] =	vst v1;
	v0 =	vsel vm0, $0xF423F, v0;
	vm0 =	veq.s32 v2, $0x0;
	v2 =	vadd.s32 $0xFFFFFFFF, v2;
	(pc) =	sbr.rel @p0 .LBB2_28-.Ltmp13, $4  }
0x33b: {  	v1 =	vld [tilespmem:s4+$0x0];
	vm1 =	veq.s32 v3, $0x0;
	v3 =	vadd.s32 $0xFFFFFFFF, v3;
	[tilespmem:s0+$0x10] =	vst v0;
	v2 =	vsel vm0, $0xF423F, v2  }
0x33c: {  	v0 =	vld [tilespmem:s4+$0x10];
	vm0 =	veq.s32 v7, $0x0;
	v5 =	vadd.s32 $0xFFFFFFFF, v7;
	v3 =	vsel vm1, $0xF423F, v3;
	[tilespmem:s0+$0x20] =	vst v2  }
0x33d: {  	vm1 =	veq.s32 v6, $0x0;
	v6 =	vadd.s32 $0xFFFFFFFF, v6;
	v2 =	vld [tilespmem:s4+$0x20];
	v7 =	vsel vm0, $0xF423F, v5;
	[tilespmem:s0+$0xFFFFFFC0] =	vst v3;
	s0 =	smov.u32 s4  }
0x33e: {  	s4 =	sadd.s32 $0x80, s4;
	v3 =	vld [tilespmem:s0+$0xFFFFFFC0];
	v5 =	vsel vm1, $0xF423F, v6;
	vm0 =	veq.s32 v8, $0x0;
	v6 =	vadd.s32 $0xFFFFFFFF, v8;
	[tilespmem:s0+$0x30] =	vst v7  }
0x33f: {  	[tilespmem:s0+$0xFFFFFFD0] =	vst v5;
	v5 =	vsel vm0, $0xF423F, v6;
	vm12 =	veq.s32 v4, $0x0;
	v4 =	vadd.s32 $0xFFFFFFFF, v4  }
0x340: {  	[tilespmem:s0+$0xFFFFFFE0] =	vst v5;
	v4 =	vsel vm12, $0xF423F, v4;
	vm13 =	veq.s32 v1, $0x0;
	v1 =	vadd.s32 $0xFFFFFFFF, v1  }
0x341: {  	[tilespmem:s0+$0xFFFFFFF0] =	vst v4;
	v1 =	vsel vm13, $0xF423F, v1;
	vm14 =	veq.s32 v0, $0x0;
	v0 =	vadd.s32 $0xFFFFFFFF, v0  }
0x342: {  	[tilespmem:s0+$0x0] =	vst v1;
	v0 =	vsel vm14, $0xF423F, v0;
	vm15 =	veq.s32 v2, $0x0;
	v1 =	vadd.s32 $0xFFFFFFFF, v2  }
0x343: {  	vm1 =	veq.s32 v3, $0x0;
	v2 =	vadd.s32 $0xFFFFFFFF, v3;
	[tilespmem:s0+$0x10] =	vst v0;
	v0 =	vsel vm15, $0xF423F, v1  }
0x344: {  	v1 =	vsel vm1, $0xF423F, v2;
	[tilespmem:s0+$0x20] =	vst v0  }
0x345: {  	[tilespmem:s0+$0xFFFFFFC0] =	vst v1  }
0x346: {  	_ =	swait.ge [sflag:s30], $0x3200  }
0x347: {  	[sflag:s30] =	ssyncset.done $0x0  }
0x348: {  	[sflag:s30] =	ssyncadd.s32 $0xFFFFCE00  }
0x349: {  	[tilespmem:s28], [sflag:$0x2] =	stream.indirect.gather [spmem:s2], $0x1, s25, s25, $0xb8;
	[tilespmem:$0x1C800] =	vst v63  }
0x34a: {  	_ =	swait.ge [sflag:s29], $0x3200  }
0x34b: {  	[sflag:s29] =	ssyncset.done $0x0  }
0x34c: {  	s1 =	simm.s32 $0x6440;
	[sflag:s29] =	ssyncadd.s32 $0xFFFFCE00  }
0x34d: {  	v0 =	vld [tilespmem:s1+$0xFFFFFFC0]  }
0x34e: {  	v1 =	vld [tilespmem:s1+$0xFFFFFFE0];
	_ =	sdelay $0x2  }
0x34f: {  	v2 =	vld [tilespmem:s1+$0x20]  }
0x350: {  	v3 =	vld [tilespmem:s1+$0x30];
	v0 =	vsub.f32 $0.0e+00, v0  }
0x351: {  	v5 =	vld [tilespmem:s1+$0xFFFFFFF0];
	v1 =	vsub.f32 $0.0e+00, v1  }
0x352: {  	v4 =	vld [tilespmem:s1+$0x10];
	v0 =	vmul.f32 $1.442695020e+00, v0  }
0x353: {  	v1 =	vmul.f32 $1.442695020e+00, v1  }
0x354: {  	s0 =	simm.s32 $0x64C0;
	v6 =	vld [tilespmem:s1+$0xFFFFFFD0];
	(erf) = vpow2.f32 v0;
	v0 =	vsub.f32 $0.0e+00, v2  }
0x355: {  	v7 =	vld [tilespmem:s0+$0x30];
	v2 =	vsub.f32 $0.0e+00, v3;
	(erf) = vpow2.f32 v1  }
0x356: {  	v5 =	vsub.f32 $0.0e+00, v5;
	v1 =	vld [tilespmem:s1+$0x0];
	v0 =	vmul.f32 $1.442695020e+00, v0  }
0x357: {  	v3 =	vsub.f32 $0.0e+00, v4;
	v4 =	vld [tilespmem:s0+$0xFFFFFFC0];
	v2 =	vmul.f32 $1.442695020e+00, v2  }
0x358: {  	v5 =	vmul.f32 $1.442695020e+00, v5;
	(erf) = vpow2.f32 v0;
	v0 =	vld [tilespmem:s0+$0xFFFFFFE0]  }
0x359: {  	v6 =	vsub.f32 $0.0e+00, v6;
	v3 =	vmul.f32 $1.442695020e+00, v3;
	(erf) = vpow2.f32 v2;
	v2 =	vld [tilespmem:s0+$0x20];
	_ =	sdelay $0x1  }
0x35a: {  	v6 =	vmul.f32 $1.442695020e+00, v6;
	v1 =	vsub.f32 $0.0e+00, v1;
	(erf) = vpow2.f32 v3  }
0x35b: {  	v3 =	vsub.f32 $0.0e+00, v4;
	(erf) = vpow2.f32 v5  }
0x35c: {  	v4 =	vld [tilespmem:s0+$0x10];
	v1 =	vmul.f32 $1.442695020e+00, v1;
	(erf) = vpow2.f32 v6;
	v5 =	vpop (erf);
	v0 =	vsub.f32 $0.0e+00, v0  }
0x35d: {  	v9 =	vld [tilespmem:s0+$0x0];
	v7 =	vsub.f32 $0.0e+00, v7;
	v3 =	vmul.f32 $1.442695020e+00, v3;
	v8 =	vpop (erf);
	v2 =	vsub.f32 $0.0e+00, v2  }
0x35e: {  	v6 =	vld [tilespmem:s0+$0xFFFFFFF0];
	(erf) = vpow2.f32 v1;
	v8 =	vadd.f32 $1.000000000e+00, v8;
	v0 =	vmul.f32 $1.442695020e+00, v0  }
0x35f: {  	v7 =	vmul.f32 $1.442695020e+00, v7;
	(erf) = vpow2.f32 v3  }
0x360: {  	s4 =	simm.s32 $0x6540;
	v2 =	vmul.f32 $1.442695020e+00, v2;
	(erf) = vrcp.f32 v8  }
0x361: {  	v10 =	vld [tilespmem:s4+$0xFFFFFFC0];
	v4 =	vsub.f32 $0.0e+00, v4;
	v3 =	vpop (erf);
	(erf) = vpow2.f32 v0  }
0x362: {  	v3 =	vadd.f32 $1.000000000e+00, v3;
	v0 =	vpop (erf);
	(erf) = vpow2.f32 v2;
	v2 =	vsub.f32 $0.0e+00, v9;
	v9 =	vld [tilespmem:s4+$0xFFFFFFE0]  }
0x363: {  	v1 =	vld [tilespmem:s0+$0xFFFFFFD0];
	v6 =	vsub.f32 $0.0e+00, v6;
	v4 =	vmul.f32 $1.442695020e+00, v4;
	v8 =	vpop (erf);
	(erf) = vpow2.f32 v7  }
0x364: {  	v11 =	vld [tilespmem:s4+$0x30];
	v5 =	vadd.f32 $1.000000000e+00, v5;
	v7 =	vpop (erf);
	(erf) = vrcp.f32 v3  }
0x365: {  	v15 =	vld [tilespmem:s4+$0xFFFFFFD0];
	v3 =	vmul.f32 $1.442695020e+00, v6;
	v6 =	vadd.f32 $1.000000000e+00, v8;
	v8 =	vpop (erf);
	(erf) = vpow2.f32 v4  }
0x366: {  	v10 =	vsub.f32 $0.0e+00, v10;
	v4 =	vadd.f32 $1.000000000e+00, v8;
	(erf) = vrcp.f32 v5  }
0x367: {  	v8 =	vld [tilespmem:s4+$0x20];
	(erf) = vpow2.f32 v3;
	v3 =	vmul.f32 $1.442695020e+00, v2;
	v2 =	vsub.f32 $0.0e+00, v9  }
0x368: {  	v1 =	vsub.f32 $0.0e+00, v1;
	v5 =	vadd.f32 $1.000000000e+00, v7;
	v7 =	vpop (erf);
	v9 =	vld [tilespmem:s4+$0xFFFFFFF0]  }
0x369: {  	v12 =	vld [tilespmem:s4+$0x10];
	v13 =	vpop (erf);
	(erf) = vrcp.f32 v4;
	v16 =	vmul.f32 $1.442695020e+00, v2;
	v2 =	vsub.f32 $0.0e+00, v11  }
0x36a: {  	v62 =	vsub.f32 $0.0e+00, v15;
	v1 =	vmul.f32 $1.442695020e+00, v1;
	(erf) = vrcp.f32 v6;
	v4 =	vpop (erf)  }
0x36b: {  	v0 =	vadd.f32 $1.000000000e+00, v0;
	(erf) = vrcp.f32 v5;
	v5 =	vmul.f32 $1.442695020e+00, v10;
	v11 =	vpop (erf)  }
0x36c: {  	v14 =	vld [tilespmem:s4+$0x0];
	v8 =	vsub.f32 $0.0e+00, v8;
	(erf) = vpow2.f32 v1;
	v6 =	vmul.f32 $1.442695020e+00, v2;
	v10 =	vpop (erf)  }
0x36d: {  	v1 =	vadd.f32 $1.000000000e+00, v11;
	(erf) = vrcp.f32 v0;
	v9 =	vsub.f32 $0.0e+00, v9;
	v2 =	vpop (erf)  }
0x36e: {  	v17 =	vmul.f32 $1.442695020e+00, v8;
	(erf) = vpow2.f32 v3;
	v8 =	vsub.f32 $0.0e+00, v12;
	v11 =	vpop (erf)  }
0x36f: {  	v7 =	vadd.f32 $1.000000000e+00, v7;
	(erf) = vpow2.f32 v5;
	v5 =	vmul.f32 $1.442695020e+00, v9;
	v61 =	vpop (erf)  }
0x370: {  	(erf) = vrcp.f32 v1;
	v8 =	vmul.f32 $1.442695020e+00, v8;
	v3 =	vpop (erf)  }
0x371: {  	[tilespmem:s1+$0xFFFFFFE0] =	vst v4;
	v0 =	vsub.f32 $0.0e+00, v14;
	v1 =	vmul.f32 $1.442695020e+00, v62;
	(erf) = vrcp.f32 v7;
	v9 =	vpop (erf)  }
0x372: {  	[tilespmem:s1+$0x20] =	vst v11;
	v11 =	vadd.f32 $1.000000000e+00, v10;
	v10 =	vadd.f32 $1.000000000e+00, v13;
	(erf) = vpow2.f32 v16;
	v63 =	vpop (erf)  }
0x373: {  	s5 =	simm.s32 $0x100;
	s6 =	simm.s32 $0x65C0;
	v4 =	vadd.f32 $1.000000000e+00, v61;
	(erf) = vpow2.f32 v17;
	v7 =	vadd.f32 $1.000000000e+00, v9;
	[tilespmem:s1+$0xFFFFFFD0] =	vst v63;
	v9 =	vpop (erf)  }
.LBB2_30:
0x374: {  	v12 =	vld [tilespmem:s6+$0xFFFFFFE0];
	s5 =	sadd.s32 $0x80, s5;
	(erf) = vpow2.f32 v6;
	v13 =	vadd.f32 $1.000000000e+00, v2;
	[tilespmem:s1+$0x10] =	vst v9;
	v2 =	vpop (erf)  }
0x375: {  	v6 =	vld [tilespmem:s6+$0xFFFFFFC0];
	p0 =	slt.u32 s5, $0x3180;
	v9 =	vpop (erf);
	(erf) = vrcp.f32 v11  }
0x376: {  	v11 =	vld [tilespmem:s6+$0x30];
	(erf) = vpow2.f32 v8;
	v15 =	vadd.f32 $1.000000000e+00, v9;
	[tilespmem:s1+$0xFFFFFFC0] =	vst v3;
	v3 =	vpop (erf)  }
0x377: {  	v9 =	vld [tilespmem:s6+$0x20];
	(erf) = vrcp.f32 v10;
	v10 =	vpop (erf);
	[tilespmem:s1+$0x30] =	vst v3  }
0x378: {  	v0 =	vmul.f32 $1.442695020e+00, v0;
	v3 =	vld [tilespmem:s6+$0x10];
	v14 =	vpop (erf);
	(erf) = vpow2.f32 v5;
	v10 =	vadd.f32 $1.000000000e+00, v10  }
0x379: {  	v5 =	vsub.f32 $0.0e+00, v12;
	v12 =	vld [tilespmem:s6+$0xFFFFFFF0];
	(erf) = vrcp.f32 v15;
	v8 =	vpop (erf)  }
0x37a: {  	v6 =	vsub.f32 $0.0e+00, v6;
	v15 =	vld [tilespmem:s6+$0x0];
	(erf) = vrcp.f32 v4;
	[tilespmem:s1+$0xFFFFFFF0] =	vst v2;
	v2 =	vpop (erf)  }
0x37b: {  	v4 =	vld [tilespmem:s6+$0xFFFFFFD0];
	v16 =	vmul.f32 $1.442695020e+00, v5;
	v5 =	vsub.f32 $0.0e+00, v11;
	v11 =	vpop (erf);
	(erf) = vrcp.f32 v7;
	[tilespmem:s1+$0x0] =	vst v2;
	s1 =	smov.u32 s0;
	s0 =	smov.u32 s4;
	s4 =	smov.u32 s6  }
0x37c: {  	v18 =	vmul.f32 $1.442695020e+00, v6;
	v9 =	vsub.f32 $0.0e+00, v9;
	(erf) = vpow2.f32 v1;
	v17 =	vpop (erf);
	[tilespmem:s1+$0xFFFFFFE0] =	vst v8  }
0x37d: {  	v1 =	vadd.f32 $1.000000000e+00, v11;
	v6 =	vmul.f32 $1.442695020e+00, v5;
	v2 =	vpop (erf);
	(erf) = vrcp.f32 v13  }
0x37e: {  	v5 =	vsub.f32 $0.0e+00, v12;
	v9 =	vmul.f32 $1.442695020e+00, v9;
	(erf) = vpow2.f32 v0;
	v8 =	vpop (erf)  }
.Ltmp14:
0x37f: {  	v11 =	vsub.f32 $0.0e+00, v3;
	v0 =	vsub.f32 $0.0e+00, v15;
	(erf) = vpow2.f32 v18;
	v7 =	vpop (erf);
	[tilespmem:s1+$0x20] =	vst v8;
	(pc) =	sbr.rel @p0 .LBB2_30-.Ltmp14, $4  }
0x380: {  	v13 =	vsub.f32 $0.0e+00, v4;
	v5 =	vmul.f32 $1.442695020e+00, v5;
	(erf) = vrcp.f32 v1;
	v3 =	vpop (erf)  }
0x381: {  	v8 =	vmul.f32 $1.442695020e+00, v11;
	v4 =	vadd.f32 $1.000000000e+00, v7;
	v7 =	vpop (erf);
	(erf) = vrcp.f32 v10  }
0x382: {  	v11 =	vadd.f32 $1.000000000e+00, v17;
	v1 =	vmul.f32 $1.442695020e+00, v13;
	(erf) = vpow2.f32 v16;
	v12 =	vpop (erf)  }
0x383: {  	s6 =	sadd.s32 $0x80, s6;
	v10 =	vadd.f32 $1.000000000e+00, v14;
	v7 =	vadd.f32 $1.000000000e+00, v7;
	(erf) = vpow2.f32 v9;
	[tilespmem:s1+$0xFFFFFFD0] =	vst v12;
	v9 =	vpop (erf)  }
0x384: {  	(erf) = vpow2.f32 v6;
	v6 =	vpop (erf)  }
0x385: {  	v12 =	vpop (erf);
	(erf) = vrcp.f32 v11  }
0x386: {  	(erf) = vpow2.f32 v8;
	v8 =	vpop (erf)  }
0x387: {  	v11 =	vadd.f32 $1.000000000e+00, v12;
	(erf) = vrcp.f32 v10;
	v10 =	vpop (erf)  }
0x388: {  	v56 =	vpop (erf);
	(erf) = vpow2.f32 v5  }
0x389: {  	(erf) = vrcp.f32 v11;
	v5 =	vpop (erf)  }
0x38a: {  	(erf) = vrcp.f32 v4;
	v4 =	vpop (erf)  }
0x38b: {  	v11 =	vpop (erf);
	(erf) = vrcp.f32 v7  }
0x38c: {  	v2 =	vadd.f32 $1.000000000e+00, v2;
	(erf) = vpow2.f32 v1;
	v1 =	vpop (erf)  }
0x38d: {  	v0 =	vmul.f32 $1.442695020e+00, v0;
	v7 =	vpop (erf)  }
0x38e: {  	v13 =	vpop (erf)  }
0x38f: {  	v14 =	vpop (erf);
	(erf) = vrcp.f32 v2  }
0x390: {  	v2 =	vpop (erf);
	(erf) = vpow2.f32 v0  }
0x391: {  	[tilespmem:s1+$0x10] =	vst v9;
	v9 =	vadd.f32 $1.000000000e+00, v10;
	v0 =	vpop (erf)  }
0x392: {  	v11 =	vadd.f32 $1.000000000e+00, v11;
	v15 =	vpop (erf)  }
0x393: {  	[tilespmem:s1+$0xFFFFFFC0] =	vst v3;
	v10 =	vpop (erf)  }
0x394: {  	[tilespmem:s1+$0x30] =	vst v8;
	v1 =	vadd.f32 $1.000000000e+00, v1;
	(erf) = vrcp.f32 v11;
	v3 =	vpop (erf)  }
0x395: {  	v8 =	vadd.f32 $1.000000000e+00, v56;
	[tilespmem:s1+$0x0] =	vst v4;
	v4 =	vadd.f32 $1.000000000e+00, v14;
	(erf) = vrcp.f32 v9;
	v9 =	vpop (erf)  }
0x396: {  	[tilespmem:s1+$0xFFFFFFF0] =	vst v6;
	(erf) = vrcp.f32 v1;
	v1 =	vadd.f32 $1.000000000e+00, v9  }
0x397: {  	[tilespmem:s0+$0xFFFFFFE0] =	vst v5;
	(erf) = vrcp.f32 v8  }
0x398: {  	[tilespmem:s0+$0x20] =	vst v13;
	v0 =	vadd.f32 $1.000000000e+00, v0;
	(erf) = vrcp.f32 v1;
	v5 =	vpop (erf)  }
0x399: {  	[tilespmem:s0+$0xFFFFFFC0] =	vst v2;
	v1 =	vadd.f32 $1.000000000e+00, v7;
	(erf) = vrcp.f32 v4;
	v4 =	vpop (erf)  }
0x39a: {  	[tilespmem:s0+$0xFFFFFFD0] =	vst v15;
	(erf) = vrcp.f32 v0;
	v0 =	vadd.f32 $1.000000000e+00, v4  }
0x39b: {  	[tilespmem:s0+$0x10] =	vst v10;
	(erf) = vrcp.f32 v1  }
0x39c: {  	[tilespmem:s0+$0xFFFFFFF0] =	vst v3;
	(erf) = vrcp.f32 v0  }
0x39d: {  	[tilespmem:s0+$0x30] =	vst v5;
	v1 =	vpop (erf)  }
0x39e: {  	[tilespmem:s4+$0xFFFFFFE0] =	vst v1;
	v0 =	vpop (erf)  }
0x39f: {  	[tilespmem:s0+$0x0] =	vst v0;
	v0 =	vpop (erf)  }
0x3a0: {  	v1 =	vpop (erf);
	[tilespmem:s4+$0x20] =	vst v0  }
0x3a1: {  	v0 =	vpop (erf);
	[tilespmem:s4+$0xFFFFFFC0] =	vst v1  }
0x3a2: {  	[tilespmem:s4+$0xFFFFFFD0] =	vst v0;
	v0 =	vpop (erf)  }
0x3a3: {  	[tilespmem:s4+$0x10] =	vst v0;
	v0 =	vpop (erf)  }
0x3a4: {  	v1 =	vpop (erf);
	[tilespmem:s4+$0xFFFFFFF0] =	vst v0  }
0x3a5: {  	[tilespmem:s4+$0x30] =	vst v1;
	v0 =	vpop (erf)  }
0x3a6: {  	[tilespmem:s4+$0x0] =	vst v0  }
0x3a7: {  	[hbm4b:s19+s3] =	stream.linear.scatter [tilespmem:s26], [sflag:$0x3], $0x3200, $0x38;
	[tilespmem:$0x1C800] =	vst v63  }
0x3a8: {  	_ =	swait.ge [sflag:s29], $0x3200  }
0x3a9: {  	[sflag:s29] =	ssyncset.done $0x0  }
0x3aa: {  	s1 =	simm.s32 $0x9640;
	[sflag:s29] =	ssyncadd.s32 $0xFFFFCE00  }
0x3ab: {  	v0 =	vld [tilespmem:s1+$0xFFFFFFC0]  }
0x3ac: {  	v1 =	vld [tilespmem:s1+$0xFFFFFFE0];
	_ =	sdelay $0x2  }
0x3ad: {  	v2 =	vld [tilespmem:s1+$0x20]  }
0x3ae: {  	v3 =	vld [tilespmem:s1+$0x30];
	v0 =	vsub.f32 $0.0e+00, v0  }
0x3af: {  	v5 =	vld [tilespmem:s1+$0xFFFFFFF0];
	v1 =	vsub.f32 $0.0e+00, v1  }
0x3b0: {  	v4 =	vld [tilespmem:s1+$0x10];
	v0 =	vmul.f32 $1.442695020e+00, v0  }
0x3b1: {  	v1 =	vmul.f32 $1.442695020e+00, v1  }
0x3b2: {  	s0 =	simm.s32 $0x96C0;
	v6 =	vld [tilespmem:s1+$0xFFFFFFD0];
	(erf) = vpow2.f32 v0;
	v0 =	vsub.f32 $0.0e+00, v2  }
0x3b3: {  	v7 =	vld [tilespmem:s0+$0x30];
	v2 =	vsub.f32 $0.0e+00, v3;
	(erf) = vpow2.f32 v1  }
0x3b4: {  	v5 =	vsub.f32 $0.0e+00, v5;
	v1 =	vld [tilespmem:s1+$0x0];
	v0 =	vmul.f32 $1.442695020e+00, v0  }
0x3b5: {  	v3 =	vsub.f32 $0.0e+00, v4;
	v4 =	vld [tilespmem:s0+$0xFFFFFFC0];
	v2 =	vmul.f32 $1.442695020e+00, v2  }
0x3b6: {  	v5 =	vmul.f32 $1.442695020e+00, v5;
	(erf) = vpow2.f32 v0;
	v0 =	vld [tilespmem:s0+$0xFFFFFFE0]  }
0x3b7: {  	v6 =	vsub.f32 $0.0e+00, v6;
	v3 =	vmul.f32 $1.442695020e+00, v3;
	(erf) = vpow2.f32 v2;
	v2 =	vld [tilespmem:s0+$0x20];
	_ =	sdelay $0x1  }
0x3b8: {  	v6 =	vmul.f32 $1.442695020e+00, v6;
	v1 =	vsub.f32 $0.0e+00, v1;
	(erf) = vpow2.f32 v3  }
0x3b9: {  	v3 =	vsub.f32 $0.0e+00, v4;
	(erf) = vpow2.f32 v5  }
0x3ba: {  	v4 =	vld [tilespmem:s0+$0x10];
	v1 =	vmul.f32 $1.442695020e+00, v1;
	(erf) = vpow2.f32 v6;
	v5 =	vpop (erf);
	v0 =	vsub.f32 $0.0e+00, v0  }
0x3bb: {  	v9 =	vld [tilespmem:s0+$0x0];
	v7 =	vsub.f32 $0.0e+00, v7;
	v3 =	vmul.f32 $1.442695020e+00, v3;
	v8 =	vpop (erf);
	v2 =	vsub.f32 $0.0e+00, v2  }
0x3bc: {  	v6 =	vld [tilespmem:s0+$0xFFFFFFF0];
	(erf) = vpow2.f32 v1;
	v8 =	vadd.f32 $1.000000000e+00, v8;
	v0 =	vmul.f32 $1.442695020e+00, v0  }
0x3bd: {  	v7 =	vmul.f32 $1.442695020e+00, v7;
	(erf) = vpow2.f32 v3  }
0x3be: {  	s4 =	simm.s32 $0x9740;
	v2 =	vmul.f32 $1.442695020e+00, v2;
	(erf) = vrcp.f32 v8  }
0x3bf: {  	v10 =	vld [tilespmem:s4+$0xFFFFFFC0];
	v4 =	vsub.f32 $0.0e+00, v4;
	v3 =	vpop (erf);
	(erf) = vpow2.f32 v0  }
0x3c0: {  	v3 =	vadd.f32 $1.000000000e+00, v3;
	v0 =	vpop (erf);
	(erf) = vpow2.f32 v2;
	v2 =	vsub.f32 $0.0e+00, v9;
	v9 =	vld [tilespmem:s4+$0xFFFFFFE0]  }
0x3c1: {  	v1 =	vld [tilespmem:s0+$0xFFFFFFD0];
	v6 =	vsub.f32 $0.0e+00, v6;
	v4 =	vmul.f32 $1.442695020e+00, v4;
	v8 =	vpop (erf);
	(erf) = vpow2.f32 v7  }
0x3c2: {  	v11 =	vld [tilespmem:s4+$0x30];
	v5 =	vadd.f32 $1.000000000e+00, v5;
	v7 =	vpop (erf);
	(erf) = vrcp.f32 v3  }
0x3c3: {  	v3 =	vmul.f32 $1.442695020e+00, v6;
	v6 =	vadd.f32 $1.000000000e+00, v8;
	v8 =	vpop (erf);
	(erf) = vpow2.f32 v4  }
0x3c4: {  	v60 =	vld [tilespmem:s4+$0xFFFFFFD0];
	v10 =	vsub.f32 $0.0e+00, v10;
	v4 =	vadd.f32 $1.000000000e+00, v8;
	(erf) = vrcp.f32 v5  }
0x3c5: {  	v8 =	vld [tilespmem:s4+$0x20];
	(erf) = vpow2.f32 v3;
	v3 =	vmul.f32 $1.442695020e+00, v2;
	v2 =	vsub.f32 $0.0e+00, v9  }
0x3c6: {  	v1 =	vsub.f32 $0.0e+00, v1;
	v5 =	vadd.f32 $1.000000000e+00, v7;
	v7 =	vpop (erf);
	v9 =	vld [tilespmem:s4+$0xFFFFFFF0]  }
0x3c7: {  	v58 =	vpop (erf);
	(erf) = vrcp.f32 v4;
	v16 =	vmul.f32 $1.442695020e+00, v2;
	v2 =	vsub.f32 $0.0e+00, v11  }
0x3c8: {  	v57 =	vld [tilespmem:s4+$0x10];
	v1 =	vmul.f32 $1.442695020e+00, v1;
	v4 =	vpop (erf);
	(erf) = vrcp.f32 v6  }
0x3c9: {  	v59 =	vld [tilespmem:s4+$0x0];
	v62 =	vsub.f32 $0.0e+00, v60;
	v0 =	vadd.f32 $1.000000000e+00, v0;
	v11 =	vpop (erf);
	(erf) = vrcp.f32 v5  }
0x3ca: {  	v5 =	vmul.f32 $1.442695020e+00, v10;
	v8 =	vsub.f32 $0.0e+00, v8;
	(erf) = vpow2.f32 v1;
	v10 =	vpop (erf)  }
0x3cb: {  	v6 =	vmul.f32 $1.442695020e+00, v2;
	v9 =	vsub.f32 $0.0e+00, v9;
	v2 =	vpop (erf);
	(erf) = vrcp.f32 v0  }
0x3cc: {  	v7 =	vadd.f32 $1.000000000e+00, v7;
	v1 =	vadd.f32 $1.000000000e+00, v11;
	(erf) = vpow2.f32 v3;
	v11 =	vpop (erf)  }
0x3cd: {  	v17 =	vmul.f32 $1.442695020e+00, v8;
	v8 =	vsub.f32 $0.0e+00, v57;
	(erf) = vpow2.f32 v5;
	v61 =	vpop (erf)  }
0x3ce: {  	v0 =	vsub.f32 $0.0e+00, v59;
	v5 =	vmul.f32 $1.442695020e+00, v9;
	(erf) = vrcp.f32 v1;
	v3 =	vpop (erf)  }
0x3cf: {  	v8 =	vmul.f32 $1.442695020e+00, v8;
	[tilespmem:s1+$0x20] =	vst v11;
	v11 =	vadd.f32 $1.000000000e+00, v10;
	v9 =	vpop (erf);
	(erf) = vrcp.f32 v7  }
0x3d0: {  	[tilespmem:s1+$0xFFFFFFE0] =	vst v4;
	v10 =	vadd.f32 $1.000000000e+00, v58;
	v4 =	vadd.f32 $1.000000000e+00, v61;
	(erf) = vpow2.f32 v16;
	v63 =	vpop (erf)  }
0x3d1: {  	s5 =	simm.s32 $0x100;
	s6 =	simm.s32 $0x97C0;
	v1 =	vmul.f32 $1.442695020e+00, v62;
	v7 =	vadd.f32 $1.000000000e+00, v9;
	(erf) = vpow2.f32 v17;
	[tilespmem:s1+$0xFFFFFFD0] =	vst v63;
	v9 =	vpop (erf)  }
.LBB2_32:
0x3d2: {  	v12 =	vld [tilespmem:s6+$0xFFFFFFE0];
	s5 =	sadd.s32 $0x80, s5;
	(erf) = vpow2.f32 v6;
	v13 =	vadd.f32 $1.000000000e+00, v2;
	[tilespmem:s1+$0x10] =	vst v9;
	v2 =	vpop (erf)  }
0x3d3: {  	v6 =	vld [tilespmem:s6+$0xFFFFFFC0];
	p0 =	slt.u32 s5, $0x3180;
	v9 =	vpop (erf);
	(erf) = vrcp.f32 v11  }
0x3d4: {  	v11 =	vld [tilespmem:s6+$0x30];
	(erf) = vpow2.f32 v8;
	v15 =	vadd.f32 $1.000000000e+00, v9;
	[tilespmem:s1+$0xFFFFFFC0] =	vst v3;
	v3 =	vpop (erf)  }
0x3d5: {  	v9 =	vld [tilespmem:s6+$0x20];
	(erf) = vrcp.f32 v10;
	v10 =	vpop (erf);
	[tilespmem:s1+$0x30] =	vst v3  }
0x3d6: {  	v0 =	vmul.f32 $1.442695020e+00, v0;
	v3 =	vld [tilespmem:s6+$0x10];
	v14 =	vpop (erf);
	(erf) = vpow2.f32 v5;
	v10 =	vadd.f32 $1.000000000e+00, v10  }
0x3d7: {  	v5 =	vsub.f32 $0.0e+00, v12;
	v12 =	vld [tilespmem:s6+$0xFFFFFFF0];
	(erf) = vrcp.f32 v15;
	v8 =	vpop (erf)  }
0x3d8: {  	v6 =	vsub.f32 $0.0e+00, v6;
	v15 =	vld [tilespmem:s6+$0x0];
	(erf) = vrcp.f32 v4;
	[tilespmem:s1+$0xFFFFFFF0] =	vst v2;
	v2 =	vpop (erf)  }
0x3d9: {  	v4 =	vld [tilespmem:s6+$0xFFFFFFD0];
	v16 =	vmul.f32 $1.442695020e+00, v5;
	v5 =	vsub.f32 $0.0e+00, v11;
	v11 =	vpop (erf);
	(erf) = vrcp.f32 v7;
	[tilespmem:s1+$0x0] =	vst v2;
	s1 =	smov.u32 s0;
	s0 =	smov.u32 s4;
	s4 =	smov.u32 s6  }
0x3da: {  	v18 =	vmul.f32 $1.442695020e+00, v6;
	v9 =	vsub.f32 $0.0e+00, v9;
	(erf) = vpow2.f32 v1;
	v17 =	vpop (erf);
	[tilespmem:s1+$0xFFFFFFE0] =	vst v8  }
0x3db: {  	v1 =	vadd.f32 $1.000000000e+00, v11;
	v6 =	vmul.f32 $1.442695020e+00, v5;
	v2 =	vpop (erf);
	(erf) = vrcp.f32 v13  }
0x3dc: {  	v5 =	vsub.f32 $0.0e+00, v12;
	v9 =	vmul.f32 $1.442695020e+00, v9;
	(erf) = vpow2.f32 v0;
	v8 =	vpop (erf)  }
.Ltmp15:
0x3dd: {  	v11 =	vsub.f32 $0.0e+00, v3;
	v0 =	vsub.f32 $0.0e+00, v15;
	(erf) = vpow2.f32 v18;
	v7 =	vpop (erf);
	[tilespmem:s1+$0x20] =	vst v8;
	(pc) =	sbr.rel @p0 .LBB2_32-.Ltmp15, $4  }
0x3de: {  	v13 =	vsub.f32 $0.0e+00, v4;
	v5 =	vmul.f32 $1.442695020e+00, v5;
	(erf) = vrcp.f32 v1;
	v3 =	vpop (erf)  }
0x3df: {  	v8 =	vmul.f32 $1.442695020e+00, v11;
	v4 =	vadd.f32 $1.000000000e+00, v7;
	v7 =	vpop (erf);
	(erf) = vrcp.f32 v10  }
0x3e0: {  	v11 =	vadd.f32 $1.000000000e+00, v17;
	v1 =	vmul.f32 $1.442695020e+00, v13;
	(erf) = vpow2.f32 v16;
	v12 =	vpop (erf)  }
0x3e1: {  	s6 =	sadd.s32 $0x80, s6;
	v10 =	vadd.f32 $1.000000000e+00, v14;
	v7 =	vadd.f32 $1.000000000e+00, v7;
	(erf) = vpow2.f32 v9;
	[tilespmem:s1+$0xFFFFFFD0] =	vst v12;
	v9 =	vpop (erf)  }
0x3e2: {  	(erf) = vpow2.f32 v6;
	v32 =	vpop (erf)  }
0x3e3: {  	v12 =	vpop (erf);
	(erf) = vrcp.f32 v11  }
0x3e4: {  	(erf) = vpow2.f32 v8;
	v33 =	vpop (erf)  }
0x3e5: {  	v34 =	vadd.f32 $1.000000000e+00, v12;
	(erf) = vrcp.f32 v10;
	v35 =	vpop (erf)  }
0x3e6: {  	v36 =	vpop (erf);
	(erf) = vpow2.f32 v5  }
0x3e7: {  	(erf) = vrcp.f32 v34;
	v37 =	vpop (erf)  }
0x3e8: {  	(erf) = vrcp.f32 v4;
	v38 =	vpop (erf)  }
0x3e9: {  	v39 =	vpop (erf);
	(erf) = vrcp.f32 v7  }
0x3ea: {  	(erf) = vpow2.f32 v1;
	v40 =	vpop (erf)  }
0x3eb: {  	v2 =	vadd.f32 $1.000000000e+00, v2;
	v41 =	vpop (erf)  }
0x3ec: {  	v0 =	vmul.f32 $1.442695020e+00, v0;
	v13 =	vpop (erf)  }
0x3ed: {  	(erf) = vrcp.f32 v2;
	v14 =	vpop (erf)  }
0x3ee: {  	(erf) = vpow2.f32 v0;
	v42 =	vpop (erf)  }
0x3ef: {  	v11 =	vadd.f32 $1.000000000e+00, v39;
	v43 =	vpop (erf)  }
0x3f0: {  	[tilespmem:s1+$0x10] =	vst v9;
	v15 =	vpop (erf)  }
0x3f1: {  	[tilespmem:s1+$0xFFFFFFC0] =	vst v3;
	v44 =	vadd.f32 $1.000000000e+00, v35;
	(erf) = vrcp.f32 v11;
	v45 =	vpop (erf)  }
0x3f2: {  	[tilespmem:s1+$0xFFFFFFF0] =	vst v32;
	v1 =	vadd.f32 $1.000000000e+00, v40;
	v46 =	vpop (erf)  }
0x3f3: {  	[tilespmem:s1+$0x30] =	vst v33;
	v47 =	vadd.f32 $1.000000000e+00, v36;
	(erf) = vrcp.f32 v44;
	v48 =	vpop (erf)  }
0x3f4: {  	[tilespmem:s0+$0xFFFFFFE0] =	vst v37;
	(erf) = vrcp.f32 v1;
	v49 =	vadd.f32 $1.000000000e+00, v48  }
0x3f5: {  	[tilespmem:s1+$0x0] =	vst v38;
	v50 =	vadd.f32 $1.000000000e+00, v14;
	(erf) = vrcp.f32 v47  }
0x3f6: {  	[tilespmem:s0+$0x20] =	vst v13;
	v0 =	vadd.f32 $1.000000000e+00, v43;
	v52 =	vpop (erf);
	(erf) = vrcp.f32 v49  }
0x3f7: {  	v51 =	vadd.f32 $1.000000000e+00, v41;
	[tilespmem:s0+$0xFFFFFFC0] =	vst v42;
	v53 =	vpop (erf);
	(erf) = vrcp.f32 v50  }
0x3f8: {  	[tilespmem:s0+$0xFFFFFFD0] =	vst v15;
	v54 =	vadd.f32 $1.000000000e+00, v53;
	(erf) = vrcp.f32 v0  }
0x3f9: {  	[tilespmem:s0+$0x10] =	vst v45;
	(erf) = vrcp.f32 v51  }
0x3fa: {  	[tilespmem:s0+$0xFFFFFFF0] =	vst v46;
	v55 =	vpop (erf);
	(erf) = vrcp.f32 v54  }
0x3fb: {  	[tilespmem:s0+$0x30] =	vst v52  }
0x3fc: {  	v56 =	vpop (erf);
	[tilespmem:s4+$0xFFFFFFE0] =	vst v55  }
0x3fd: {  	[tilespmem:s0+$0x0] =	vst v56;
	v57 =	vpop (erf)  }
0x3fe: {  	v58 =	vpop (erf);
	[tilespmem:s4+$0x20] =	vst v57  }
0x3ff: {  	[tilespmem:s4+$0xFFFFFFC0] =	vst v58;
	v59 =	vpop (erf)  }
0x400: {  	[tilespmem:s4+$0xFFFFFFD0] =	vst v59;
	v60 =	vpop (erf)  }
0x401: {  	[tilespmem:s4+$0x10] =	vst v60;
	v61 =	vpop (erf)  }
0x402: {  	v62 =	vpop (erf);
	[tilespmem:s4+$0xFFFFFFF0] =	vst v61  }
0x403: {  	[tilespmem:s4+$0x30] =	vst v62;
	v63 =	vpop (erf)  }
0x404: {  	s31 =	sadd.s32 $0x1, s31;
	[tilespmem:s4+$0x0] =	vst v63  }
0x405: {  	[hbm4b:s20+s3] =	stream.linear.scatter [tilespmem:s28], [sflag:$0x3], $0x3200, $0x38;
	[tilespmem:$0x1C800] =	vst v63  }
0x406: {  	p0 =	sne.s32 s31, s21;
	_ =	swait.ge [sflag:s30], $0x3200  }
.Ltmp16:
0x407: {  	[sflag:s30] =	ssyncset.done $0x0;
	(pc) =	sbr.rel @p0 .LBB2_1-.Ltmp16, $4  }
0x408: {  	[sflag:s30] =	ssyncadd.s32 $0xFFFFCE00  }
0x409: {  	_ =	swait.ge [sflag:s30], $0x3200  }
0x40a: {  	[sflag:s30] =	ssyncset.done $0x0  }
0x40b: {  	[sflag:s30] =	ssyncadd.s32 $0xFFFFCE00  }
0x40c: {  	_ =	sfence.sel $0x180000  }
0x40d: {  	[bflag:$0x0] =	sbarrier.arrive $0xFFFF  }
0x40e: {  	_ =	strace $0x90000047  }
0x40f: {  	s0 =	stileid.u32;
	[bflag:$0x2] =	sbarrier.arrive $0xFFFF  }
0x410: {  	p0 =	sne.s32 s0, $0x0;
	s0 =	rddreg [dreg:$0x3]  }
0x411: {  	s0 =	sadd.s32 @!p0 $0x100000, s0  }
0x412: {  	[sflag:s0] =	ssyncadd.tile.s32 @!p0 $0x1;
	_ =	shalt  }
.Lfunc_end2:
_tile_overlayer_lowered:
.L_overlay_start_2:
0x413: {  	(tag) =	ssettag $0x2  }
0x414: {  	s0 =	rddreg [dreg:$0x0];
	s2 =	stileid.u32  }
0x415: {  	s1 =	rddreg [dreg:$0x1];
	p0 =	sne.s32 s2, $0x0  }
0x416: {  	s3 =	rddreg [dreg:$0x2];
	[bflag:$0x3] =	sbarrier.arrive $0xFFFF;
	s2 =	simm.s32 @!p0 $0x1C04  }
0x417: {  	[timem:s3], [sflag:s2] =	dma.local @!p0 [hbm:s0], s1  }
0x418: {  	s0 =	simm.s32 @!p0 $0x4  }
0x419: {  	_ =	swait.ge @!p0 [sflag:s0], s1  }
0x41a: {  	s1 =	ssub.s32 @!p0 $0x0, s1;
	[sflag:s0] =	ssyncset.done @!p0 $0x0  }
0x41b: {  	[sflag:s0] =	ssyncadd.s32 @!p0 s1  }
0x41c: {  	[bflag:$0x3] =	sbarrier.arrive $0xFFFF  }
0x41d: {  	_ =	shalt  }

</sc_bundles>
